<compile_context>
chip_gen: v7x
topology: tpu7x:2x2x1
jax: 0.10.2.dev20260603
libtpu: 0.0.44.dev20260713+nightly
codegen_flags: <defaults>
</compile_context>

<pallas_src>
import functools

import jax
import jax.numpy as jnp
from jax import lax
from jax.experimental import pallas as pl
from jax.experimental.pallas import tpu as pltpu
from jax.experimental.pallas import tpu_sc as plsc

_B = 32
_H = 12
_L = 577
_C = 768
_NP = _L - 1
_NV = _NP // 16
_DROP = 32
_KEEP_TOTAL = _L - _DROP
_PAD = 640

_LANES = 16


def _vsort(v):
    return plsc.sort_key_val(v, v)[0]


def _merge_lo(a, b):
    rb = lax.rev(b, (0,))
    return _vsort(jnp.minimum(a, rb))


def _merge_both(a, b):
    rb = lax.rev(b, (0,))
    lo = jnp.minimum(a, rb)
    hi = jnp.maximum(a, rb)
    return _vsort(lo), _vsort(hi)


def _mean_body(attn_ref, cls_ref, pad_ref):
    acc = attn_ref[0, 0, :, :]
    for h in range(1, _H):
        acc = acc + attn_ref[h, 0, :, :]
    m = acc * jnp.float32(1.0 / _H)
    cls_ref[...] = m[:, 1:]
    pad_ref[:, pl.ds(0, _NP)] = m[:, 1:]
    pad_ref[:, pl.ds(_NP, _PAD - _NP)] = jnp.zeros((_B, _PAD - _NP),
                                                   jnp.float32)


def _tc_mean(attn):
    attn_t = jnp.transpose(attn, (1, 2, 0, 3))
    return pl.pallas_call(
        _mean_body,
        grid=(1,),
        in_specs=[pl.BlockSpec((_H, 1, _B, _L), lambda i: (0, 0, 0, 0))],
        out_specs=[
            pl.BlockSpec((_B, _NP), lambda i: (0, 0)),
            pl.BlockSpec((_B, _PAD), lambda i: (0, 0)),
        ],
        out_shape=[
            jax.ShapeDtypeStruct((_B, _NP), jnp.float32),
            jax.ShapeDtypeStruct((_B, _PAD), jnp.float32),
        ],
    )(attn_t)


def _sc_select(cls_pad):
    mesh = plsc.VectorSubcoreMesh(
        core_axis_name="c", subcore_axis_name="s", num_cores=2, num_subcores=16
    )

    @functools.partial(
        pl.kernel,
        out_type=jax.ShapeDtypeStruct((_B, _PAD), jnp.int32),
        mesh=mesh,
        compiler_params=pltpu.CompilerParams(needs_layout_passes=False),
        scratch_types=[
            pltpu.VMEM((_PAD,), jnp.float32),
            pltpu.VMEM((_PAD,), jnp.int32),
            pltpu.SemaphoreType.DMA,
        ],
    )
    def k(cls_hbm, idx_hbm, cls_v, idx_v, sem):
        b = lax.axis_index("s") * 2 + lax.axis_index("c")
        pltpu.async_copy(cls_hbm.at[b], cls_v, sem).wait()

        vals = [cls_v[pl.ds(16 * i, 16)] for i in range(_NV)]

        s0, s1 = _merge_both(_vsort(vals[0]), _vsort(vals[1]))
        for i in range(2, _NV):
            c_sorted = _vsort(vals[i])
            m_lo = _merge_lo(s1, c_sorted)
            s0, s1 = _merge_both(s0, m_lo)
        t = jnp.max(s1)
        t_vec = jnp.broadcast_to(t, (_LANES,))

        lt_acc = jnp.zeros((_LANES,), jnp.int32)
        eq_acc = jnp.zeros((_LANES,), jnp.int32)
        one = jnp.ones((_LANES,), jnp.int32)
        zero = jnp.zeros((_LANES,), jnp.int32)
        for i in range(_NV):
            v = vals[i]
            lt_acc = lt_acc + jnp.where(v < t_vec, one, zero)
            eq_acc = eq_acc + jnp.where(v == t_vec, one, zero)
        c_lt = jnp.sum(lt_acc)
        m_eq = jnp.sum(eq_acc)
        keep_ties = m_eq - (jnp.int32(_DROP) - c_lt)
        keep_ties_vec = jnp.broadcast_to(keep_ties, (_LANES,))

        idx_v[pl.ds(0, 16)] = zero
        pos = jnp.int32(1)
        q_run = jnp.int32(0)
        base_iota = lax.iota(jnp.int32, _LANES)
        for i in range(_NV):
            v = vals[i]
            eq = v == t_vec
            eq_i32 = jnp.where(eq, one, zero)
            cum = plsc.cumsum(eq_i32) + jnp.broadcast_to(q_run, (_LANES,))
            kept = (v > t_vec) | (eq & (cum <= keep_ties_vec))
            idx = base_iota + jnp.int32(16 * i + 1)
            plsc.store_compressed(idx_v.at[pl.ds(pos, 16)], idx, mask=kept)
            pos = pos + jnp.sum(jnp.where(kept, one, zero))
            q_run = q_run + jnp.sum(eq_i32)

        pltpu.sync_copy(idx_v, idx_hbm.at[b])

    return k(cls_pad)


def _pack_body(idx_ref, out_ref):
    out_ref[...] = idx_ref[:, : _KEEP_TOTAL]


def _tc_pack(idx_pad):
    return pl.pallas_call(
        _pack_body,
        grid=(_B // 8,),
        in_specs=[pl.BlockSpec((8, _PAD), lambda i: (i, 0))],
        out_specs=pl.BlockSpec((8, _KEEP_TOTAL), lambda i: (i, 0)),
        out_shape=jax.ShapeDtypeStruct((_B, _KEEP_TOTAL), jnp.int32),
    )(idx_pad)


def kernel(x, attn):
    cls_attn, cls_pad = _tc_mean(attn)
    idx_pad = _sc_select(cls_pad)
    full_indices = _tc_pack(idx_pad)
    return (x, full_indices, cls_attn, _L - _DROP)

# --- scband reference (transcript-rebuilt; emitter-appended) ---
"""Pipeline reference for scband-token-selector-9594956939678 (READ-ONLY COPY).

The authoritative reference and input builder live on the scoring server;
editing this copy changes nothing except your own understanding.
"""

import jax, jax.numpy as jnp
import numpy as np

PREFIX_TOKEN = 1
REDUCE_TOKEN = 32

def setup_inputs(seed: int = 0) -> dict:
    key = jax.random.key(seed)
    k1, k2 = jax.random.split(key)
    x = jax.random.normal(k1, (32, 577, 768), dtype=jnp.float32)
    attn = jax.random.uniform(k2, (32, 12, 577, 577), dtype=jnp.float32)
    return {"x": x, "attn": attn}

def reference(x, attn):
    B, L, C = x.shape
    tokens_to_keep = L - REDUCE_TOKEN
    non_prefix_to_keep = tokens_to_keep - PREFIX_TOKEN
    # cls token attention to all non-prefix tokens, averaged over heads
    cls_attn = attn[:, :, 0, PREFIX_TOKEN:]          # (B, H, L - prefix)
    cls_attn = cls_attn.mean(axis=1)                  # (B, L - prefix)
    # top-k selection (largest=True; sorted flag irrelevant for correctness of the set)
    _, idx_rel = jax.lax.top_k(cls_attn, non_prefix_to_keep)
    idx_abs = idx_rel + PREFIX_TOKEN
    prefix_indices = jnp.broadcast_to(jnp.arange(PREFIX_TOKEN, dtype=idx_abs.dtype)[None, :], (B, PREFIX_TOKEN))
    full_indices = jnp.concatenate([prefix_indices, idx_abs], axis=1)
    full_indices = jnp.sort(full_indices, axis=1)
    return (x, full_indices, cls_attn, tokens_to_keep)

if __name__ == "__main__":
    import jax
    _d = setup_inputs()
    print(jax.jit(kernel)(*tuple(_d.values())))

</pallas_src>

<mosaic_0001>
#map = affine_map<(d0, d1) -> (0, 0)>
module attributes {stable_mosaic.version = 14 : i64} {
  func.func @k(%arg0: i32, %arg1: i32, %arg2: memref<32x640xf32, #tpu.memory_space<hbm>>, %arg3: memref<32x640xi32, #tpu.memory_space<hbm>>, %arg4: memref<640xf32, #tpu.memory_space<vmem>>, %arg5: memref<640xi32, #tpu.memory_space<vmem>>, %arg6: memref<!tpu.dma_semaphore, #tpu.memory_space<semaphore_mem>>) attributes {dimension_semantics = [#tpu.dimension_semantics<core_parallel>, #tpu.dimension_semantics<subcore_parallel>], iteration_bounds = array<i64: 2, 16>, scalar_prefetch = 0 : i64, scratch_operands = 3 : i64, tpu.core_type = #tpu.core_type<sc_vector_subcore>, window_params = [{transform_indices = #map}, {transform_indices = #map}]} {
    %mul3A = arith.constant 2 : i32
    %mul3A_0 = arith.muli %arg1, %mul3A : i32
    %add3A = arith.addi %mul3A_0, %arg0 : i32
    %dma_start3A = arith.constant 0 : i32
    %dma_start3A_1 = tpu.memref_slice %arg2[%add3A, %dma_start3A] : memref<32x640xf32, #tpu.memory_space<hbm>> -> memref<1x640xf32, #tpu.memory_space<hbm>>
    %dma_start3A_2 = tpu.memref_squeeze %dma_start3A_1 : memref<1x640xf32, #tpu.memory_space<hbm>> -> memref<640xf32, #tpu.memory_space<hbm>>
    %dma_start3A_3 = arith.constant 0 : i32
    %dma_start3A_4 = tpu.memref_slice %arg2[%add3A, %dma_start3A_3] : memref<32x640xf32, #tpu.memory_space<hbm>> -> memref<1x640xf32, #tpu.memory_space<hbm>>
    %dma_start3A_5 = tpu.memref_squeeze %dma_start3A_4 : memref<1x640xf32, #tpu.memory_space<hbm>> -> memref<640xf32, #tpu.memory_space<hbm>>
    tpu.enqueue_dma source(%dma_start3A_5 : memref<640xf32, #tpu.memory_space<hbm>>) target(%arg4 : memref<640xf32, #tpu.memory_space<vmem>>) target_semaphore(%arg6 : memref<!tpu.dma_semaphore, #tpu.memory_space<semaphore_mem>>)
    %dma_wait3A = arith.constant 0 : i32
    %dma_wait3A_6 = tpu.memref_slice %arg2[%add3A, %dma_wait3A] : memref<32x640xf32, #tpu.memory_space<hbm>> -> memref<1x640xf32, #tpu.memory_space<hbm>>
    %dma_wait3A_7 = tpu.memref_squeeze %dma_wait3A_6 : memref<1x640xf32, #tpu.memory_space<hbm>> -> memref<640xf32, #tpu.memory_space<hbm>>
    %dma_wait3A_8 = arith.constant 0 : i32
    %dma_wait3A_9 = tpu.memref_slice %arg2[%add3A, %dma_wait3A_8] : memref<32x640xf32, #tpu.memory_space<hbm>> -> memref<1x640xf32, #tpu.memory_space<hbm>>
    %dma_wait3A_10 = tpu.memref_squeeze %dma_wait3A_9 : memref<1x640xf32, #tpu.memory_space<hbm>> -> memref<640xf32, #tpu.memory_space<hbm>>
    tpu.wait_dma2 semaphore(%arg6 : memref<!tpu.dma_semaphore, #tpu.memory_space<semaphore_mem>>) src(%dma_wait3A_10 : memref<640xf32, #tpu.memory_space<hbm>>) dst(%arg4 : memref<640xf32, #tpu.memory_space<vmem>>)
    %get3A = arith.constant 0 : index
    %get3A_11 = tpu.vector_load %arg4[%get3A] {strides = array<i32>} : memref<640xf32, #tpu.memory_space<vmem>>, vector<16xf32>,
    %get3A_12 = arith.constant 16 : index
    %get3A_13 = tpu.vector_load %arg4[%get3A_12] {strides = array<i32>} : memref<640xf32, #tpu.memory_space<vmem>>, vector<16xf32>,
    %get3A_14 = arith.constant 32 : index
    %get3A_15 = tpu.vector_load %arg4[%get3A_14] {strides = array<i32>} : memref<640xf32, #tpu.memory_space<vmem>>, vector<16xf32>,
    %get3A_16 = arith.constant 48 : index
    %get3A_17 = tpu.vector_load %arg4[%get3A_16] {strides = array<i32>} : memref<640xf32, #tpu.memory_space<vmem>>, vector<16xf32>,
    %get3A_18 = arith.constant 64 : index
    %get3A_19 = tpu.vector_load %arg4[%get3A_18] {strides = array<i32>} : memref<640xf32, #tpu.memory_space<vmem>>, vector<16xf32>,
    %get3A_20 = arith.constant 80 : index
    %get3A_21 = tpu.vector_load %arg4[%get3A_20] {strides = array<i32>} : memref<640xf32, #tpu.memory_space<vmem>>, vector<16xf32>,
    %get3A_22 = arith.constant 96 : index
    %get3A_23 = tpu.vector_load %arg4[%get3A_22] {strides = array<i32>} : memref<640xf32, #tpu.memory_space<vmem>>, vector<16xf32>,
    %get3A_24 = arith.constant 112 : index
    %get3A_25 = tpu.vector_load %arg4[%get3A_24] {strides = array<i32>} : memref<640xf32, #tpu.memory_space<vmem>>, vector<16xf32>,
    %get3A_26 = arith.constant 128 : index
    %get3A_27 = tpu.vector_load %arg4[%get3A_26] {strides = array<i32>} : memref<640xf32, #tpu.memory_space<vmem>>, vector<16xf32>,
    %get3A_28 = arith.constant 144 : index
    %get3A_29 = tpu.vector_load %arg4[%get3A_28] {strides = array<i32>} : memref<640xf32, #tpu.memory_space<vmem>>, vector<16xf32>,
    %get3A_30 = arith.constant 160 : index
    %get3A_31 = tpu.vector_load %arg4[%get3A_30] {strides = array<i32>} : memref<640xf32, #tpu.memory_space<vmem>>, vector<16xf32>,
    %get3A_32 = arith.constant 176 : index
    %get3A_33 = tpu.vector_load %arg4[%get3A_32] {strides = array<i32>} : memref<640xf32, #tpu.memory_space<vmem>>, vector<16xf32>,
    %get3A_34 = arith.constant 192 : index
    %get3A_35 = tpu.vector_load %arg4[%get3A_34] {strides = array<i32>} : memref<640xf32, #tpu.memory_space<vmem>>, vector<16xf32>,
    %get3A_36 = arith.constant 208 : index
    %get3A_37 = tpu.vector_load %arg4[%get3A_36] {strides = array<i32>} : memref<640xf32, #tpu.memory_space<vmem>>, vector<16xf32>,
    %get3A_38 = arith.constant 224 : index
    %get3A_39 = tpu.vector_load %arg4[%get3A_38] {strides = array<i32>} : memref<640xf32, #tpu.memory_space<vmem>>, vector<16xf32>,
    %get3A_40 = arith.constant 240 : index
    %get3A_41 = tpu.vector_load %arg4[%get3A_40] {strides = array<i32>} : memref<640xf32, #tpu.memory_space<vmem>>, vector<16xf32>,
    %get3A_42 = arith.constant 256 : index
    %get3A_43 = tpu.vector_load %arg4[%get3A_42] {strides = array<i32>} : memref<640xf32, #tpu.memory_space<vmem>>, vector<16xf32>,
    %get3A_44 = arith.constant 272 : index
    %get3A_45 = tpu.vector_load %arg4[%get3A_44] {strides = array<i32>} : memref<640xf32, #tpu.memory_space<vmem>>, vector<16xf32>,
    %get3A_46 = arith.constant 288 : index
    %get3A_47 = tpu.vector_load %arg4[%get3A_46] {strides = array<i32>} : memref<640xf32, #tpu.memory_space<vmem>>, vector<16xf32>,
    %get3A_48 = arith.constant 304 : index
    %get3A_49 = tpu.vector_load %arg4[%get3A_48] {strides = array<i32>} : memref<640xf32, #tpu.memory_space<vmem>>, vector<16xf32>,
    %get3A_50 = arith.constant 320 : index
    %get3A_51 = tpu.vector_load %arg4[%get3A_50] {strides = array<i32>} : memref<640xf32, #tpu.memory_space<vmem>>, vector<16xf32>,
    %get3A_52 = arith.constant 336 : index
    %get3A_53 = tpu.vector_load %arg4[%get3A_52] {strides = array<i32>} : memref<640xf32, #tpu.memory_space<vmem>>, vector<16xf32>,
    %get3A_54 = arith.constant 352 : index
    %get3A_55 = tpu.vector_load %arg4[%get3A_54] {strides = array<i32>} : memref<640xf32, #tpu.memory_space<vmem>>, vector<16xf32>,
    %get3A_56 = arith.constant 368 : index
    %get3A_57 = tpu.vector_load %arg4[%get3A_56] {strides = array<i32>} : memref<640xf32, #tpu.memory_space<vmem>>, vector<16xf32>,
    %get3A_58 = arith.constant 384 : index
    %get3A_59 = tpu.vector_load %arg4[%get3A_58] {strides = array<i32>} : memref<640xf32, #tpu.memory_space<vmem>>, vector<16xf32>,
    %get3A_60 = arith.constant 400 : index
    %get3A_61 = tpu.vector_load %arg4[%get3A_60] {strides = array<i32>} : memref<640xf32, #tpu.memory_space<vmem>>, vector<16xf32>,
    %get3A_62 = arith.constant 416 : index
    %get3A_63 = tpu.vector_load %arg4[%get3A_62] {strides = array<i32>} : memref<640xf32, #tpu.memory_space<vmem>>, vector<16xf32>,
    %get3A_64 = arith.constant 432 : index
    %get3A_65 = tpu.vector_load %arg4[%get3A_64] {strides = array<i32>} : memref<640xf32, #tpu.memory_space<vmem>>, vector<16xf32>,
    %get3A_66 = arith.constant 448 : index
    %get3A_67 = tpu.vector_load %arg4[%get3A_66] {strides = array<i32>} : memref<640xf32, #tpu.memory_space<vmem>>, vector<16xf32>,
    %get3A_68 = arith.constant 464 : index
    %get3A_69 = tpu.vector_load %arg4[%get3A_68] {strides = array<i32>} : memref<640xf32, #tpu.memory_space<vmem>>, vector<16xf32>,
    %get3A_70 = arith.constant 480 : index
    %get3A_71 = tpu.vector_load %arg4[%get3A_70] {strides = array<i32>} : memref<640xf32, #tpu.memory_space<vmem>>, vector<16xf32>,
    %get3A_72 = arith.constant 496 : index
    %get3A_73 = tpu.vector_load %arg4[%get3A_72] {strides = array<i32>} : memref<640xf32, #tpu.memory_space<vmem>>, vector<16xf32>,
    %get3A_74 = arith.constant 512 : index
    %get3A_75 = tpu.vector_load %arg4[%get3A_74] {strides = array<i32>} : memref<640xf32, #tpu.memory_space<vmem>>, vector<16xf32>,
    %get3A_76 = arith.constant 528 : index
    %get3A_77 = tpu.vector_load %arg4[%get3A_76] {strides = array<i32>} : memref<640xf32, #tpu.memory_space<vmem>>, vector<16xf32>,
    %get3A_78 = arith.constant 544 : index
    %get3A_79 = tpu.vector_load %arg4[%get3A_78] {strides = array<i32>} : memref<640xf32, #tpu.memory_space<vmem>>, vector<16xf32>,
    %get3A_80 = arith.constant 560 : index
    %get3A_81 = tpu.vector_load %arg4[%get3A_80] {strides = array<i32>} : memref<640xf32, #tpu.memory_space<vmem>>, vector<16xf32>,
    %masked_sort3A = arith.constant dense<true> : vector<16xi1>
    %masked_sort3A_82, %masked_sort3A_83, %masked_sort3A_84 = tpu.sort %get3A_11, %get3A_11 masked %masked_sort3A : (vector<16xf32>, vector<16xf32>, vector<16xi1>) -> (vector<16xi1>, vector<16xf32>, vector<16xf32>)
    %masked_sort3A_85 = arith.constant dense<true> : vector<16xi1>
    %masked_sort3A_86, %masked_sort3A_87, %masked_sort3A_88 = tpu.sort %get3A_13, %get3A_13 masked %masked_sort3A_85 : (vector<16xf32>, vector<16xf32>, vector<16xi1>) -> (vector<16xi1>, vector<16xf32>, vector<16xf32>)
    %rev3A = arith.constant 15 : i32
    %rev3A_89 = vector.broadcast %rev3A : i32 to vector<16xi32>
    %rev3A_90 = tpu.iota {dimensions = array<i32: 0>} : vector<16xi32>
    %rev3A_91 = arith.subi %rev3A_89, %rev3A_90 : vector<16xi32>
    %rev3A_92 = tpu.dynamic_gather %masked_sort3A_87[%rev3A_91] in [0] : vector<16xf32>, vector<16xi32> -> vector<16xf32>
    %min3A = arith.minimumf %masked_sort3A_83, %rev3A_92 : vector<16xf32>
    %max3A = arith.maximumf %masked_sort3A_83, %rev3A_92 : vector<16xf32>
    %masked_sort3A_93 = arith.constant dense<true> : vector<16xi1>
    %masked_sort3A_94, %masked_sort3A_95, %masked_sort3A_96 = tpu.sort %min3A, %min3A masked %masked_sort3A_93 : (vector<16xf32>, vector<16xf32>, vector<16xi1>) -> (vector<16xi1>, vector<16xf32>, vector<16xf32>)
    %masked_sort3A_97 = arith.constant dense<true> : vector<16xi1>
    %masked_sort3A_98, %masked_sort3A_99, %masked_sort3A_100 = tpu.sort %max3A, %max3A masked %masked_sort3A_97 : (vector<16xf32>, vector<16xf32>, vector<16xi1>) -> (vector<16xi1>, vector<16xf32>, vector<16xf32>)
    %masked_sort3A_101 = arith.constant dense<true> : vector<16xi1>
    %masked_sort3A_102, %masked_sort3A_103, %masked_sort3A_104 = tpu.sort %get3A_15, %get3A_15 masked %masked_sort3A_101 : (vector<16xf32>, vector<16xf32>, vector<16xi1>) -> (vector<16xi1>, vector<16xf32>, vector<16xf32>)
    %rev3A_105 = arith.constant 15 : i32
    %rev3A_106 = vector.broadcast %rev3A_105 : i32 to vector<16xi32>
    %rev3A_107 = tpu.iota {dimensions = array<i32: 0>} : vector<16xi32>
    %rev3A_108 = arith.subi %rev3A_106, %rev3A_107 : vector<16xi32>
    %rev3A_109 = tpu.dynamic_gather %masked_sort3A_103[%rev3A_108] in [0] : vector<16xf32>, vector<16xi32> -> vector<16xf32>
    %min3A_110 = arith.minimumf %masked_sort3A_99, %rev3A_109 : vector<16xf32>
    %masked_sort3A_111 = arith.constant dense<true> : vector<16xi1>
    %masked_sort3A_112, %masked_sort3A_113, %masked_sort3A_114 = tpu.sort %min3A_110, %min3A_110 masked %masked_sort3A_111 : (vector<16xf32>, vector<16xf32>, vector<16xi1>) -> (vector<16xi1>, vector<16xf32>, vector<16xf32>)
    %rev3A_115 = arith.constant 15 : i32
    %rev3A_116 = vector.broadcast %rev3A_115 : i32 to vector<16xi32>
    %rev3A_117 = tpu.iota {dimensions = array<i32: 0>} : vector<16xi32>
    %rev3A_118 = arith.subi %rev3A_116, %rev3A_117 : vector<16xi32>
    %rev3A_119 = tpu.dynamic_gather %masked_sort3A_113[%rev3A_118] in [0] : vector<16xf32>, vector<16xi32> -> vector<16xf32>
    %min3A_120 = arith.minimumf %masked_sort3A_95, %rev3A_119 : vector<16xf32>
    %max3A_121 = arith.maximumf %masked_sort3A_95, %rev3A_119 : vector<16xf32>
    %masked_sort3A_122 = arith.constant dense<true> : vector<16xi1>
    %masked_sort3A_123, %masked_sort3A_124, %masked_sort3A_125 = tpu.sort %min3A_120, %min3A_120 masked %masked_sort3A_122 : (vector<16xf32>, vector<16xf32>, vector<16xi1>) -> (vector<16xi1>, vector<16xf32>, vector<16xf32>)
    %masked_sort3A_126 = arith.constant dense<true> : vector<16xi1>
    %masked_sort3A_127, %masked_sort3A_128, %masked_sort3A_129 = tpu.sort %max3A_121, %max3A_121 masked %masked_sort3A_126 : (vector<16xf32>, vector<16xf32>, vector<16xi1>) -> (vector<16xi1>, vector<16xf32>, vector<16xf32>)
    %masked_sort3A_130 = arith.constant dense<true> : vector<16xi1>
    %masked_sort3A_131, %masked_sort3A_132, %masked_sort3A_133 = tpu.sort %get3A_17, %get3A_17 masked %masked_sort3A_130 : (vector<16xf32>, vector<16xf32>, vector<16xi1>) -> (vector<16xi1>, vector<16xf32>, vector<16xf32>)
    %rev3A_134 = arith.constant 15 : i32
    %rev3A_135 = vector.broadcast %rev3A_134 : i32 to vector<16xi32>
    %rev3A_136 = tpu.iota {dimensions = array<i32: 0>} : vector<16xi32>
    %rev3A_137 = arith.subi %rev3A_135, %rev3A_136 : vector<16xi32>
    %rev3A_138 = tpu.dynamic_gather %masked_sort3A_132[%rev3A_137] in [0] : vector<16xf32>, vector<16xi32> -> vector<16xf32>
    %min3A_139 = arith.minimumf %masked_sort3A_128, %rev3A_138 : vector<16xf32>
    %masked_sort3A_140 = arith.constant dense<true> : vector<16xi1>
    %masked_sort3A_141, %masked_sort3A_142, %masked_sort3A_143 = tpu.sort %min3A_139, %min3A_139 masked %masked_sort3A_140 : (vector<16xf32>, vector<16xf32>, vector<16xi1>) -> (vector<16xi1>, vector<16xf32>, vector<16xf32>)
    %rev3A_144 = arith.constant 15 : i32
    %rev3A_145 = vector.broadcast %rev3A_144 : i32 to vector<16xi32>
    %rev3A_146 = tpu.iota {dimensions = array<i32: 0>} : vector<16xi32>
    %rev3A_147 = arith.subi %rev3A_145, %rev3A_146 : vector<16xi32>
    %rev3A_148 = tpu.dynamic_gather %masked_sort3A_142[%rev3A_147] in [0] : vector<16xf32>, vector<16xi32> -> vector<16xf32>
    %min3A_149 = arith.minimumf %masked_sort3A_124, %rev3A_148 : vector<16xf32>
    %max3A_150 = arith.maximumf %masked_sort3A_124, %rev3A_148 : vector<16xf32>
    %masked_sort3A_151 = arith.constant dense<true> : vector<16xi1>
    %masked_sort3A_152, %masked_sort3A_153, %masked_sort3A_154 = tpu.sort %min3A_149, %min3A_149 masked %masked_sort3A_151 : (vector<16xf32>, vector<16xf32>, vector<16xi1>) -> (vector<16xi1>, vector<16xf32>, vector<16xf32>)
    %masked_sort3A_155 = arith.constant dense<true> : vector<16xi1>
    %masked_sort3A_156, %masked_sort3A_157, %masked_sort3A_158 = tpu.sort %max3A_150, %max3A_150 masked %masked_sort3A_155 : (vector<16xf32>, vector<16xf32>, vector<16xi1>) -> (vector<16xi1>, vector<16xf32>, vector<16xf32>)
    %masked_sort3A_159 = arith.constant dense<true> : vector<16xi1>
    %masked_sort3A_160, %masked_sort3A_161, %masked_sort3A_162 = tpu.sort %get3A_19, %get3A_19 masked %masked_sort3A_159 : (vector<16xf32>, vector<16xf32>, vector<16xi1>) -> (vector<16xi1>, vector<16xf32>, vector<16xf32>)
    %rev3A_163 = arith.constant 15 : i32
    %rev3A_164 = vector.broadcast %rev3A_163 : i32 to vector<16xi32>
    %rev3A_165 = tpu.iota {dimensions = array<i32: 0>} : vector<16xi32>
    %rev3A_166 = arith.subi %rev3A_164, %rev3A_165 : vector<16xi32>
    %rev3A_167 = tpu.dynamic_gather %masked_sort3A_161[%rev3A_166] in [0] : vector<16xf32>, vector<16xi32> -> vector<16xf32>
    %min3A_168 = arith.minimumf %masked_sort3A_157, %rev3A_167 : vector<16xf32>
    %masked_sort3A_169 = arith.constant dense<true> : vector<16xi1>
    %masked_sort3A_170, %masked_sort3A_171, %masked_sort3A_172 = tpu.sort %min3A_168, %min3A_168 masked %masked_sort3A_169 : (vector<16xf32>, vector<16xf32>, vector<16xi1>) -> (vector<16xi1>, vector<16xf32>, vector<16xf32>)
    %rev3A_173 = arith.constant 15 : i32
    %rev3A_174 = vector.broadcast %rev3A_173 : i32 to vector<16xi32>
    %rev3A_175 = tpu.iota {dimensions = array<i32: 0>} : vector<16xi32>
    %rev3A_176 = arith.subi %rev3A_174, %rev3A_175 : vector<16xi32>
    %rev3A_177 = tpu.dynamic_gather %masked_sort3A_171[%rev3A_176] in [0] : vector<16xf32>, vector<16xi32> -> vector<16xf32>
    %min3A_178 = arith.minimumf %masked_sort3A_153, %rev3A_177 : vector<16xf32>
    %max3A_179 = arith.maximumf %masked_sort3A_153, %rev3A_177 : vector<16xf32>
    %masked_sort3A_180 = arith.constant dense<true> : vector<16xi1>
    %masked_sort3A_181, %masked_sort3A_182, %masked_sort3A_183 = tpu.sort %min3A_178, %min3A_178 masked %masked_sort3A_180 : (vector<16xf32>, vector<16xf32>, vector<16xi1>) -> (vector<16xi1>, vector<16xf32>, vector<16xf32>)
    %masked_sort3A_184 = arith.constant dense<true> : vector<16xi1>
    %masked_sort3A_185, %masked_sort3A_186, %masked_sort3A_187 = tpu.sort %max3A_179, %max3A_179 masked %masked_sort3A_184 : (vector<16xf32>, vector<16xf32>, vector<16xi1>) -> (vector<16xi1>, vector<16xf32>, vector<16xf32>)
    %masked_sort3A_188 = arith.constant dense<true> : vector<16xi1>
    %masked_sort3A_189, %masked_sort3A_190, %masked_sort3A_191 = tpu.sort %get3A_21, %get3A_21 masked %masked_sort3A_188 : (vector<16xf32>, vector<16xf32>, vector<16xi1>) -> (vector<16xi1>, vector<16xf32>, vector<16xf32>)
    %rev3A_192 = arith.constant 15 : i32
    %rev3A_193 = vector.broadcast %rev3A_192 : i32 to vector<16xi32>
    %rev3A_194 = tpu.iota {dimensions = array<i32: 0>} : vector<16xi32>
    %rev3A_195 = arith.subi %rev3A_193, %rev3A_194 : vector<16xi32>
    %rev3A_196 = tpu.dynamic_gather %masked_sort3A_190[%rev3A_195] in [0] : vector<16xf32>, vector<16xi32> -> vector<16xf32>
    %min3A_197 = arith.minimumf %masked_sort3A_186, %rev3A_196 : vector<16xf32>
    %masked_sort3A_198 = arith.constant dense<true> : vector<16xi1>
    %masked_sort3A_199, %masked_sort3A_200, %masked_sort3A_201 = tpu.sort %min3A_197, %min3A_197 masked %masked_sort3A_198 : (vector<16xf32>, vector<16xf32>, vector<16xi1>) -> (vector<16xi1>, vector<16xf32>, vector<16xf32>)
    %rev3A_202 = arith.constant 15 : i32
    %rev3A_203 = vector.broadcast %rev3A_202 : i32 to vector<16xi32>
    %rev3A_204 = tpu.iota {dimensions = array<i32: 0>} : vector<16xi32>
    %rev3A_205 = arith.subi %rev3A_203, %rev3A_204 : vector<16xi32>
    %rev3A_206 = tpu.dynamic_gather %masked_sort3A_200[%rev3A_205] in [0] : vector<16xf32>, vector<16xi32> -> vector<16xf32>
    %min3A_207 = arith.minimumf %masked_sort3A_182, %rev3A_206 : vector<16xf32>
    %max3A_208 = arith.maximumf %masked_sort3A_182, %rev3A_206 : vector<16xf32>
    %masked_sort3A_209 = arith.constant dense<true> : vector<16xi1>
    %masked_sort3A_210, %masked_sort3A_211, %masked_sort3A_212 = tpu.sort %min3A_207, %min3A_207 masked %masked_sort3A_209 : (vector<16xf32>, vector<16xf32>, vector<16xi1>) -> (vector<16xi1>, vector<16xf32>, vector<16xf32>)
    %masked_sort3A_213 = arith.constant dense<true> : vector<16xi1>
    %masked_sort3A_214, %masked_sort3A_215, %masked_sort3A_216 = tpu.sort %max3A_208, %max3A_208 masked %masked_sort3A_213 : (vector<16xf32>, vector<16xf32>, vector<16xi1>) -> (vector<16xi1>, vector<16xf32>, vector<16xf32>)
    %masked_sort3A_217 = arith.constant dense<true> : vector<16xi1>
    %masked_sort3A_218, %masked_sort3A_219, %masked_sort3A_220 = tpu.sort %get3A_23, %get3A_23 masked %masked_sort3A_217 : (vector<16xf32>, vector<16xf32>, vector<16xi1>) -> (vector<16xi1>, vector<16xf32>, vector<16xf32>)
    %rev3A_221 = arith.constant 15 : i32
    %rev3A_222 = vector.broadcast %rev3A_221 : i32 to vector<16xi32>
    %rev3A_223 = tpu.iota {dimensions = array<i32: 0>} : vector<16xi32>
    %rev3A_224 = arith.subi %rev3A_222, %rev3A_223 : vector<16xi32>
    %rev3A_225 = tpu.dynamic_gather %masked_sort3A_219[%rev3A_224] in [0] : vector<16xf32>, vector<16xi32> -> vector<16xf32>
    %min3A_226 = arith.minimumf %masked_sort3A_215, %rev3A_225 : vector<16xf32>
    %masked_sort3A_227 = arith.constant dense<true> : vector<16xi1>
    %masked_sort3A_228, %masked_sort3A_229, %masked_sort3A_230 = tpu.sort %min3A_226, %min3A_226 masked %masked_sort3A_227 : (vector<16xf32>, vector<16xf32>, vector<16xi1>) -> (vector<16xi1>, vector<16xf32>, vector<16xf32>)
    %rev3A_231 = arith.constant 15 : i32
    %rev3A_232 = vector.broadcast %rev3A_231 : i32 to vector<16xi32>
    %rev3A_233 = tpu.iota {dimensions = array<i32: 0>} : vector<16xi32>
    %rev3A_234 = arith.subi %rev3A_232, %rev3A_233 : vector<16xi32>
    %rev3A_235 = tpu.dynamic_gather %masked_sort3A_229[%rev3A_234] in [0] : vector<16xf32>, vector<16xi32> -> vector<16xf32>
    %min3A_236 = arith.minimumf %masked_sort3A_211, %rev3A_235 : vector<16xf32>
    %max3A_237 = arith.maximumf %masked_sort3A_211, %rev3A_235 : vector<16xf32>
    %masked_sort3A_238 = arith.constant dense<true> : vector<16xi1>
    %masked_sort3A_239, %masked_sort3A_240, %masked_sort3A_241 = tpu.sort %min3A_236, %min3A_236 masked %masked_sort3A_238 : (vector<16xf32>, vector<16xf32>, vector<16xi1>) -> (vector<16xi1>, vector<16xf32>, vector<16xf32>)
    %masked_sort3A_242 = arith.constant dense<true> : vector<16xi1>
    %masked_sort3A_243, %masked_sort3A_244, %masked_sort3A_245 = tpu.sort %max3A_237, %max3A_237 masked %masked_sort3A_242 : (vector<16xf32>, vector<16xf32>, vector<16xi1>) -> (vector<16xi1>, vector<16xf32>, vector<16xf32>)
    %masked_sort3A_246 = arith.constant dense<true> : vector<16xi1>
    %masked_sort3A_247, %masked_sort3A_248, %masked_sort3A_249 = tpu.sort %get3A_25, %get3A_25 masked %masked_sort3A_246 : (vector<16xf32>, vector<16xf32>, vector<16xi1>) -> (vector<16xi1>, vector<16xf32>, vector<16xf32>)
    %rev3A_250 = arith.constant 15 : i32
    %rev3A_251 = vector.broadcast %rev3A_250 : i32 to vector<16xi32>
    %rev3A_252 = tpu.iota {dimensions = array<i32: 0>} : vector<16xi32>
    %rev3A_253 = arith.subi %rev3A_251, %rev3A_252 : vector<16xi32>
    %rev3A_254 = tpu.dynamic_gather %masked_sort3A_248[%rev3A_253] in [0] : vector<16xf32>, vector<16xi32> -> vector<16xf32>
    %min3A_255 = arith.minimumf %masked_sort3A_244, %rev3A_254 : vector<16xf32>
    %masked_sort3A_256 = arith.constant dense<true> : vector<16xi1>
    %masked_sort3A_257, %masked_sort3A_258, %masked_sort3A_259 = tpu.sort %min3A_255, %min3A_255 masked %masked_sort3A_256 : (vector<16xf32>, vector<16xf32>, vector<16xi1>) -> (vector<16xi1>, vector<16xf32>, vector<16xf32>)
    %rev3A_260 = arith.constant 15 : i32
    %rev3A_261 = vector.broadcast %rev3A_260 : i32 to vector<16xi32>
    %rev3A_262 = tpu.iota {dimensions = array<i32: 0>} : vector<16xi32>
    %rev3A_263 = arith.subi %rev3A_261, %rev3A_262 : vector<16xi32>
    %rev3A_264 = tpu.dynamic_gather %masked_sort3A_258[%rev3A_263] in [0] : vector<16xf32>, vector<16xi32> -> vector<16xf32>
    %min3A_265 = arith.minimumf %masked_sort3A_240, %rev3A_264 : vector<16xf32>
    %max3A_266 = arith.maximumf %masked_sort3A_240, %rev3A_264 : vector<16xf32>
    %masked_sort3A_267 = arith.constant dense<true> : vector<16xi1>
    %masked_sort3A_268, %masked_sort3A_269, %masked_sort3A_270 = tpu.sort %min3A_265, %min3A_265 masked %masked_sort3A_267 : (vector<16xf32>, vector<16xf32>, vector<16xi1>) -> (vector<16xi1>, vector<16xf32>, vector<16xf32>)
    %masked_sort3A_271 = arith.constant dense<true> : vector<16xi1>
    %masked_sort3A_272, %masked_sort3A_273, %masked_sort3A_274 = tpu.sort %max3A_266, %max3A_266 masked %masked_sort3A_271 : (vector<16xf32>, vector<16xf32>, vector<16xi1>) -> (vector<16xi1>, vector<16xf32>, vector<16xf32>)
    %masked_sort3A_275 = arith.constant dense<true> : vector<16xi1>
    %masked_sort3A_276, %masked_sort3A_277, %masked_sort3A_278 = tpu.sort %get3A_27, %get3A_27 masked %masked_sort3A_275 : (vector<16xf32>, vector<16xf32>, vector<16xi1>) -> (vector<16xi1>, vector<16xf32>, vector<16xf32>)
    %rev3A_279 = arith.constant 15 : i32
    %rev3A_280 = vector.broadcast %rev3A_279 : i32 to vector<16xi32>
    %rev3A_281 = tpu.iota {dimensions = array<i32: 0>} : vector<16xi32>
    %rev3A_282 = arith.subi %rev3A_280, %rev3A_281 : vector<16xi32>
    %rev3A_283 = tpu.dynamic_gather %masked_sort3A_277[%rev3A_282] in [0] : vector<16xf32>, vector<16xi32> -> vector<16xf32>
    %min3A_284 = arith.minimumf %masked_sort3A_273, %rev3A_283 : vector<16xf32>
    %masked_sort3A_285 = arith.constant dense<true> : vector<16xi1>
    %masked_sort3A_286, %masked_sort3A_287, %masked_sort3A_288 = tpu.sort %min3A_284, %min3A_284 masked %masked_sort3A_285 : (vector<16xf32>, vector<16xf32>, vector<16xi1>) -> (vector<16xi1>, vector<16xf32>, vector<16xf32>)
    %rev3A_289 = arith.constant 15 : i32
    %rev3A_290 = vector.broadcast %rev3A_289 : i32 to vector<16xi32>
    %rev3A_291 = tpu.iota {dimensions = array<i32: 0>} : vector<16xi32>
    %rev3A_292 = arith.subi %rev3A_290, %rev3A_291 : vector<16xi32>
    %rev3A_293 = tpu.dynamic_gather %masked_sort3A_287[%rev3A_292] in [0] : vector<16xf32>, vector<16xi32> -> vector<16xf32>
    %min3A_294 = arith.minimumf %masked_sort3A_269, %rev3A_293 : vector<16xf32>
    %max3A_295 = arith.maximumf %masked_sort3A_269, %rev3A_293 : vector<16xf32>
    %masked_sort3A_296 = arith.constant dense<true> : vector<16xi1>
    %masked_sort3A_297, %masked_sort3A_298, %masked_sort3A_299 = tpu.sort %min3A_294, %min3A_294 masked %masked_sort3A_296 : (vector<16xf32>, vector<16xf32>, vector<16xi1>) -> (vector<16xi1>, vector<16xf32>, vector<16xf32>)
    %masked_sort3A_300 = arith.constant dense<true> : vector<16xi1>
    %masked_sort3A_301, %masked_sort3A_302, %masked_sort3A_303 = tpu.sort %max3A_295, %max3A_295 masked %masked_sort3A_300 : (vector<16xf32>, vector<16xf32>, vector<16xi1>) -> (vector<16xi1>, vector<16xf32>, vector<16xf32>)
    %masked_sort3A_304 = arith.constant dense<true> : vector<16xi1>
    %masked_sort3A_305, %masked_sort3A_306, %masked_sort3A_307 = tpu.sort %get3A_29, %get3A_29 masked %masked_sort3A_304 : (vector<16xf32>, vector<16xf32>, vector<16xi1>) -> (vector<16xi1>, vector<16xf32>, vector<16xf32>)
    %rev3A_308 = arith.constant 15 : i32
    %rev3A_309 = vector.broadcast %rev3A_308 : i32 to vector<16xi32>
    %rev3A_310 = tpu.iota {dimensions = array<i32: 0>} : vector<16xi32>
    %rev3A_311 = arith.subi %rev3A_309, %rev3A_310 : vector<16xi32>
    %rev3A_312 = tpu.dynamic_gather %masked_sort3A_306[%rev3A_311] in [0] : vector<16xf32>, vector<16xi32> -> vector<16xf32>
    %min3A_313 = arith.minimumf %masked_sort3A_302, %rev3A_312 : vector<16xf32>
    %masked_sort3A_314 = arith.constant dense<true> : vector<16xi1>
    %masked_sort3A_315, %masked_sort3A_316, %masked_sort3A_317 = tpu.sort %min3A_313, %min3A_313 masked %masked_sort3A_314 : (vector<16xf32>, vector<16xf32>, vector<16xi1>) -> (vector<16xi1>, vector<16xf32>, vector<16xf32>)
    %rev3A_318 = arith.constant 15 : i32
    %rev3A_319 = vector.broadcast %rev3A_318 : i32 to vector<16xi32>
    %rev3A_320 = tpu.iota {dimensions = array<i32: 0>} : vector<16xi32>
    %rev3A_321 = arith.subi %rev3A_319, %rev3A_320 : vector<16xi32>
    %rev3A_322 = tpu.dynamic_gather %masked_sort3A_316[%rev3A_321] in [0] : vector<16xf32>, vector<16xi32> -> vector<16xf32>
    %min3A_323 = arith.minimumf %masked_sort3A_298, %rev3A_322 : vector<16xf32>
    %max3A_324 = arith.maximumf %masked_sort3A_298, %rev3A_322 : vector<16xf32>
    %masked_sort3A_325 = arith.constant dense<true> : vector<16xi1>
    %masked_sort3A_326, %masked_sort3A_327, %masked_sort3A_328 = tpu.sort %min3A_323, %min3A_323 masked %masked_sort3A_325 : (vector<16xf32>, vector<16xf32>, vector<16xi1>) -> (vector<16xi1>, vector<16xf32>, vector<16xf32>)
    %masked_sort3A_329 = arith.constant dense<true> : vector<16xi1>
    %masked_sort3A_330, %masked_sort3A_331, %masked_sort3A_332 = tpu.sort %max3A_324, %max3A_324 masked %masked_sort3A_329 : (vector<16xf32>, vector<16xf32>, vector<16xi1>) -> (vector<16xi1>, vector<16xf32>, vector<16xf32>)
    %masked_sort3A_333 = arith.constant dense<true> : vector<16xi1>
    %masked_sort3A_334, %masked_sort3A_335, %masked_sort3A_336 = tpu.sort %get3A_31, %get3A_31 masked %masked_sort3A_333 : (vector<16xf32>, vector<16xf32>, vector<16xi1>) -> (vector<16xi1>, vector<16xf32>, vector<16xf32>)
    %rev3A_337 = arith.constant 15 : i32
    %rev3A_338 = vector.broadcast %rev3A_337 : i32 to vector<16xi32>
    %rev3A_339 = tpu.iota {dimensions = array<i32: 0>} : vector<16xi32>
    %rev3A_340 = arith.subi %rev3A_338, %rev3A_339 : vector<16xi32>
    %rev3A_341 = tpu.dynamic_gather %masked_sort3A_335[%rev3A_340] in [0] : vector<16xf32>, vector<16xi32> -> vector<16xf32>
    %min3A_342 = arith.minimumf %masked_sort3A_331, %rev3A_341 : vector<16xf32>
    %masked_sort3A_343 = arith.constant dense<true> : vector<16xi1>
    %masked_sort3A_344, %masked_sort3A_345, %masked_sort3A_346 = tpu.sort %min3A_342, %min3A_342 masked %masked_sort3A_343 : (vector<16xf32>, vector<16xf32>, vector<16xi1>) -> (vector<16xi1>, vector<16xf32>, vector<16xf32>)
    %rev3A_347 = arith.constant 15 : i32
    %rev3A_348 = vector.broadcast %rev3A_347 : i32 to vector<16xi32>
    %rev3A_349 = tpu.iota {dimensions = array<i32: 0>} : vector<16xi32>
    %rev3A_350 = arith.subi %rev3A_348, %rev3A_349 : vector<16xi32>
    %rev3A_351 = tpu.dynamic_gather %masked_sort3A_345[%rev3A_350] in [0] : vector<16xf32>, vector<16xi32> -> vector<16xf32>
    %min3A_352 = arith.minimumf %masked_sort3A_327, %rev3A_351 : vector<16xf32>
    %max3A_353 = arith.maximumf %masked_sort3A_327, %rev3A_351 : vector<16xf32>
    %masked_sort3A_354 = arith.constant dense<true> : vector<16xi1>
    %masked_sort3A_355, %masked_sort3A_356, %masked_sort3A_357 = tpu.sort %min3A_352, %min3A_352 masked %masked_sort3A_354 : (vector<16xf32>, vector<16xf32>, vector<16xi1>) -> (vector<16xi1>, vector<16xf32>, vector<16xf32>)
    %masked_sort3A_358 = arith.constant dense<true> : vector<16xi1>
    %masked_sort3A_359, %masked_sort3A_360, %masked_sort3A_361 = tpu.sort %max3A_353, %max3A_353 masked %masked_sort3A_358 : (vector<16xf32>, vector<16xf32>, vector<16xi1>) -> (vector<16xi1>, vector<16xf32>, vector<16xf32>)
    %masked_sort3A_362 = arith.constant dense<true> : vector<16xi1>
    %masked_sort3A_363, %masked_sort3A_364, %masked_sort3A_365 = tpu.sort %get3A_33, %get3A_33 masked %masked_sort3A_362 : (vector<16xf32>, vector<16xf32>, vector<16xi1>) -> (vector<16xi1>, vector<16xf32>, vector<16xf32>)
    %rev3A_366 = arith.constant 15 : i32
    %rev3A_367 = vector.broadcast %rev3A_366 : i32 to vector<16xi32>
    %rev3A_368 = tpu.iota {dimensions = array<i32: 0>} : vector<16xi32>
    %rev3A_369 = arith.subi %rev3A_367, %rev3A_368 : vector<16xi32>
    %rev3A_370 = tpu.dynamic_gather %masked_sort3A_364[%rev3A_369] in [0] : vector<16xf32>, vector<16xi32> -> vector<16xf32>
    %min3A_371 = arith.minimumf %masked_sort3A_360, %rev3A_370 : vector<16xf32>
    %masked_sort3A_372 = arith.constant dense<true> : vector<16xi1>
    %masked_sort3A_373, %masked_sort3A_374, %masked_sort3A_375 = tpu.sort %min3A_371, %min3A_371 masked %masked_sort3A_372 : (vector<16xf32>, vector<16xf32>, vector<16xi1>) -> (vector<16xi1>, vector<16xf32>, vector<16xf32>)
    %rev3A_376 = arith.constant 15 : i32
    %rev3A_377 = vector.broadcast %rev3A_376 : i32 to vector<16xi32>
    %rev3A_378 = tpu.iota {dimensions = array<i32: 0>} : vector<16xi32>
    %rev3A_379 = arith.subi %rev3A_377, %rev3A_378 : vector<16xi32>
    %rev3A_380 = tpu.dynamic_gather %masked_sort3A_374[%rev3A_379] in [0] : vector<16xf32>, vector<16xi32> -> vector<16xf32>
    %min3A_381 = arith.minimumf %masked_sort3A_356, %rev3A_380 : vector<16xf32>
    %max3A_382 = arith.maximumf %masked_sort3A_356, %rev3A_380 : vector<16xf32>
    %masked_sort3A_383 = arith.constant dense<true> : vector<16xi1>
    %masked_sort3A_384, %masked_sort3A_385, %masked_sort3A_386 = tpu.sort %min3A_381, %min3A_381 masked %masked_sort3A_383 : (vector<16xf32>, vector<16xf32>, vector<16xi1>) -> (vector<16xi1>, vector<16xf32>, vector<16xf32>)
    %masked_sort3A_387 = arith.constant dense<true> : vector<16xi1>
    %masked_sort3A_388, %masked_sort3A_389, %masked_sort3A_390 = tpu.sort %max3A_382, %max3A_382 masked %masked_sort3A_387 : (vector<16xf32>, vector<16xf32>, vector<16xi1>) -> (vector<16xi1>, vector<16xf32>, vector<16xf32>)
    %masked_sort3A_391 = arith.constant dense<true> : vector<16xi1>
    %masked_sort3A_392, %masked_sort3A_393, %masked_sort3A_394 = tpu.sort %get3A_35, %get3A_35 masked %masked_sort3A_391 : (vector<16xf32>, vector<16xf32>, vector<16xi1>) -> (vector<16xi1>, vector<16xf32>, vector<16xf32>)
    %rev3A_395 = arith.constant 15 : i32
    %rev3A_396 = vector.broadcast %rev3A_395 : i32 to vector<16xi32>
    %rev3A_397 = tpu.iota {dimensions = array<i32: 0>} : vector<16xi32>
    %rev3A_398 = arith.subi %rev3A_396, %rev3A_397 : vector<16xi32>
    %rev3A_399 = tpu.dynamic_gather %masked_sort3A_393[%rev3A_398] in [0] : vector<16xf32>, vector<16xi32> -> vector<16xf32>
    %min3A_400 = arith.minimumf %masked_sort3A_389, %rev3A_399 : vector<16xf32>
    %masked_sort3A_401 = arith.constant dense<true> : vector<16xi1>
    %masked_sort3A_402, %masked_sort3A_403, %masked_sort3A_404 = tpu.sort %min3A_400, %min3A_400 masked %masked_sort3A_401 : (vector<16xf32>, vector<16xf32>, vector<16xi1>) -> (vector<16xi1>, vector<16xf32>, vector<16xf32>)
    %rev3A_405 = arith.constant 15 : i32
    %rev3A_406 = vector.broadcast %rev3A_405 : i32 to vector<16xi32>
    %rev3A_407 = tpu.iota {dimensions = array<i32: 0>} : vector<16xi32>
    %rev3A_408 = arith.subi %rev3A_406, %rev3A_407 : vector<16xi32>
    %rev3A_409 = tpu.dynamic_gather %masked_sort3A_403[%rev3A_408] in [0] : vector<16xf32>, vector<16xi32> -> vector<16xf32>
    %min3A_410 = arith.minimumf %masked_sort3A_385, %rev3A_409 : vector<16xf32>
    %max3A_411 = arith.maximumf %masked_sort3A_385, %rev3A_409 : vector<16xf32>
    %masked_sort3A_412 = arith.constant dense<true> : vector<16xi1>
    %masked_sort3A_413, %masked_sort3A_414, %masked_sort3A_415 = tpu.sort %min3A_410, %min3A_410 masked %masked_sort3A_412 : (vector<16xf32>, vector<16xf32>, vector<16xi1>) -> (vector<16xi1>, vector<16xf32>, vector<16xf32>)
    %masked_sort3A_416 = arith.constant dense<true> : vector<16xi1>
    %masked_sort3A_417, %masked_sort3A_418, %masked_sort3A_419 = tpu.sort %max3A_411, %max3A_411 masked %masked_sort3A_416 : (vector<16xf32>, vector<16xf32>, vector<16xi1>) -> (vector<16xi1>, vector<16xf32>, vector<16xf32>)
    %masked_sort3A_420 = arith.constant dense<true> : vector<16xi1>
    %masked_sort3A_421, %masked_sort3A_422, %masked_sort3A_423 = tpu.sort %get3A_37, %get3A_37 masked %masked_sort3A_420 : (vector<16xf32>, vector<16xf32>, vector<16xi1>) -> (vector<16xi1>, vector<16xf32>, vector<16xf32>)
    %rev3A_424 = arith.constant 15 : i32
    %rev3A_425 = vector.broadcast %rev3A_424 : i32 to vector<16xi32>
    %rev3A_426 = tpu.iota {dimensions = array<i32: 0>} : vector<16xi32>
    %rev3A_427 = arith.subi %rev3A_425, %rev3A_426 : vector<16xi32>
    %rev3A_428 = tpu.dynamic_gather %masked_sort3A_422[%rev3A_427] in [0] : vector<16xf32>, vector<16xi32> -> vector<16xf32>
    %min3A_429 = arith.minimumf %masked_sort3A_418, %rev3A_428 : vector<16xf32>
    %masked_sort3A_430 = arith.constant dense<true> : vector<16xi1>
    %masked_sort3A_431, %masked_sort3A_432, %masked_sort3A_433 = tpu.sort %min3A_429, %min3A_429 masked %masked_sort3A_430 : (vector<16xf32>, vector<16xf32>, vector<16xi1>) -> (vector<16xi1>, vector<16xf32>, vector<16xf32>)
    %rev3A_434 = arith.constant 15 : i32
    %rev3A_435 = vector.broadcast %rev3A_434 : i32 to vector<16xi32>
    %rev3A_436 = tpu.iota {dimensions = array<i32: 0>} : vector<16xi32>
    %rev3A_437 = arith.subi %rev3A_435, %rev3A_436 : vector<16xi32>
    %rev3A_438 = tpu.dynamic_gather %masked_sort3A_432[%rev3A_437] in [0] : vector<16xf32>, vector<16xi32> -> vector<16xf32>
    %min3A_439 = arith.minimumf %masked_sort3A_414, %rev3A_438 : vector<16xf32>
    %max3A_440 = arith.maximumf %masked_sort3A_414, %rev3A_438 : vector<16xf32>
    %masked_sort3A_441 = arith.constant dense<true> : vector<16xi1>
    %masked_sort3A_442, %masked_sort3A_443, %masked_sort3A_444 = tpu.sort %min3A_439, %min3A_439 masked %masked_sort3A_441 : (vector<16xf32>, vector<16xf32>, vector<16xi1>) -> (vector<16xi1>, vector<16xf32>, vector<16xf32>)
    %masked_sort3A_445 = arith.constant dense<true> : vector<16xi1>
    %masked_sort3A_446, %masked_sort3A_447, %masked_sort3A_448 = tpu.sort %max3A_440, %max3A_440 masked %masked_sort3A_445 : (vector<16xf32>, vector<16xf32>, vector<16xi1>) -> (vector<16xi1>, vector<16xf32>, vector<16xf32>)
    %masked_sort3A_449 = arith.constant dense<true> : vector<16xi1>
    %masked_sort3A_450, %masked_sort3A_451, %masked_sort3A_452 = tpu.sort %get3A_39, %get3A_39 masked %masked_sort3A_449 : (vector<16xf32>, vector<16xf32>, vector<16xi1>) -> (vector<16xi1>, vector<16xf32>, vector<16xf32>)
    %rev3A_453 = arith.constant 15 : i32
    %rev3A_454 = vector.broadcast %rev3A_453 : i32 to vector<16xi32>
    %rev3A_455 = tpu.iota {dimensions = array<i32: 0>} : vector<16xi32>
    %rev3A_456 = arith.subi %rev3A_454, %rev3A_455 : vector<16xi32>
    %rev3A_457 = tpu.dynamic_gather %masked_sort3A_451[%rev3A_456] in [0] : vector<16xf32>, vector<16xi32> -> vector<16xf32>
    %min3A_458 = arith.minimumf %masked_sort3A_447, %rev3A_457 : vector<16xf32>
    %masked_sort3A_459 = arith.constant dense<true> : vector<16xi1>
    %masked_sort3A_460, %masked_sort3A_461, %masked_sort3A_462 = tpu.sort %min3A_458, %min3A_458 masked %masked_sort3A_459 : (vector<16xf32>, vector<16xf32>, vector<16xi1>) -> (vector<16xi1>, vector<16xf32>, vector<16xf32>)
    %rev3A_463 = arith.constant 15 : i32
    %rev3A_464 = vector.broadcast %rev3A_463 : i32 to vector<16xi32>
    %rev3A_465 = tpu.iota {dimensions = array<i32: 0>} : vector<16xi32>
    %rev3A_466 = arith.subi %rev3A_464, %rev3A_465 : vector<16xi32>
    %rev3A_467 = tpu.dynamic_gather %masked_sort3A_461[%rev3A_466] in [0] : vector<16xf32>, vector<16xi32> -> vector<16xf32>
    %min3A_468 = arith.minimumf %masked_sort3A_443, %rev3A_467 : vector<16xf32>
    %max3A_469 = arith.maximumf %masked_sort3A_443, %rev3A_467 : vector<16xf32>
    %masked_sort3A_470 = arith.constant dense<true> : vector<16xi1>
    %masked_sort3A_471, %masked_sort3A_472, %masked_sort3A_473 = tpu.sort %min3A_468, %min3A_468 masked %masked_sort3A_470 : (vector<16xf32>, vector<16xf32>, vector<16xi1>) -> (vector<16xi1>, vector<16xf32>, vector<16xf32>)
    %masked_sort3A_474 = arith.constant dense<true> : vector<16xi1>
    %masked_sort3A_475, %masked_sort3A_476, %masked_sort3A_477 = tpu.sort %max3A_469, %max3A_469 masked %masked_sort3A_474 : (vector<16xf32>, vector<16xf32>, vector<16xi1>) -> (vector<16xi1>, vector<16xf32>, vector<16xf32>)
    %masked_sort3A_478 = arith.constant dense<true> : vector<16xi1>
    %masked_sort3A_479, %masked_sort3A_480, %masked_sort3A_481 = tpu.sort %get3A_41, %get3A_41 masked %masked_sort3A_478 : (vector<16xf32>, vector<16xf32>, vector<16xi1>) -> (vector<16xi1>, vector<16xf32>, vector<16xf32>)
    %rev3A_482 = arith.constant 15 : i32
    %rev3A_483 = vector.broadcast %rev3A_482 : i32 to vector<16xi32>
    %rev3A_484 = tpu.iota {dimensions = array<i32: 0>} : vector<16xi32>
    %rev3A_485 = arith.subi %rev3A_483, %rev3A_484 : vector<16xi32>
    %rev3A_486 = tpu.dynamic_gather %masked_sort3A_480[%rev3A_485] in [0] : vector<16xf32>, vector<16xi32> -> vector<16xf32>
    %min3A_487 = arith.minimumf %masked_sort3A_476, %rev3A_486 : vector<16xf32>
    %masked_sort3A_488 = arith.constant dense<true> : vector<16xi1>
    %masked_sort3A_489, %masked_sort3A_490, %masked_sort3A_491 = tpu.sort %min3A_487, %min3A_487 masked %masked_sort3A_488 : (vector<16xf32>, vector<16xf32>, vector<16xi1>) -> (vector<16xi1>, vector<16xf32>, vector<16xf32>)
    %rev3A_492 = arith.constant 15 : i32
    %rev3A_493 = vector.broadcast %rev3A_492 : i32 to vector<16xi32>
    %rev3A_494 = tpu.iota {dimensions = array<i32: 0>} : vector<16xi32>
    %rev3A_495 = arith.subi %rev3A_493, %rev3A_494 : vector<16xi32>
    %rev3A_496 = tpu.dynamic_gather %masked_sort3A_490[%rev3A_495] in [0] : vector<16xf32>, vector<16xi32> -> vector<16xf32>
    %min3A_497 = arith.minimumf %masked_sort3A_472, %rev3A_496 : vector<16xf32>
    %max3A_498 = arith.maximumf %masked_sort3A_472, %rev3A_496 : vector<16xf32>
    %masked_sort3A_499 = arith.constant dense<true> : vector<16xi1>
    %masked_sort3A_500, %masked_sort3A_501, %masked_sort3A_502 = tpu.sort %min3A_497, %min3A_497 masked %masked_sort3A_499 : (vector<16xf32>, vector<16xf32>, vector<16xi1>) -> (vector<16xi1>, vector<16xf32>, vector<16xf32>)
    %masked_sort3A_503 = arith.constant dense<true> : vector<16xi1>
    %masked_sort3A_504, %masked_sort3A_505, %masked_sort3A_506 = tpu.sort %max3A_498, %max3A_498 masked %masked_sort3A_503 : (vector<16xf32>, vector<16xf32>, vector<16xi1>) -> (vector<16xi1>, vector<16xf32>, vector<16xf32>)
    %masked_sort3A_507 = arith.constant dense<true> : vector<16xi1>
    %masked_sort3A_508, %masked_sort3A_509, %masked_sort3A_510 = tpu.sort %get3A_43, %get3A_43 masked %masked_sort3A_507 : (vector<16xf32>, vector<16xf32>, vector<16xi1>) -> (vector<16xi1>, vector<16xf32>, vector<16xf32>)
    %rev3A_511 = arith.constant 15 : i32
    %rev3A_512 = vector.broadcast %rev3A_511 : i32 to vector<16xi32>
    %rev3A_513 = tpu.iota {dimensions = array<i32: 0>} : vector<16xi32>
    %rev3A_514 = arith.subi %rev3A_512, %rev3A_513 : vector<16xi32>
    %rev3A_515 = tpu.dynamic_gather %masked_sort3A_509[%rev3A_514] in [0] : vector<16xf32>, vector<16xi32> -> vector<16xf32>
    %min3A_516 = arith.minimumf %masked_sort3A_505, %rev3A_515 : vector<16xf32>
    %masked_sort3A_517 = arith.constant dense<true> : vector<16xi1>
    %masked_sort3A_518, %masked_sort3A_519, %masked_sort3A_520 = tpu.sort %min3A_516, %min3A_516 masked %masked_sort3A_517 : (vector<16xf32>, vector<16xf32>, vector<16xi1>) -> (vector<16xi1>, vector<16xf32>, vector<16xf32>)
    %rev3A_521 = arith.constant 15 : i32
    %rev3A_522 = vector.broadcast %rev3A_521 : i32 to vector<16xi32>
    %rev3A_523 = tpu.iota {dimensions = array<i32: 0>} : vector<16xi32>
    %rev3A_524 = arith.subi %rev3A_522, %rev3A_523 : vector<16xi32>
    %rev3A_525 = tpu.dynamic_gather %masked_sort3A_519[%rev3A_524] in [0] : vector<16xf32>, vector<16xi32> -> vector<16xf32>
    %min3A_526 = arith.minimumf %masked_sort3A_501, %rev3A_525 : vector<16xf32>
    %max3A_527 = arith.maximumf %masked_sort3A_501, %rev3A_525 : vector<16xf32>
    %masked_sort3A_528 = arith.constant dense<true> : vector<16xi1>
    %masked_sort3A_529, %masked_sort3A_530, %masked_sort3A_531 = tpu.sort %min3A_526, %min3A_526 masked %masked_sort3A_528 : (vector<16xf32>, vector<16xf32>, vector<16xi1>) -> (vector<16xi1>, vector<16xf32>, vector<16xf32>)
    %masked_sort3A_532 = arith.constant dense<true> : vector<16xi1>
    %masked_sort3A_533, %masked_sort3A_534, %masked_sort3A_535 = tpu.sort %max3A_527, %max3A_527 masked %masked_sort3A_532 : (vector<16xf32>, vector<16xf32>, vector<16xi1>) -> (vector<16xi1>, vector<16xf32>, vector<16xf32>)
    %masked_sort3A_536 = arith.constant dense<true> : vector<16xi1>
    %masked_sort3A_537, %masked_sort3A_538, %masked_sort3A_539 = tpu.sort %get3A_45, %get3A_45 masked %masked_sort3A_536 : (vector<16xf32>, vector<16xf32>, vector<16xi1>) -> (vector<16xi1>, vector<16xf32>, vector<16xf32>)
    %rev3A_540 = arith.constant 15 : i32
    %rev3A_541 = vector.broadcast %rev3A_540 : i32 to vector<16xi32>
    %rev3A_542 = tpu.iota {dimensions = array<i32: 0>} : vector<16xi32>
    %rev3A_543 = arith.subi %rev3A_541, %rev3A_542 : vector<16xi32>
    %rev3A_544 = tpu.dynamic_gather %masked_sort3A_538[%rev3A_543] in [0] : vector<16xf32>, vector<16xi32> -> vector<16xf32>
    %min3A_545 = arith.minimumf %masked_sort3A_534, %rev3A_544 : vector<16xf32>
    %masked_sort3A_546 = arith.constant dense<true> : vector<16xi1>
    %masked_sort3A_547, %masked_sort3A_548, %masked_sort3A_549 = tpu.sort %min3A_545, %min3A_545 masked %masked_sort3A_546 : (vector<16xf32>, vector<16xf32>, vector<16xi1>) -> (vector<16xi1>, vector<16xf32>, vector<16xf32>)
    %rev3A_550 = arith.constant 15 : i32
    %rev3A_551 = vector.broadcast %rev3A_550 : i32 to vector<16xi32>
    %rev3A_552 = tpu.iota {dimensions = array<i32: 0>} : vector<16xi32>
    %rev3A_553 = arith.subi %rev3A_551, %rev3A_552 : vector<16xi32>
    %rev3A_554 = tpu.dynamic_gather %masked_sort3A_548[%rev3A_553] in [0] : vector<16xf32>, vector<16xi32> -> vector<16xf32>
    %min3A_555 = arith.minimumf %masked_sort3A_530, %rev3A_554 : vector<16xf32>
    %max3A_556 = arith.maximumf %masked_sort3A_530, %rev3A_554 : vector<16xf32>
    %masked_sort3A_557 = arith.constant dense<true> : vector<16xi1>
    %masked_sort3A_558, %masked_sort3A_559, %masked_sort3A_560 = tpu.sort %min3A_555, %min3A_555 masked %masked_sort3A_557 : (vector<16xf32>, vector<16xf32>, vector<16xi1>) -> (vector<16xi1>, vector<16xf32>, vector<16xf32>)
    %masked_sort3A_561 = arith.constant dense<true> : vector<16xi1>
    %masked_sort3A_562, %masked_sort3A_563, %masked_sort3A_564 = tpu.sort %max3A_556, %max3A_556 masked %masked_sort3A_561 : (vector<16xf32>, vector<16xf32>, vector<16xi1>) -> (vector<16xi1>, vector<16xf32>, vector<16xf32>)
    %masked_sort3A_565 = arith.constant dense<true> : vector<16xi1>
    %masked_sort3A_566, %masked_sort3A_567, %masked_sort3A_568 = tpu.sort %get3A_47, %get3A_47 masked %masked_sort3A_565 : (vector<16xf32>, vector<16xf32>, vector<16xi1>) -> (vector<16xi1>, vector<16xf32>, vector<16xf32>)
    %rev3A_569 = arith.constant 15 : i32
    %rev3A_570 = vector.broadcast %rev3A_569 : i32 to vector<16xi32>
    %rev3A_571 = tpu.iota {dimensions = array<i32: 0>} : vector<16xi32>
    %rev3A_572 = arith.subi %rev3A_570, %rev3A_571 : vector<16xi32>
    %rev3A_573 = tpu.dynamic_gather %masked_sort3A_567[%rev3A_572] in [0] : vector<16xf32>, vector<16xi32> -> vector<16xf32>
    %min3A_574 = arith.minimumf %masked_sort3A_563, %rev3A_573 : vector<16xf32>
    %masked_sort3A_575 = arith.constant dense<true> : vector<16xi1>
    %masked_sort3A_576, %masked_sort3A_577, %masked_sort3A_578 = tpu.sort %min3A_574, %min3A_574 masked %masked_sort3A_575 : (vector<16xf32>, vector<16xf32>, vector<16xi1>) -> (vector<16xi1>, vector<16xf32>, vector<16xf32>)
    %rev3A_579 = arith.constant 15 : i32
    %rev3A_580 = vector.broadcast %rev3A_579 : i32 to vector<16xi32>
    %rev3A_581 = tpu.iota {dimensions = array<i32: 0>} : vector<16xi32>
    %rev3A_582 = arith.subi %rev3A_580, %rev3A_581 : vector<16xi32>
    %rev3A_583 = tpu.dynamic_gather %masked_sort3A_577[%rev3A_582] in [0] : vector<16xf32>, vector<16xi32> -> vector<16xf32>
    %min3A_584 = arith.minimumf %masked_sort3A_559, %rev3A_583 : vector<16xf32>
    %max3A_585 = arith.maximumf %masked_sort3A_559, %rev3A_583 : vector<16xf32>
    %masked_sort3A_586 = arith.constant dense<true> : vector<16xi1>
    %masked_sort3A_587, %masked_sort3A_588, %masked_sort3A_589 = tpu.sort %min3A_584, %min3A_584 masked %masked_sort3A_586 : (vector<16xf32>, vector<16xf32>, vector<16xi1>) -> (vector<16xi1>, vector<16xf32>, vector<16xf32>)
    %masked_sort3A_590 = arith.constant dense<true> : vector<16xi1>
    %masked_sort3A_591, %masked_sort3A_592, %masked_sort3A_593 = tpu.sort %max3A_585, %max3A_585 masked %masked_sort3A_590 : (vector<16xf32>, vector<16xf32>, vector<16xi1>) -> (vector<16xi1>, vector<16xf32>, vector<16xf32>)
    %masked_sort3A_594 = arith.constant dense<true> : vector<16xi1>
    %masked_sort3A_595, %masked_sort3A_596, %masked_sort3A_597 = tpu.sort %get3A_49, %get3A_49 masked %masked_sort3A_594 : (vector<16xf32>, vector<16xf32>, vector<16xi1>) -> (vector<16xi1>, vector<16xf32>, vector<16xf32>)
    %rev3A_598 = arith.constant 15 : i32
    %rev3A_599 = vector.broadcast %rev3A_598 : i32 to vector<16xi32>
    %rev3A_600 = tpu.iota {dimensions = array<i32: 0>} : vector<16xi32>
    %rev3A_601 = arith.subi %rev3A_599, %rev3A_600 : vector<16xi32>
    %rev3A_602 = tpu.dynamic_gather %masked_sort3A_596[%rev3A_601] in [0] : vector<16xf32>, vector<16xi32> -> vector<16xf32>
    %min3A_603 = arith.minimumf %masked_sort3A_592, %rev3A_602 : vector<16xf32>
    %masked_sort3A_604 = arith.constant dense<true> : vector<16xi1>
    %masked_sort3A_605, %masked_sort3A_606, %masked_sort3A_607 = tpu.sort %min3A_603, %min3A_603 masked %masked_sort3A_604 : (vector<16xf32>, vector<16xf32>, vector<16xi1>) -> (vector<16xi1>, vector<16xf32>, vector<16xf32>)
    %rev3A_608 = arith.constant 15 : i32
    %rev3A_609 = vector.broadcast %rev3A_608 : i32 to vector<16xi32>
    %rev3A_610 = tpu.iota {dimensions = array<i32: 0>} : vector<16xi32>
    %rev3A_611 = arith.subi %rev3A_609, %rev3A_610 : vector<16xi32>
    %rev3A_612 = tpu.dynamic_gather %masked_sort3A_606[%rev3A_611] in [0] : vector<16xf32>, vector<16xi32> -> vector<16xf32>
    %min3A_613 = arith.minimumf %masked_sort3A_588, %rev3A_612 : vector<16xf32>
    %max3A_614 = arith.maximumf %masked_sort3A_588, %rev3A_612 : vector<16xf32>
    %masked_sort3A_615 = arith.constant dense<true> : vector<16xi1>
    %masked_sort3A_616, %masked_sort3A_617, %masked_sort3A_618 = tpu.sort %min3A_613, %min3A_613 masked %masked_sort3A_615 : (vector<16xf32>, vector<16xf32>, vector<16xi1>) -> (vector<16xi1>, vector<16xf32>, vector<16xf32>)
    %masked_sort3A_619 = arith.constant dense<true> : vector<16xi1>
    %masked_sort3A_620, %masked_sort3A_621, %masked_sort3A_622 = tpu.sort %max3A_614, %max3A_614 masked %masked_sort3A_619 : (vector<16xf32>, vector<16xf32>, vector<16xi1>) -> (vector<16xi1>, vector<16xf32>, vector<16xf32>)
    %masked_sort3A_623 = arith.constant dense<true> : vector<16xi1>
    %masked_sort3A_624, %masked_sort3A_625, %masked_sort3A_626 = tpu.sort %get3A_51, %get3A_51 masked %masked_sort3A_623 : (vector<16xf32>, vector<16xf32>, vector<16xi1>) -> (vector<16xi1>, vector<16xf32>, vector<16xf32>)
    %rev3A_627 = arith.constant 15 : i32
    %rev3A_628 = vector.broadcast %rev3A_627 : i32 to vector<16xi32>
    %rev3A_629 = tpu.iota {dimensions = array<i32: 0>} : vector<16xi32>
    %rev3A_630 = arith.subi %rev3A_628, %rev3A_629 : vector<16xi32>
    %rev3A_631 = tpu.dynamic_gather %masked_sort3A_625[%rev3A_630] in [0] : vector<16xf32>, vector<16xi32> -> vector<16xf32>
    %min3A_632 = arith.minimumf %masked_sort3A_621, %rev3A_631 : vector<16xf32>
    %masked_sort3A_633 = arith.constant dense<true> : vector<16xi1>
    %masked_sort3A_634, %masked_sort3A_635, %masked_sort3A_636 = tpu.sort %min3A_632, %min3A_632 masked %masked_sort3A_633 : (vector<16xf32>, vector<16xf32>, vector<16xi1>) -> (vector<16xi1>, vector<16xf32>, vector<16xf32>)
    %rev3A_637 = arith.constant 15 : i32
    %rev3A_638 = vector.broadcast %rev3A_637 : i32 to vector<16xi32>
    %rev3A_639 = tpu.iota {dimensions = array<i32: 0>} : vector<16xi32>
    %rev3A_640 = arith.subi %rev3A_638, %rev3A_639 : vector<16xi32>
    %rev3A_641 = tpu.dynamic_gather %masked_sort3A_635[%rev3A_640] in [0] : vector<16xf32>, vector<16xi32> -> vector<16xf32>
    %min3A_642 = arith.minimumf %masked_sort3A_617, %rev3A_641 : vector<16xf32>
    %max3A_643 = arith.maximumf %masked_sort3A_617, %rev3A_641 : vector<16xf32>
    %masked_sort3A_644 = arith.constant dense<true> : vector<16xi1>
    %masked_sort3A_645, %masked_sort3A_646, %masked_sort3A_647 = tpu.sort %min3A_642, %min3A_642 masked %masked_sort3A_644 : (vector<16xf32>, vector<16xf32>, vector<16xi1>) -> (vector<16xi1>, vector<16xf32>, vector<16xf32>)
    %masked_sort3A_648 = arith.constant dense<true> : vector<16xi1>
    %masked_sort3A_649, %masked_sort3A_650, %masked_sort3A_651 = tpu.sort %max3A_643, %max3A_643 masked %masked_sort3A_648 : (vector<16xf32>, vector<16xf32>, vector<16xi1>) -> (vector<16xi1>, vector<16xf32>, vector<16xf32>)
    %masked_sort3A_652 = arith.constant dense<true> : vector<16xi1>
    %masked_sort3A_653, %masked_sort3A_654, %masked_sort3A_655 = tpu.sort %get3A_53, %get3A_53 masked %masked_sort3A_652 : (vector<16xf32>, vector<16xf32>, vector<16xi1>) -> (vector<16xi1>, vector<16xf32>, vector<16xf32>)
    %rev3A_656 = arith.constant 15 : i32
    %rev3A_657 = vector.broadcast %rev3A_656 : i32 to vector<16xi32>
    %rev3A_658 = tpu.iota {dimensions = array<i32: 0>} : vector<16xi32>
    %rev3A_659 = arith.subi %rev3A_657, %rev3A_658 : vector<16xi32>
    %rev3A_660 = tpu.dynamic_gather %masked_sort3A_654[%rev3A_659] in [0] : vector<16xf32>, vector<16xi32> -> vector<16xf32>
    %min3A_661 = arith.minimumf %masked_sort3A_650, %rev3A_660 : vector<16xf32>
    %masked_sort3A_662 = arith.constant dense<true> : vector<16xi1>
    %masked_sort3A_663, %masked_sort3A_664, %masked_sort3A_665 = tpu.sort %min3A_661, %min3A_661 masked %masked_sort3A_662 : (vector<16xf32>, vector<16xf32>, vector<16xi1>) -> (vector<16xi1>, vector<16xf32>, vector<16xf32>)
    %rev3A_666 = arith.constant 15 : i32
    %rev3A_667 = vector.broadcast %rev3A_666 : i32 to vector<16xi32>
    %rev3A_668 = tpu.iota {dimensions = array<i32: 0>} : vector<16xi32>
    %rev3A_669 = arith.subi %rev3A_667, %rev3A_668 : vector<16xi32>
    %rev3A_670 = tpu.dynamic_gather %masked_sort3A_664[%rev3A_669] in [0] : vector<16xf32>, vector<16xi32> -> vector<16xf32>
    %min3A_671 = arith.minimumf %masked_sort3A_646, %rev3A_670 : vector<16xf32>
    %max3A_672 = arith.maximumf %masked_sort3A_646, %rev3A_670 : vector<16xf32>
    %masked_sort3A_673 = arith.constant dense<true> : vector<16xi1>
    %masked_sort3A_674, %masked_sort3A_675, %masked_sort3A_676 = tpu.sort %min3A_671, %min3A_671 masked %masked_sort3A_673 : (vector<16xf32>, vector<16xf32>, vector<16xi1>) -> (vector<16xi1>, vector<16xf32>, vector<16xf32>)
    %masked_sort3A_677 = arith.constant dense<true> : vector<16xi1>
    %masked_sort3A_678, %masked_sort3A_679, %masked_sort3A_680 = tpu.sort %max3A_672, %max3A_672 masked %masked_sort3A_677 : (vector<16xf32>, vector<16xf32>, vector<16xi1>) -> (vector<16xi1>, vector<16xf32>, vector<16xf32>)
    %masked_sort3A_681 = arith.constant dense<true> : vector<16xi1>
    %masked_sort3A_682, %masked_sort3A_683, %masked_sort3A_684 = tpu.sort %get3A_55, %get3A_55 masked %masked_sort3A_681 : (vector<16xf32>, vector<16xf32>, vector<16xi1>) -> (vector<16xi1>, vector<16xf32>, vector<16xf32>)
    %rev3A_685 = arith.constant 15 : i32
    %rev3A_686 = vector.broadcast %rev3A_685 : i32 to vector<16xi32>
    %rev3A_687 = tpu.iota {dimensions = array<i32: 0>} : vector<16xi32>
    %rev3A_688 = arith.subi %rev3A_686, %rev3A_687 : vector<16xi32>
    %rev3A_689 = tpu.dynamic_gather %masked_sort3A_683[%rev3A_688] in [0] : vector<16xf32>, vector<16xi32> -> vector<16xf32>
    %min3A_690 = arith.minimumf %masked_sort3A_679, %rev3A_689 : vector<16xf32>
    %masked_sort3A_691 = arith.constant dense<true> : vector<16xi1>
    %masked_sort3A_692, %masked_sort3A_693, %masked_sort3A_694 = tpu.sort %min3A_690, %min3A_690 masked %masked_sort3A_691 : (vector<16xf32>, vector<16xf32>, vector<16xi1>) -> (vector<16xi1>, vector<16xf32>, vector<16xf32>)
    %rev3A_695 = arith.constant 15 : i32
    %rev3A_696 = vector.broadcast %rev3A_695 : i32 to vector<16xi32>
    %rev3A_697 = tpu.iota {dimensions = array<i32: 0>} : vector<16xi32>
    %rev3A_698 = arith.subi %rev3A_696, %rev3A_697 : vector<16xi32>
    %rev3A_699 = tpu.dynamic_gather %masked_sort3A_693[%rev3A_698] in [0] : vector<16xf32>, vector<16xi32> -> vector<16xf32>
    %min3A_700 = arith.minimumf %masked_sort3A_675, %rev3A_699 : vector<16xf32>
    %max3A_701 = arith.maximumf %masked_sort3A_675, %rev3A_699 : vector<16xf32>
    %masked_sort3A_702 = arith.constant dense<true> : vector<16xi1>
    %masked_sort3A_703, %masked_sort3A_704, %masked_sort3A_705 = tpu.sort %min3A_700, %min3A_700 masked %masked_sort3A_702 : (vector<16xf32>, vector<16xf32>, vector<16xi1>) -> (vector<16xi1>, vector<16xf32>, vector<16xf32>)
    %masked_sort3A_706 = arith.constant dense<true> : vector<16xi1>
    %masked_sort3A_707, %masked_sort3A_708, %masked_sort3A_709 = tpu.sort %max3A_701, %max3A_701 masked %masked_sort3A_706 : (vector<16xf32>, vector<16xf32>, vector<16xi1>) -> (vector<16xi1>, vector<16xf32>, vector<16xf32>)
    %masked_sort3A_710 = arith.constant dense<true> : vector<16xi1>
    %masked_sort3A_711, %masked_sort3A_712, %masked_sort3A_713 = tpu.sort %get3A_57, %get3A_57 masked %masked_sort3A_710 : (vector<16xf32>, vector<16xf32>, vector<16xi1>) -> (vector<16xi1>, vector<16xf32>, vector<16xf32>)
    %rev3A_714 = arith.constant 15 : i32
    %rev3A_715 = vector.broadcast %rev3A_714 : i32 to vector<16xi32>
    %rev3A_716 = tpu.iota {dimensions = array<i32: 0>} : vector<16xi32>
    %rev3A_717 = arith.subi %rev3A_715, %rev3A_716 : vector<16xi32>
    %rev3A_718 = tpu.dynamic_gather %masked_sort3A_712[%rev3A_717] in [0] : vector<16xf32>, vector<16xi32> -> vector<16xf32>
    %min3A_719 = arith.minimumf %masked_sort3A_708, %rev3A_718 : vector<16xf32>
    %masked_sort3A_720 = arith.constant dense<true> : vector<16xi1>
    %masked_sort3A_721, %masked_sort3A_722, %masked_sort3A_723 = tpu.sort %min3A_719, %min3A_719 masked %masked_sort3A_720 : (vector<16xf32>, vector<16xf32>, vector<16xi1>) -> (vector<16xi1>, vector<16xf32>, vector<16xf32>)
    %rev3A_724 = arith.constant 15 : i32
    %rev3A_725 = vector.broadcast %rev3A_724 : i32 to vector<16xi32>
    %rev3A_726 = tpu.iota {dimensions = array<i32: 0>} : vector<16xi32>
    %rev3A_727 = arith.subi %rev3A_725, %rev3A_726 : vector<16xi32>
    %rev3A_728 = tpu.dynamic_gather %masked_sort3A_722[%rev3A_727] in [0] : vector<16xf32>, vector<16xi32> -> vector<16xf32>
    %min3A_729 = arith.minimumf %masked_sort3A_704, %rev3A_728 : vector<16xf32>
    %max3A_730 = arith.maximumf %masked_sort3A_704, %rev3A_728 : vector<16xf32>
    %masked_sort3A_731 = arith.constant dense<true> : vector<16xi1>
    %masked_sort3A_732, %masked_sort3A_733, %masked_sort3A_734 = tpu.sort %min3A_729, %min3A_729 masked %masked_sort3A_731 : (vector<16xf32>, vector<16xf32>, vector<16xi1>) -> (vector<16xi1>, vector<16xf32>, vector<16xf32>)
    %masked_sort3A_735 = arith.constant dense<true> : vector<16xi1>
    %masked_sort3A_736, %masked_sort3A_737, %masked_sort3A_738 = tpu.sort %max3A_730, %max3A_730 masked %masked_sort3A_735 : (vector<16xf32>, vector<16xf32>, vector<16xi1>) -> (vector<16xi1>, vector<16xf32>, vector<16xf32>)
    %masked_sort3A_739 = arith.constant dense<true> : vector<16xi1>
    %masked_sort3A_740, %masked_sort3A_741, %masked_sort3A_742 = tpu.sort %get3A_59, %get3A_59 masked %masked_sort3A_739 : (vector<16xf32>, vector<16xf32>, vector<16xi1>) -> (vector<16xi1>, vector<16xf32>, vector<16xf32>)
    %rev3A_743 = arith.constant 15 : i32
    %rev3A_744 = vector.broadcast %rev3A_743 : i32 to vector<16xi32>
    %rev3A_745 = tpu.iota {dimensions = array<i32: 0>} : vector<16xi32>
    %rev3A_746 = arith.subi %rev3A_744, %rev3A_745 : vector<16xi32>
    %rev3A_747 = tpu.dynamic_gather %masked_sort3A_741[%rev3A_746] in [0] : vector<16xf32>, vector<16xi32> -> vector<16xf32>
    %min3A_748 = arith.minimumf %masked_sort3A_737, %rev3A_747 : vector<16xf32>
    %masked_sort3A_749 = arith.constant dense<true> : vector<16xi1>
    %masked_sort3A_750, %masked_sort3A_751, %masked_sort3A_752 = tpu.sort %min3A_748, %min3A_748 masked %masked_sort3A_749 : (vector<16xf32>, vector<16xf32>, vector<16xi1>) -> (vector<16xi1>, vector<16xf32>, vector<16xf32>)
    %rev3A_753 = arith.constant 15 : i32
    %rev3A_754 = vector.broadcast %rev3A_753 : i32 to vector<16xi32>
    %rev3A_755 = tpu.iota {dimensions = array<i32: 0>} : vector<16xi32>
    %rev3A_756 = arith.subi %rev3A_754, %rev3A_755 : vector<16xi32>
    %rev3A_757 = tpu.dynamic_gather %masked_sort3A_751[%rev3A_756] in [0] : vector<16xf32>, vector<16xi32> -> vector<16xf32>
    %min3A_758 = arith.minimumf %masked_sort3A_733, %rev3A_757 : vector<16xf32>
    %max3A_759 = arith.maximumf %masked_sort3A_733, %rev3A_757 : vector<16xf32>
    %masked_sort3A_760 = arith.constant dense<true> : vector<16xi1>
    %masked_sort3A_761, %masked_sort3A_762, %masked_sort3A_763 = tpu.sort %min3A_758, %min3A_758 masked %masked_sort3A_760 : (vector<16xf32>, vector<16xf32>, vector<16xi1>) -> (vector<16xi1>, vector<16xf32>, vector<16xf32>)
    %masked_sort3A_764 = arith.constant dense<true> : vector<16xi1>
    %masked_sort3A_765, %masked_sort3A_766, %masked_sort3A_767 = tpu.sort %max3A_759, %max3A_759 masked %masked_sort3A_764 : (vector<16xf32>, vector<16xf32>, vector<16xi1>) -> (vector<16xi1>, vector<16xf32>, vector<16xf32>)
    %masked_sort3A_768 = arith.constant dense<true> : vector<16xi1>
    %masked_sort3A_769, %masked_sort3A_770, %masked_sort3A_771 = tpu.sort %get3A_61, %get3A_61 masked %masked_sort3A_768 : (vector<16xf32>, vector<16xf32>, vector<16xi1>) -> (vector<16xi1>, vector<16xf32>, vector<16xf32>)
    %rev3A_772 = arith.constant 15 : i32
    %rev3A_773 = vector.broadcast %rev3A_772 : i32 to vector<16xi32>
    %rev3A_774 = tpu.iota {dimensions = array<i32: 0>} : vector<16xi32>
    %rev3A_775 = arith.subi %rev3A_773, %rev3A_774 : vector<16xi32>
    %rev3A_776 = tpu.dynamic_gather %masked_sort3A_770[%rev3A_775] in [0] : vector<16xf32>, vector<16xi32> -> vector<16xf32>
    %min3A_777 = arith.minimumf %masked_sort3A_766, %rev3A_776 : vector<16xf32>
    %masked_sort3A_778 = arith.constant dense<true> : vector<16xi1>
    %masked_sort3A_779, %masked_sort3A_780, %masked_sort3A_781 = tpu.sort %min3A_777, %min3A_777 masked %masked_sort3A_778 : (vector<16xf32>, vector<16xf32>, vector<16xi1>) -> (vector<16xi1>, vector<16xf32>, vector<16xf32>)
    %rev3A_782 = arith.constant 15 : i32
    %rev3A_783 = vector.broadcast %rev3A_782 : i32 to vector<16xi32>
    %rev3A_784 = tpu.iota {dimensions = array<i32: 0>} : vector<16xi32>
    %rev3A_785 = arith.subi %rev3A_783, %rev3A_784 : vector<16xi32>
    %rev3A_786 = tpu.dynamic_gather %masked_sort3A_780[%rev3A_785] in [0] : vector<16xf32>, vector<16xi32> -> vector<16xf32>
    %min3A_787 = arith.minimumf %masked_sort3A_762, %rev3A_786 : vector<16xf32>
    %max3A_788 = arith.maximumf %masked_sort3A_762, %rev3A_786 : vector<16xf32>
    %masked_sort3A_789 = arith.constant dense<true> : vector<16xi1>
    %masked_sort3A_790, %masked_sort3A_791, %masked_sort3A_792 = tpu.sort %min3A_787, %min3A_787 masked %masked_sort3A_789 : (vector<16xf32>, vector<16xf32>, vector<16xi1>) -> (vector<16xi1>, vector<16xf32>, vector<16xf32>)
    %masked_sort3A_793 = arith.constant dense<true> : vector<16xi1>
    %masked_sort3A_794, %masked_sort3A_795, %masked_sort3A_796 = tpu.sort %max3A_788, %max3A_788 masked %masked_sort3A_793 : (vector<16xf32>, vector<16xf32>, vector<16xi1>) -> (vector<16xi1>, vector<16xf32>, vector<16xf32>)
    %masked_sort3A_797 = arith.constant dense<true> : vector<16xi1>
    %masked_sort3A_798, %masked_sort3A_799, %masked_sort3A_800 = tpu.sort %get3A_63, %get3A_63 masked %masked_sort3A_797 : (vector<16xf32>, vector<16xf32>, vector<16xi1>) -> (vector<16xi1>, vector<16xf32>, vector<16xf32>)
    %rev3A_801 = arith.constant 15 : i32
    %rev3A_802 = vector.broadcast %rev3A_801 : i32 to vector<16xi32>
    %rev3A_803 = tpu.iota {dimensions = array<i32: 0>} : vector<16xi32>
    %rev3A_804 = arith.subi %rev3A_802, %rev3A_803 : vector<16xi32>
    %rev3A_805 = tpu.dynamic_gather %masked_sort3A_799[%rev3A_804] in [0] : vector<16xf32>, vector<16xi32> -> vector<16xf32>
    %min3A_806 = arith.minimumf %masked_sort3A_795, %rev3A_805 : vector<16xf32>
    %masked_sort3A_807 = arith.constant dense<true> : vector<16xi1>
    %masked_sort3A_808, %masked_sort3A_809, %masked_sort3A_810 = tpu.sort %min3A_806, %min3A_806 masked %masked_sort3A_807 : (vector<16xf32>, vector<16xf32>, vector<16xi1>) -> (vector<16xi1>, vector<16xf32>, vector<16xf32>)
    %rev3A_811 = arith.constant 15 : i32
    %rev3A_812 = vector.broadcast %rev3A_811 : i32 to vector<16xi32>
    %rev3A_813 = tpu.iota {dimensions = array<i32: 0>} : vector<16xi32>
    %rev3A_814 = arith.subi %rev3A_812, %rev3A_813 : vector<16xi32>
    %rev3A_815 = tpu.dynamic_gather %masked_sort3A_809[%rev3A_814] in [0] : vector<16xf32>, vector<16xi32> -> vector<16xf32>
    %min3A_816 = arith.minimumf %masked_sort3A_791, %rev3A_815 : vector<16xf32>
    %max3A_817 = arith.maximumf %masked_sort3A_791, %rev3A_815 : vector<16xf32>
    %masked_sort3A_818 = arith.constant dense<true> : vector<16xi1>
    %masked_sort3A_819, %masked_sort3A_820, %masked_sort3A_821 = tpu.sort %min3A_816, %min3A_816 masked %masked_sort3A_818 : (vector<16xf32>, vector<16xf32>, vector<16xi1>) -> (vector<16xi1>, vector<16xf32>, vector<16xf32>)
    %masked_sort3A_822 = arith.constant dense<true> : vector<16xi1>
    %masked_sort3A_823, %masked_sort3A_824, %masked_sort3A_825 = tpu.sort %max3A_817, %max3A_817 masked %masked_sort3A_822 : (vector<16xf32>, vector<16xf32>, vector<16xi1>) -> (vector<16xi1>, vector<16xf32>, vector<16xf32>)
    %masked_sort3A_826 = arith.constant dense<true> : vector<16xi1>
    %masked_sort3A_827, %masked_sort3A_828, %masked_sort3A_829 = tpu.sort %get3A_65, %get3A_65 masked %masked_sort3A_826 : (vector<16xf32>, vector<16xf32>, vector<16xi1>) -> (vector<16xi1>, vector<16xf32>, vector<16xf32>)
    %rev3A_830 = arith.constant 15 : i32
    %rev3A_831 = vector.broadcast %rev3A_830 : i32 to vector<16xi32>
    %rev3A_832 = tpu.iota {dimensions = array<i32: 0>} : vector<16xi32>
    %rev3A_833 = arith.subi %rev3A_831, %rev3A_832 : vector<16xi32>
    %rev3A_834 = tpu.dynamic_gather %masked_sort3A_828[%rev3A_833] in [0] : vector<16xf32>, vector<16xi32> -> vector<16xf32>
    %min3A_835 = arith.minimumf %masked_sort3A_824, %rev3A_834 : vector<16xf32>
    %masked_sort3A_836 = arith.constant dense<true> : vector<16xi1>
    %masked_sort3A_837, %masked_sort3A_838, %masked_sort3A_839 = tpu.sort %min3A_835, %min3A_835 masked %masked_sort3A_836 : (vector<16xf32>, vector<16xf32>, vector<16xi1>) -> (vector<16xi1>, vector<16xf32>, vector<16xf32>)
    %rev3A_840 = arith.constant 15 : i32
    %rev3A_841 = vector.broadcast %rev3A_840 : i32 to vector<16xi32>
    %rev3A_842 = tpu.iota {dimensions = array<i32: 0>} : vector<16xi32>
    %rev3A_843 = arith.subi %rev3A_841, %rev3A_842 : vector<16xi32>
    %rev3A_844 = tpu.dynamic_gather %masked_sort3A_838[%rev3A_843] in [0] : vector<16xf32>, vector<16xi32> -> vector<16xf32>
    %min3A_845 = arith.minimumf %masked_sort3A_820, %rev3A_844 : vector<16xf32>
    %max3A_846 = arith.maximumf %masked_sort3A_820, %rev3A_844 : vector<16xf32>
    %masked_sort3A_847 = arith.constant dense<true> : vector<16xi1>
    %masked_sort3A_848, %masked_sort3A_849, %masked_sort3A_850 = tpu.sort %min3A_845, %min3A_845 masked %masked_sort3A_847 : (vector<16xf32>, vector<16xf32>, vector<16xi1>) -> (vector<16xi1>, vector<16xf32>, vector<16xf32>)
    %masked_sort3A_851 = arith.constant dense<true> : vector<16xi1>
    %masked_sort3A_852, %masked_sort3A_853, %masked_sort3A_854 = tpu.sort %max3A_846, %max3A_846 masked %masked_sort3A_851 : (vector<16xf32>, vector<16xf32>, vector<16xi1>) -> (vector<16xi1>, vector<16xf32>, vector<16xf32>)
    %masked_sort3A_855 = arith.constant dense<true> : vector<16xi1>
    %masked_sort3A_856, %masked_sort3A_857, %masked_sort3A_858 = tpu.sort %get3A_67, %get3A_67 masked %masked_sort3A_855 : (vector<16xf32>, vector<16xf32>, vector<16xi1>) -> (vector<16xi1>, vector<16xf32>, vector<16xf32>)
    %rev3A_859 = arith.constant 15 : i32
    %rev3A_860 = vector.broadcast %rev3A_859 : i32 to vector<16xi32>
    %rev3A_861 = tpu.iota {dimensions = array<i32: 0>} : vector<16xi32>
    %rev3A_862 = arith.subi %rev3A_860, %rev3A_861 : vector<16xi32>
    %rev3A_863 = tpu.dynamic_gather %masked_sort3A_857[%rev3A_862] in [0] : vector<16xf32>, vector<16xi32> -> vector<16xf32>
    %min3A_864 = arith.minimumf %masked_sort3A_853, %rev3A_863 : vector<16xf32>
    %masked_sort3A_865 = arith.constant dense<true> : vector<16xi1>
    %masked_sort3A_866, %masked_sort3A_867, %masked_sort3A_868 = tpu.sort %min3A_864, %min3A_864 masked %masked_sort3A_865 : (vector<16xf32>, vector<16xf32>, vector<16xi1>) -> (vector<16xi1>, vector<16xf32>, vector<16xf32>)
    %rev3A_869 = arith.constant 15 : i32
    %rev3A_870 = vector.broadcast %rev3A_869 : i32 to vector<16xi32>
    %rev3A_871 = tpu.iota {dimensions = array<i32: 0>} : vector<16xi32>
    %rev3A_872 = arith.subi %rev3A_870, %rev3A_871 : vector<16xi32>
    %rev3A_873 = tpu.dynamic_gather %masked_sort3A_867[%rev3A_872] in [0] : vector<16xf32>, vector<16xi32> -> vector<16xf32>
    %min3A_874 = arith.minimumf %masked_sort3A_849, %rev3A_873 : vector<16xf32>
    %max3A_875 = arith.maximumf %masked_sort3A_849, %rev3A_873 : vector<16xf32>
    %masked_sort3A_876 = arith.constant dense<true> : vector<16xi1>
    %masked_sort3A_877, %masked_sort3A_878, %masked_sort3A_879 = tpu.sort %min3A_874, %min3A_874 masked %masked_sort3A_876 : (vector<16xf32>, vector<16xf32>, vector<16xi1>) -> (vector<16xi1>, vector<16xf32>, vector<16xf32>)
    %masked_sort3A_880 = arith.constant dense<true> : vector<16xi1>
    %masked_sort3A_881, %masked_sort3A_882, %masked_sort3A_883 = tpu.sort %max3A_875, %max3A_875 masked %masked_sort3A_880 : (vector<16xf32>, vector<16xf32>, vector<16xi1>) -> (vector<16xi1>, vector<16xf32>, vector<16xf32>)
    %masked_sort3A_884 = arith.constant dense<true> : vector<16xi1>
    %masked_sort3A_885, %masked_sort3A_886, %masked_sort3A_887 = tpu.sort %get3A_69, %get3A_69 masked %masked_sort3A_884 : (vector<16xf32>, vector<16xf32>, vector<16xi1>) -> (vector<16xi1>, vector<16xf32>, vector<16xf32>)
    %rev3A_888 = arith.constant 15 : i32
    %rev3A_889 = vector.broadcast %rev3A_888 : i32 to vector<16xi32>
    %rev3A_890 = tpu.iota {dimensions = array<i32: 0>} : vector<16xi32>
    %rev3A_891 = arith.subi %rev3A_889, %rev3A_890 : vector<16xi32>
    %rev3A_892 = tpu.dynamic_gather %masked_sort3A_886[%rev3A_891] in [0] : vector<16xf32>, vector<16xi32> -> vector<16xf32>
    %min3A_893 = arith.minimumf %masked_sort3A_882, %rev3A_892 : vector<16xf32>
    %masked_sort3A_894 = arith.constant dense<true> : vector<16xi1>
    %masked_sort3A_895, %masked_sort3A_896, %masked_sort3A_897 = tpu.sort %min3A_893, %min3A_893 masked %masked_sort3A_894 : (vector<16xf32>, vector<16xf32>, vector<16xi1>) -> (vector<16xi1>, vector<16xf32>, vector<16xf32>)
    %rev3A_898 = arith.constant 15 : i32
    %rev3A_899 = vector.broadcast %rev3A_898 : i32 to vector<16xi32>
    %rev3A_900 = tpu.iota {dimensions = array<i32: 0>} : vector<16xi32>
    %rev3A_901 = arith.subi %rev3A_899, %rev3A_900 : vector<16xi32>
    %rev3A_902 = tpu.dynamic_gather %masked_sort3A_896[%rev3A_901] in [0] : vector<16xf32>, vector<16xi32> -> vector<16xf32>
    %min3A_903 = arith.minimumf %masked_sort3A_878, %rev3A_902 : vector<16xf32>
    %max3A_904 = arith.maximumf %masked_sort3A_878, %rev3A_902 : vector<16xf32>
    %masked_sort3A_905 = arith.constant dense<true> : vector<16xi1>
    %masked_sort3A_906, %masked_sort3A_907, %masked_sort3A_908 = tpu.sort %min3A_903, %min3A_903 masked %masked_sort3A_905 : (vector<16xf32>, vector<16xf32>, vector<16xi1>) -> (vector<16xi1>, vector<16xf32>, vector<16xf32>)
    %masked_sort3A_909 = arith.constant dense<true> : vector<16xi1>
    %masked_sort3A_910, %masked_sort3A_911, %masked_sort3A_912 = tpu.sort %max3A_904, %max3A_904 masked %masked_sort3A_909 : (vector<16xf32>, vector<16xf32>, vector<16xi1>) -> (vector<16xi1>, vector<16xf32>, vector<16xf32>)
    %masked_sort3A_913 = arith.constant dense<true> : vector<16xi1>
    %masked_sort3A_914, %masked_sort3A_915, %masked_sort3A_916 = tpu.sort %get3A_71, %get3A_71 masked %masked_sort3A_913 : (vector<16xf32>, vector<16xf32>, vector<16xi1>) -> (vector<16xi1>, vector<16xf32>, vector<16xf32>)
    %rev3A_917 = arith.constant 15 : i32
    %rev3A_918 = vector.broadcast %rev3A_917 : i32 to vector<16xi32>
    %rev3A_919 = tpu.iota {dimensions = array<i32: 0>} : vector<16xi32>
    %rev3A_920 = arith.subi %rev3A_918, %rev3A_919 : vector<16xi32>
    %rev3A_921 = tpu.dynamic_gather %masked_sort3A_915[%rev3A_920] in [0] : vector<16xf32>, vector<16xi32> -> vector<16xf32>
    %min3A_922 = arith.minimumf %masked_sort3A_911, %rev3A_921 : vector<16xf32>
    %masked_sort3A_923 = arith.constant dense<true> : vector<16xi1>
    %masked_sort3A_924, %masked_sort3A_925, %masked_sort3A_926 = tpu.sort %min3A_922, %min3A_922 masked %masked_sort3A_923 : (vector<16xf32>, vector<16xf32>, vector<16xi1>) -> (vector<16xi1>, vector<16xf32>, vector<16xf32>)
    %rev3A_927 = arith.constant 15 : i32
    %rev3A_928 = vector.broadcast %rev3A_927 : i32 to vector<16xi32>
    %rev3A_929 = tpu.iota {dimensions = array<i32: 0>} : vector<16xi32>
    %rev3A_930 = arith.subi %rev3A_928, %rev3A_929 : vector<16xi32>
    %rev3A_931 = tpu.dynamic_gather %masked_sort3A_925[%rev3A_930] in [0] : vector<16xf32>, vector<16xi32> -> vector<16xf32>
    %min3A_932 = arith.minimumf %masked_sort3A_907, %rev3A_931 : vector<16xf32>
    %max3A_933 = arith.maximumf %masked_sort3A_907, %rev3A_931 : vector<16xf32>
    %masked_sort3A_934 = arith.constant dense<true> : vector<16xi1>
    %masked_sort3A_935, %masked_sort3A_936, %masked_sort3A_937 = tpu.sort %min3A_932, %min3A_932 masked %masked_sort3A_934 : (vector<16xf32>, vector<16xf32>, vector<16xi1>) -> (vector<16xi1>, vector<16xf32>, vector<16xf32>)
    %masked_sort3A_938 = arith.constant dense<true> : vector<16xi1>
    %masked_sort3A_939, %masked_sort3A_940, %masked_sort3A_941 = tpu.sort %max3A_933, %max3A_933 masked %masked_sort3A_938 : (vector<16xf32>, vector<16xf32>, vector<16xi1>) -> (vector<16xi1>, vector<16xf32>, vector<16xf32>)
    %masked_sort3A_942 = arith.constant dense<true> : vector<16xi1>
    %masked_sort3A_943, %masked_sort3A_944, %masked_sort3A_945 = tpu.sort %get3A_73, %get3A_73 masked %masked_sort3A_942 : (vector<16xf32>, vector<16xf32>, vector<16xi1>) -> (vector<16xi1>, vector<16xf32>, vector<16xf32>)
    %rev3A_946 = arith.constant 15 : i32
    %rev3A_947 = vector.broadcast %rev3A_946 : i32 to vector<16xi32>
    %rev3A_948 = tpu.iota {dimensions = array<i32: 0>} : vector<16xi32>
    %rev3A_949 = arith.subi %rev3A_947, %rev3A_948 : vector<16xi32>
    %rev3A_950 = tpu.dynamic_gather %masked_sort3A_944[%rev3A_949] in [0] : vector<16xf32>, vector<16xi32> -> vector<16xf32>
    %min3A_951 = arith.minimumf %masked_sort3A_940, %rev3A_950 : vector<16xf32>
    %masked_sort3A_952 = arith.constant dense<true> : vector<16xi1>
    %masked_sort3A_953, %masked_sort3A_954, %masked_sort3A_955 = tpu.sort %min3A_951, %min3A_951 masked %masked_sort3A_952 : (vector<16xf32>, vector<16xf32>, vector<16xi1>) -> (vector<16xi1>, vector<16xf32>, vector<16xf32>)
    %rev3A_956 = arith.constant 15 : i32
    %rev3A_957 = vector.broadcast %rev3A_956 : i32 to vector<16xi32>
    %rev3A_958 = tpu.iota {dimensions = array<i32: 0>} : vector<16xi32>
    %rev3A_959 = arith.subi %rev3A_957, %rev3A_958 : vector<16xi32>
    %rev3A_960 = tpu.dynamic_gather %masked_sort3A_954[%rev3A_959] in [0] : vector<16xf32>, vector<16xi32> -> vector<16xf32>
    %min3A_961 = arith.minimumf %masked_sort3A_936, %rev3A_960 : vector<16xf32>
    %max3A_962 = arith.maximumf %masked_sort3A_936, %rev3A_960 : vector<16xf32>
    %masked_sort3A_963 = arith.constant dense<true> : vector<16xi1>
    %masked_sort3A_964, %masked_sort3A_965, %masked_sort3A_966 = tpu.sort %min3A_961, %min3A_961 masked %masked_sort3A_963 : (vector<16xf32>, vector<16xf32>, vector<16xi1>) -> (vector<16xi1>, vector<16xf32>, vector<16xf32>)
    %masked_sort3A_967 = arith.constant dense<true> : vector<16xi1>
    %masked_sort3A_968, %masked_sort3A_969, %masked_sort3A_970 = tpu.sort %max3A_962, %max3A_962 masked %masked_sort3A_967 : (vector<16xf32>, vector<16xf32>, vector<16xi1>) -> (vector<16xi1>, vector<16xf32>, vector<16xf32>)
    %masked_sort3A_971 = arith.constant dense<true> : vector<16xi1>
    %masked_sort3A_972, %masked_sort3A_973, %masked_sort3A_974 = tpu.sort %get3A_75, %get3A_75 masked %masked_sort3A_971 : (vector<16xf32>, vector<16xf32>, vector<16xi1>) -> (vector<16xi1>, vector<16xf32>, vector<16xf32>)
    %rev3A_975 = arith.constant 15 : i32
    %rev3A_976 = vector.broadcast %rev3A_975 : i32 to vector<16xi32>
    %rev3A_977 = tpu.iota {dimensions = array<i32: 0>} : vector<16xi32>
    %rev3A_978 = arith.subi %rev3A_976, %rev3A_977 : vector<16xi32>
    %rev3A_979 = tpu.dynamic_gather %masked_sort3A_973[%rev3A_978] in [0] : vector<16xf32>, vector<16xi32> -> vector<16xf32>
    %min3A_980 = arith.minimumf %masked_sort3A_969, %rev3A_979 : vector<16xf32>
    %masked_sort3A_981 = arith.constant dense<true> : vector<16xi1>
    %masked_sort3A_982, %masked_sort3A_983, %masked_sort3A_984 = tpu.sort %min3A_980, %min3A_980 masked %masked_sort3A_981 : (vector<16xf32>, vector<16xf32>, vector<16xi1>) -> (vector<16xi1>, vector<16xf32>, vector<16xf32>)
    %rev3A_985 = arith.constant 15 : i32
    %rev3A_986 = vector.broadcast %rev3A_985 : i32 to vector<16xi32>
    %rev3A_987 = tpu.iota {dimensions = array<i32: 0>} : vector<16xi32>
    %rev3A_988 = arith.subi %rev3A_986, %rev3A_987 : vector<16xi32>
    %rev3A_989 = tpu.dynamic_gather %masked_sort3A_983[%rev3A_988] in [0] : vector<16xf32>, vector<16xi32> -> vector<16xf32>
    %min3A_990 = arith.minimumf %masked_sort3A_965, %rev3A_989 : vector<16xf32>
    %max3A_991 = arith.maximumf %masked_sort3A_965, %rev3A_989 : vector<16xf32>
    %masked_sort3A_992 = arith.constant dense<true> : vector<16xi1>
    %masked_sort3A_993, %masked_sort3A_994, %masked_sort3A_995 = tpu.sort %min3A_990, %min3A_990 masked %masked_sort3A_992 : (vector<16xf32>, vector<16xf32>, vector<16xi1>) -> (vector<16xi1>, vector<16xf32>, vector<16xf32>)
    %masked_sort3A_996 = arith.constant dense<true> : vector<16xi1>
    %masked_sort3A_997, %masked_sort3A_998, %masked_sort3A_999 = tpu.sort %max3A_991, %max3A_991 masked %masked_sort3A_996 : (vector<16xf32>, vector<16xf32>, vector<16xi1>) -> (vector<16xi1>, vector<16xf32>, vector<16xf32>)
    %masked_sort3A_1000 = arith.constant dense<true> : vector<16xi1>
    %masked_sort3A_1001, %masked_sort3A_1002, %masked_sort3A_1003 = tpu.sort %get3A_77, %get3A_77 masked %masked_sort3A_1000 : (vector<16xf32>, vector<16xf32>, vector<16xi1>) -> (vector<16xi1>, vector<16xf32>, vector<16xf32>)
    %rev3A_1004 = arith.constant 15 : i32
    %rev3A_1005 = vector.broadcast %rev3A_1004 : i32 to vector<16xi32>
    %rev3A_1006 = tpu.iota {dimensions = array<i32: 0>} : vector<16xi32>
    %rev3A_1007 = arith.subi %rev3A_1005, %rev3A_1006 : vector<16xi32>
    %rev3A_1008 = tpu.dynamic_gather %masked_sort3A_1002[%rev3A_1007] in [0] : vector<16xf32>, vector<16xi32> -> vector<16xf32>
    %min3A_1009 = arith.minimumf %masked_sort3A_998, %rev3A_1008 : vector<16xf32>
    %masked_sort3A_1010 = arith.constant dense<true> : vector<16xi1>
    %masked_sort3A_1011, %masked_sort3A_1012, %masked_sort3A_1013 = tpu.sort %min3A_1009, %min3A_1009 masked %masked_sort3A_1010 : (vector<16xf32>, vector<16xf32>, vector<16xi1>) -> (vector<16xi1>, vector<16xf32>, vector<16xf32>)
    %rev3A_1014 = arith.constant 15 : i32
    %rev3A_1015 = vector.broadcast %rev3A_1014 : i32 to vector<16xi32>
    %rev3A_1016 = tpu.iota {dimensions = array<i32: 0>} : vector<16xi32>
    %rev3A_1017 = arith.subi %rev3A_1015, %rev3A_1016 : vector<16xi32>
    %rev3A_1018 = tpu.dynamic_gather %masked_sort3A_1012[%rev3A_1017] in [0] : vector<16xf32>, vector<16xi32> -> vector<16xf32>
    %min3A_1019 = arith.minimumf %masked_sort3A_994, %rev3A_1018 : vector<16xf32>
    %max3A_1020 = arith.maximumf %masked_sort3A_994, %rev3A_1018 : vector<16xf32>
    %masked_sort3A_1021 = arith.constant dense<true> : vector<16xi1>
    %masked_sort3A_1022, %masked_sort3A_1023, %masked_sort3A_1024 = tpu.sort %min3A_1019, %min3A_1019 masked %masked_sort3A_1021 : (vector<16xf32>, vector<16xf32>, vector<16xi1>) -> (vector<16xi1>, vector<16xf32>, vector<16xf32>)
    %masked_sort3A_1025 = arith.constant dense<true> : vector<16xi1>
    %masked_sort3A_1026, %masked_sort3A_1027, %masked_sort3A_1028 = tpu.sort %max3A_1020, %max3A_1020 masked %masked_sort3A_1025 : (vector<16xf32>, vector<16xf32>, vector<16xi1>) -> (vector<16xi1>, vector<16xf32>, vector<16xf32>)
    %masked_sort3A_1029 = arith.constant dense<true> : vector<16xi1>
    %masked_sort3A_1030, %masked_sort3A_1031, %masked_sort3A_1032 = tpu.sort %get3A_79, %get3A_79 masked %masked_sort3A_1029 : (vector<16xf32>, vector<16xf32>, vector<16xi1>) -> (vector<16xi1>, vector<16xf32>, vector<16xf32>)
    %rev3A_1033 = arith.constant 15 : i32
    %rev3A_1034 = vector.broadcast %rev3A_1033 : i32 to vector<16xi32>
    %rev3A_1035 = tpu.iota {dimensions = array<i32: 0>} : vector<16xi32>
    %rev3A_1036 = arith.subi %rev3A_1034, %rev3A_1035 : vector<16xi32>
    %rev3A_1037 = tpu.dynamic_gather %masked_sort3A_1031[%rev3A_1036] in [0] : vector<16xf32>, vector<16xi32> -> vector<16xf32>
    %min3A_1038 = arith.minimumf %masked_sort3A_1027, %rev3A_1037 : vector<16xf32>
    %masked_sort3A_1039 = arith.constant dense<true> : vector<16xi1>
    %masked_sort3A_1040, %masked_sort3A_1041, %masked_sort3A_1042 = tpu.sort %min3A_1038, %min3A_1038 masked %masked_sort3A_1039 : (vector<16xf32>, vector<16xf32>, vector<16xi1>) -> (vector<16xi1>, vector<16xf32>, vector<16xf32>)
    %rev3A_1043 = arith.constant 15 : i32
    %rev3A_1044 = vector.broadcast %rev3A_1043 : i32 to vector<16xi32>
    %rev3A_1045 = tpu.iota {dimensions = array<i32: 0>} : vector<16xi32>
    %rev3A_1046 = arith.subi %rev3A_1044, %rev3A_1045 : vector<16xi32>
    %rev3A_1047 = tpu.dynamic_gather %masked_sort3A_1041[%rev3A_1046] in [0] : vector<16xf32>, vector<16xi32> -> vector<16xf32>
    %min3A_1048 = arith.minimumf %masked_sort3A_1023, %rev3A_1047 : vector<16xf32>
    %max3A_1049 = arith.maximumf %masked_sort3A_1023, %rev3A_1047 : vector<16xf32>
    %masked_sort3A_1050 = arith.constant dense<true> : vector<16xi1>
    %masked_sort3A_1051, %masked_sort3A_1052, %masked_sort3A_1053 = tpu.sort %min3A_1048, %min3A_1048 masked %masked_sort3A_1050 : (vector<16xf32>, vector<16xf32>, vector<16xi1>) -> (vector<16xi1>, vector<16xf32>, vector<16xf32>)
    %masked_sort3A_1054 = arith.constant dense<true> : vector<16xi1>
    %masked_sort3A_1055, %masked_sort3A_1056, %masked_sort3A_1057 = tpu.sort %max3A_1049, %max3A_1049 masked %masked_sort3A_1054 : (vector<16xf32>, vector<16xf32>, vector<16xi1>) -> (vector<16xi1>, vector<16xf32>, vector<16xf32>)
    %masked_sort3A_1058 = arith.constant dense<true> : vector<16xi1>
    %masked_sort3A_1059, %masked_sort3A_1060, %masked_sort3A_1061 = tpu.sort %get3A_81, %get3A_81 masked %masked_sort3A_1058 : (vector<16xf32>, vector<16xf32>, vector<16xi1>) -> (vector<16xi1>, vector<16xf32>, vector<16xf32>)
    %rev3A_1062 = arith.constant 15 : i32
    %rev3A_1063 = vector.broadcast %rev3A_1062 : i32 to vector<16xi32>
    %rev3A_1064 = tpu.iota {dimensions = array<i32: 0>} : vector<16xi32>
    %rev3A_1065 = arith.subi %rev3A_1063, %rev3A_1064 : vector<16xi32>
    %rev3A_1066 = tpu.dynamic_gather %masked_sort3A_1060[%rev3A_1065] in [0] : vector<16xf32>, vector<16xi32> -> vector<16xf32>
    %min3A_1067 = arith.minimumf %masked_sort3A_1056, %rev3A_1066 : vector<16xf32>
    %masked_sort3A_1068 = arith.constant dense<true> : vector<16xi1>
    %masked_sort3A_1069, %masked_sort3A_1070, %masked_sort3A_1071 = tpu.sort %min3A_1067, %min3A_1067 masked %masked_sort3A_1068 : (vector<16xf32>, vector<16xf32>, vector<16xi1>) -> (vector<16xi1>, vector<16xf32>, vector<16xf32>)
    %rev3A_1072 = arith.constant 15 : i32
    %rev3A_1073 = vector.broadcast %rev3A_1072 : i32 to vector<16xi32>
    %rev3A_1074 = tpu.iota {dimensions = array<i32: 0>} : vector<16xi32>
    %rev3A_1075 = arith.subi %rev3A_1073, %rev3A_1074 : vector<16xi32>
    %rev3A_1076 = tpu.dynamic_gather %masked_sort3A_1070[%rev3A_1075] in [0] : vector<16xf32>, vector<16xi32> -> vector<16xf32>
    %min3A_1077 = arith.minimumf %masked_sort3A_1052, %rev3A_1076 : vector<16xf32>
    %max3A_1078 = arith.maximumf %masked_sort3A_1052, %rev3A_1076 : vector<16xf32>
    %masked_sort3A_1079 = arith.constant dense<true> : vector<16xi1>
    %masked_sort3A_1080, %masked_sort3A_1081, %masked_sort3A_1082 = tpu.sort %min3A_1077, %min3A_1077 masked %masked_sort3A_1079 : (vector<16xf32>, vector<16xf32>, vector<16xi1>) -> (vector<16xi1>, vector<16xf32>, vector<16xf32>)
    %masked_sort3A_1083 = arith.constant dense<true> : vector<16xi1>
    %masked_sort3A_1084, %masked_sort3A_1085, %masked_sort3A_1086 = tpu.sort %max3A_1078, %max3A_1078 masked %masked_sort3A_1083 : (vector<16xf32>, vector<16xf32>, vector<16xi1>) -> (vector<16xi1>, vector<16xf32>, vector<16xf32>)
    %reduce_max3A = arith.constant true
    %reduce_max3A_1087 = vector.broadcast %reduce_max3A : i1 to vector<16xi1>
    %reduce_max3A_1088 = tpu.scan <max>, %masked_sort3A_1085 masked %reduce_max3A_1087 : vector<16xf32>, vector<16xi1> -> vector<16xf32>
    %reduce_max3A_1089 = vector.extract %reduce_max3A_1088[15] : f32 from vector<16xf32>
    %broadcast_in_dim3A = vector.broadcast %reduce_max3A_1089 : f32 to vector<16xf32>
    %broadcast_in_dim3A_1090 = arith.constant 0 : i32
    %broadcast_in_dim3A_1091 = vector.broadcast %broadcast_in_dim3A_1090 : i32 to vector<16xi32>
    %broadcast_in_dim3A_1092 = arith.constant 0 : i32
    %broadcast_in_dim3A_1093 = vector.broadcast %broadcast_in_dim3A_1092 : i32 to vector<16xi32>
    %broadcast_in_dim3A_1094 = arith.constant 1 : i32
    %broadcast_in_dim3A_1095 = vector.broadcast %broadcast_in_dim3A_1094 : i32 to vector<16xi32>
    %broadcast_in_dim3A_1096 = arith.constant 0 : i32
    %broadcast_in_dim3A_1097 = vector.broadcast %broadcast_in_dim3A_1096 : i32 to vector<16xi32>
    %lt3A = arith.cmpf olt, %get3A_11, %broadcast_in_dim3A : vector<16xf32>
    %select_n3A = arith.select %lt3A, %broadcast_in_dim3A_1095, %broadcast_in_dim3A_1097 : vector<16xi1>, vector<16xi32>
    %add3A_1098 = arith.addi %broadcast_in_dim3A_1091, %select_n3A : vector<16xi32>
    %eq3A = arith.cmpf oeq, %get3A_11, %broadcast_in_dim3A : vector<16xf32>
    %select_n3A_1099 = arith.select %eq3A, %broadcast_in_dim3A_1095, %broadcast_in_dim3A_1097 : vector<16xi1>, vector<16xi32>
    %add3A_1100 = arith.addi %broadcast_in_dim3A_1093, %select_n3A_1099 : vector<16xi32>
    %lt3A_1101 = arith.cmpf olt, %get3A_13, %broadcast_in_dim3A : vector<16xf32>
    %select_n3A_1102 = arith.select %lt3A_1101, %broadcast_in_dim3A_1095, %broadcast_in_dim3A_1097 : vector<16xi1>, vector<16xi32>
    %add3A_1103 = arith.addi %add3A_1098, %select_n3A_1102 : vector<16xi32>
    %eq3A_1104 = arith.cmpf oeq, %get3A_13, %broadcast_in_dim3A : vector<16xf32>
    %select_n3A_1105 = arith.select %eq3A_1104, %broadcast_in_dim3A_1095, %broadcast_in_dim3A_1097 : vector<16xi1>, vector<16xi32>
    %add3A_1106 = arith.addi %add3A_1100, %select_n3A_1105 : vector<16xi32>
    %lt3A_1107 = arith.cmpf olt, %get3A_15, %broadcast_in_dim3A : vector<16xf32>
    %select_n3A_1108 = arith.select %lt3A_1107, %broadcast_in_dim3A_1095, %broadcast_in_dim3A_1097 : vector<16xi1>, vector<16xi32>
    %add3A_1109 = arith.addi %add3A_1103, %select_n3A_1108 : vector<16xi32>
    %eq3A_1110 = arith.cmpf oeq, %get3A_15, %broadcast_in_dim3A : vector<16xf32>
    %select_n3A_1111 = arith.select %eq3A_1110, %broadcast_in_dim3A_1095, %broadcast_in_dim3A_1097 : vector<16xi1>, vector<16xi32>
    %add3A_1112 = arith.addi %add3A_1106, %select_n3A_1111 : vector<16xi32>
    %lt3A_1113 = arith.cmpf olt, %get3A_17, %broadcast_in_dim3A : vector<16xf32>
    %select_n3A_1114 = arith.select %lt3A_1113, %broadcast_in_dim3A_1095, %broadcast_in_dim3A_1097 : vector<16xi1>, vector<16xi32>
    %add3A_1115 = arith.addi %add3A_1109, %select_n3A_1114 : vector<16xi32>
    %eq3A_1116 = arith.cmpf oeq, %get3A_17, %broadcast_in_dim3A : vector<16xf32>
    %select_n3A_1117 = arith.select %eq3A_1116, %broadcast_in_dim3A_1095, %broadcast_in_dim3A_1097 : vector<16xi1>, vector<16xi32>
    %add3A_1118 = arith.addi %add3A_1112, %select_n3A_1117 : vector<16xi32>
    %lt3A_1119 = arith.cmpf olt, %get3A_19, %broadcast_in_dim3A : vector<16xf32>
    %select_n3A_1120 = arith.select %lt3A_1119, %broadcast_in_dim3A_1095, %broadcast_in_dim3A_1097 : vector<16xi1>, vector<16xi32>
    %add3A_1121 = arith.addi %add3A_1115, %select_n3A_1120 : vector<16xi32>
    %eq3A_1122 = arith.cmpf oeq, %get3A_19, %broadcast_in_dim3A : vector<16xf32>
    %select_n3A_1123 = arith.select %eq3A_1122, %broadcast_in_dim3A_1095, %broadcast_in_dim3A_1097 : vector<16xi1>, vector<16xi32>
    %add3A_1124 = arith.addi %add3A_1118, %select_n3A_1123 : vector<16xi32>
    %lt3A_1125 = arith.cmpf olt, %get3A_21, %broadcast_in_dim3A : vector<16xf32>
    %select_n3A_1126 = arith.select %lt3A_1125, %broadcast_in_dim3A_1095, %broadcast_in_dim3A_1097 : vector<16xi1>, vector<16xi32>
    %add3A_1127 = arith.addi %add3A_1121, %select_n3A_1126 : vector<16xi32>
    %eq3A_1128 = arith.cmpf oeq, %get3A_21, %broadcast_in_dim3A : vector<16xf32>
    %select_n3A_1129 = arith.select %eq3A_1128, %broadcast_in_dim3A_1095, %broadcast_in_dim3A_1097 : vector<16xi1>, vector<16xi32>
    %add3A_1130 = arith.addi %add3A_1124, %select_n3A_1129 : vector<16xi32>
    %lt3A_1131 = arith.cmpf olt, %get3A_23, %broadcast_in_dim3A : vector<16xf32>
    %select_n3A_1132 = arith.select %lt3A_1131, %broadcast_in_dim3A_1095, %broadcast_in_dim3A_1097 : vector<16xi1>, vector<16xi32>
    %add3A_1133 = arith.addi %add3A_1127, %select_n3A_1132 : vector<16xi32>
    %eq3A_1134 = arith.cmpf oeq, %get3A_23, %broadcast_in_dim3A : vector<16xf32>
    %select_n3A_1135 = arith.select %eq3A_1134, %broadcast_in_dim3A_1095, %broadcast_in_dim3A_1097 : vector<16xi1>, vector<16xi32>
    %add3A_1136 = arith.addi %add3A_1130, %select_n3A_1135 : vector<16xi32>
    %lt3A_1137 = arith.cmpf olt, %get3A_25, %broadcast_in_dim3A : vector<16xf32>
    %select_n3A_1138 = arith.select %lt3A_1137, %broadcast_in_dim3A_1095, %broadcast_in_dim3A_1097 : vector<16xi1>, vector<16xi32>
    %add3A_1139 = arith.addi %add3A_1133, %select_n3A_1138 : vector<16xi32>
    %eq3A_1140 = arith.cmpf oeq, %get3A_25, %broadcast_in_dim3A : vector<16xf32>
    %select_n3A_1141 = arith.select %eq3A_1140, %broadcast_in_dim3A_1095, %broadcast_in_dim3A_1097 : vector<16xi1>, vector<16xi32>
    %add3A_1142 = arith.addi %add3A_1136, %select_n3A_1141 : vector<16xi32>
    %lt3A_1143 = arith.cmpf olt, %get3A_27, %broadcast_in_dim3A : vector<16xf32>
    %select_n3A_1144 = arith.select %lt3A_1143, %broadcast_in_dim3A_1095, %broadcast_in_dim3A_1097 : vector<16xi1>, vector<16xi32>
    %add3A_1145 = arith.addi %add3A_1139, %select_n3A_1144 : vector<16xi32>
    %eq3A_1146 = arith.cmpf oeq, %get3A_27, %broadcast_in_dim3A : vector<16xf32>
    %select_n3A_1147 = arith.select %eq3A_1146, %broadcast_in_dim3A_1095, %broadcast_in_dim3A_1097 : vector<16xi1>, vector<16xi32>
    %add3A_1148 = arith.addi %add3A_1142, %select_n3A_1147 : vector<16xi32>
    %lt3A_1149 = arith.cmpf olt, %get3A_29, %broadcast_in_dim3A : vector<16xf32>
    %select_n3A_1150 = arith.select %lt3A_1149, %broadcast_in_dim3A_1095, %broadcast_in_dim3A_1097 : vector<16xi1>, vector<16xi32>
    %add3A_1151 = arith.addi %add3A_1145, %select_n3A_1150 : vector<16xi32>
    %eq3A_1152 = arith.cmpf oeq, %get3A_29, %broadcast_in_dim3A : vector<16xf32>
    %select_n3A_1153 = arith.select %eq3A_1152, %broadcast_in_dim3A_1095, %broadcast_in_dim3A_1097 : vector<16xi1>, vector<16xi32>
    %add3A_1154 = arith.addi %add3A_1148, %select_n3A_1153 : vector<16xi32>
    %lt3A_1155 = arith.cmpf olt, %get3A_31, %broadcast_in_dim3A : vector<16xf32>
    %select_n3A_1156 = arith.select %lt3A_1155, %broadcast_in_dim3A_1095, %broadcast_in_dim3A_1097 : vector<16xi1>, vector<16xi32>
    %add3A_1157 = arith.addi %add3A_1151, %select_n3A_1156 : vector<16xi32>
    %eq3A_1158 = arith.cmpf oeq, %get3A_31, %broadcast_in_dim3A : vector<16xf32>
    %select_n3A_1159 = arith.select %eq3A_1158, %broadcast_in_dim3A_1095, %broadcast_in_dim3A_1097 : vector<16xi1>, vector<16xi32>
    %add3A_1160 = arith.addi %add3A_1154, %select_n3A_1159 : vector<16xi32>
    %lt3A_1161 = arith.cmpf olt, %get3A_33, %broadcast_in_dim3A : vector<16xf32>
    %select_n3A_1162 = arith.select %lt3A_1161, %broadcast_in_dim3A_1095, %broadcast_in_dim3A_1097 : vector<16xi1>, vector<16xi32>
    %add3A_1163 = arith.addi %add3A_1157, %select_n3A_1162 : vector<16xi32>
    %eq3A_1164 = arith.cmpf oeq, %get3A_33, %broadcast_in_dim3A : vector<16xf32>
    %select_n3A_1165 = arith.select %eq3A_1164, %broadcast_in_dim3A_1095, %broadcast_in_dim3A_1097 : vector<16xi1>, vector<16xi32>
    %add3A_1166 = arith.addi %add3A_1160, %select_n3A_1165 : vector<16xi32>
    %lt3A_1167 = arith.cmpf olt, %get3A_35, %broadcast_in_dim3A : vector<16xf32>
    %select_n3A_1168 = arith.select %lt3A_1167, %broadcast_in_dim3A_1095, %broadcast_in_dim3A_1097 : vector<16xi1>, vector<16xi32>
    %add3A_1169 = arith.addi %add3A_1163, %select_n3A_1168 : vector<16xi32>
    %eq3A_1170 = arith.cmpf oeq, %get3A_35, %broadcast_in_dim3A : vector<16xf32>
    %select_n3A_1171 = arith.select %eq3A_1170, %broadcast_in_dim3A_1095, %broadcast_in_dim3A_1097 : vector<16xi1>, vector<16xi32>
    %add3A_1172 = arith.addi %add3A_1166, %select_n3A_1171 : vector<16xi32>
    %lt3A_1173 = arith.cmpf olt, %get3A_37, %broadcast_in_dim3A : vector<16xf32>
    %select_n3A_1174 = arith.select %lt3A_1173, %broadcast_in_dim3A_1095, %broadcast_in_dim3A_1097 : vector<16xi1>, vector<16xi32>
    %add3A_1175 = arith.addi %add3A_1169, %select_n3A_1174 : vector<16xi32>
    %eq3A_1176 = arith.cmpf oeq, %get3A_37, %broadcast_in_dim3A : vector<16xf32>
    %select_n3A_1177 = arith.select %eq3A_1176, %broadcast_in_dim3A_1095, %broadcast_in_dim3A_1097 : vector<16xi1>, vector<16xi32>
    %add3A_1178 = arith.addi %add3A_1172, %select_n3A_1177 : vector<16xi32>
    %lt3A_1179 = arith.cmpf olt, %get3A_39, %broadcast_in_dim3A : vector<16xf32>
    %select_n3A_1180 = arith.select %lt3A_1179, %broadcast_in_dim3A_1095, %broadcast_in_dim3A_1097 : vector<16xi1>, vector<16xi32>
    %add3A_1181 = arith.addi %add3A_1175, %select_n3A_1180 : vector<16xi32>
    %eq3A_1182 = arith.cmpf oeq, %get3A_39, %broadcast_in_dim3A : vector<16xf32>
    %select_n3A_1183 = arith.select %eq3A_1182, %broadcast_in_dim3A_1095, %broadcast_in_dim3A_1097 : vector<16xi1>, vector<16xi32>
    %add3A_1184 = arith.addi %add3A_1178, %select_n3A_1183 : vector<16xi32>
    %lt3A_1185 = arith.cmpf olt, %get3A_41, %broadcast_in_dim3A : vector<16xf32>
    %select_n3A_1186 = arith.select %lt3A_1185, %broadcast_in_dim3A_1095, %broadcast_in_dim3A_1097 : vector<16xi1>, vector<16xi32>
    %add3A_1187 = arith.addi %add3A_1181, %select_n3A_1186 : vector<16xi32>
    %eq3A_1188 = arith.cmpf oeq, %get3A_41, %broadcast_in_dim3A : vector<16xf32>
    %select_n3A_1189 = arith.select %eq3A_1188, %broadcast_in_dim3A_1095, %broadcast_in_dim3A_1097 : vector<16xi1>, vector<16xi32>
    %add3A_1190 = arith.addi %add3A_1184, %select_n3A_1189 : vector<16xi32>
    %lt3A_1191 = arith.cmpf olt, %get3A_43, %broadcast_in_dim3A : vector<16xf32>
    %select_n3A_1192 = arith.select %lt3A_1191, %broadcast_in_dim3A_1095, %broadcast_in_dim3A_1097 : vector<16xi1>, vector<16xi32>
    %add3A_1193 = arith.addi %add3A_1187, %select_n3A_1192 : vector<16xi32>
    %eq3A_1194 = arith.cmpf oeq, %get3A_43, %broadcast_in_dim3A : vector<16xf32>
    %select_n3A_1195 = arith.select %eq3A_1194, %broadcast_in_dim3A_1095, %broadcast_in_dim3A_1097 : vector<16xi1>, vector<16xi32>
    %add3A_1196 = arith.addi %add3A_1190, %select_n3A_1195 : vector<16xi32>
    %lt3A_1197 = arith.cmpf olt, %get3A_45, %broadcast_in_dim3A : vector<16xf32>
    %select_n3A_1198 = arith.select %lt3A_1197, %broadcast_in_dim3A_1095, %broadcast_in_dim3A_1097 : vector<16xi1>, vector<16xi32>
    %add3A_1199 = arith.addi %add3A_1193, %select_n3A_1198 : vector<16xi32>
    %eq3A_1200 = arith.cmpf oeq, %get3A_45, %broadcast_in_dim3A : vector<16xf32>
    %select_n3A_1201 = arith.select %eq3A_1200, %broadcast_in_dim3A_1095, %broadcast_in_dim3A_1097 : vector<16xi1>, vector<16xi32>
    %add3A_1202 = arith.addi %add3A_1196, %select_n3A_1201 : vector<16xi32>
    %lt3A_1203 = arith.cmpf olt, %get3A_47, %broadcast_in_dim3A : vector<16xf32>
    %select_n3A_1204 = arith.select %lt3A_1203, %broadcast_in_dim3A_1095, %broadcast_in_dim3A_1097 : vector<16xi1>, vector<16xi32>
    %add3A_1205 = arith.addi %add3A_1199, %select_n3A_1204 : vector<16xi32>
    %eq3A_1206 = arith.cmpf oeq, %get3A_47, %broadcast_in_dim3A : vector<16xf32>
    %select_n3A_1207 = arith.select %eq3A_1206, %broadcast_in_dim3A_1095, %broadcast_in_dim3A_1097 : vector<16xi1>, vector<16xi32>
    %add3A_1208 = arith.addi %add3A_1202, %select_n3A_1207 : vector<16xi32>
    %lt3A_1209 = arith.cmpf olt, %get3A_49, %broadcast_in_dim3A : vector<16xf32>
    %select_n3A_1210 = arith.select %lt3A_1209, %broadcast_in_dim3A_1095, %broadcast_in_dim3A_1097 : vector<16xi1>, vector<16xi32>
    %add3A_1211 = arith.addi %add3A_1205, %select_n3A_1210 : vector<16xi32>
    %eq3A_1212 = arith.cmpf oeq, %get3A_49, %broadcast_in_dim3A : vector<16xf32>
    %select_n3A_1213 = arith.select %eq3A_1212, %broadcast_in_dim3A_1095, %broadcast_in_dim3A_1097 : vector<16xi1>, vector<16xi32>
    %add3A_1214 = arith.addi %add3A_1208, %select_n3A_1213 : vector<16xi32>
    %lt3A_1215 = arith.cmpf olt, %get3A_51, %broadcast_in_dim3A : vector<16xf32>
    %select_n3A_1216 = arith.select %lt3A_1215, %broadcast_in_dim3A_1095, %broadcast_in_dim3A_1097 : vector<16xi1>, vector<16xi32>
    %add3A_1217 = arith.addi %add3A_1211, %select_n3A_1216 : vector<16xi32>
    %eq3A_1218 = arith.cmpf oeq, %get3A_51, %broadcast_in_dim3A : vector<16xf32>
    %select_n3A_1219 = arith.select %eq3A_1218, %broadcast_in_dim3A_1095, %broadcast_in_dim3A_1097 : vector<16xi1>, vector<16xi32>
    %add3A_1220 = arith.addi %add3A_1214, %select_n3A_1219 : vector<16xi32>
    %lt3A_1221 = arith.cmpf olt, %get3A_53, %broadcast_in_dim3A : vector<16xf32>
    %select_n3A_1222 = arith.select %lt3A_1221, %broadcast_in_dim3A_1095, %broadcast_in_dim3A_1097 : vector<16xi1>, vector<16xi32>
    %add3A_1223 = arith.addi %add3A_1217, %select_n3A_1222 : vector<16xi32>
    %eq3A_1224 = arith.cmpf oeq, %get3A_53, %broadcast_in_dim3A : vector<16xf32>
    %select_n3A_1225 = arith.select %eq3A_1224, %broadcast_in_dim3A_1095, %broadcast_in_dim3A_1097 : vector<16xi1>, vector<16xi32>
    %add3A_1226 = arith.addi %add3A_1220, %select_n3A_1225 : vector<16xi32>
    %lt3A_1227 = arith.cmpf olt, %get3A_55, %broadcast_in_dim3A : vector<16xf32>
    %select_n3A_1228 = arith.select %lt3A_1227, %broadcast_in_dim3A_1095, %broadcast_in_dim3A_1097 : vector<16xi1>, vector<16xi32>
    %add3A_1229 = arith.addi %add3A_1223, %select_n3A_1228 : vector<16xi32>
    %eq3A_1230 = arith.cmpf oeq, %get3A_55, %broadcast_in_dim3A : vector<16xf32>
    %select_n3A_1231 = arith.select %eq3A_1230, %broadcast_in_dim3A_1095, %broadcast_in_dim3A_1097 : vector<16xi1>, vector<16xi32>
    %add3A_1232 = arith.addi %add3A_1226, %select_n3A_1231 : vector<16xi32>
    %lt3A_1233 = arith.cmpf olt, %get3A_57, %broadcast_in_dim3A : vector<16xf32>
    %select_n3A_1234 = arith.select %lt3A_1233, %broadcast_in_dim3A_1095, %broadcast_in_dim3A_1097 : vector<16xi1>, vector<16xi32>
    %add3A_1235 = arith.addi %add3A_1229, %select_n3A_1234 : vector<16xi32>
    %eq3A_1236 = arith.cmpf oeq, %get3A_57, %broadcast_in_dim3A : vector<16xf32>
    %select_n3A_1237 = arith.select %eq3A_1236, %broadcast_in_dim3A_1095, %broadcast_in_dim3A_1097 : vector<16xi1>, vector<16xi32>
    %add3A_1238 = arith.addi %add3A_1232, %select_n3A_1237 : vector<16xi32>
    %lt3A_1239 = arith.cmpf olt, %get3A_59, %broadcast_in_dim3A : vector<16xf32>
    %select_n3A_1240 = arith.select %lt3A_1239, %broadcast_in_dim3A_1095, %broadcast_in_dim3A_1097 : vector<16xi1>, vector<16xi32>
    %add3A_1241 = arith.addi %add3A_1235, %select_n3A_1240 : vector<16xi32>
    %eq3A_1242 = arith.cmpf oeq, %get3A_59, %broadcast_in_dim3A : vector<16xf32>
    %select_n3A_1243 = arith.select %eq3A_1242, %broadcast_in_dim3A_1095, %broadcast_in_dim3A_1097 : vector<16xi1>, vector<16xi32>
    %add3A_1244 = arith.addi %add3A_1238, %select_n3A_1243 : vector<16xi32>
    %lt3A_1245 = arith.cmpf olt, %get3A_61, %broadcast_in_dim3A : vector<16xf32>
    %select_n3A_1246 = arith.select %lt3A_1245, %broadcast_in_dim3A_1095, %broadcast_in_dim3A_1097 : vector<16xi1>, vector<16xi32>
    %add3A_1247 = arith.addi %add3A_1241, %select_n3A_1246 : vector<16xi32>
    %eq3A_1248 = arith.cmpf oeq, %get3A_61, %broadcast_in_dim3A : vector<16xf32>
    %select_n3A_1249 = arith.select %eq3A_1248, %broadcast_in_dim3A_1095, %broadcast_in_dim3A_1097 : vector<16xi1>, vector<16xi32>
    %add3A_1250 = arith.addi %add3A_1244, %select_n3A_1249 : vector<16xi32>
    %lt3A_1251 = arith.cmpf olt, %get3A_63, %broadcast_in_dim3A : vector<16xf32>
    %select_n3A_1252 = arith.select %lt3A_1251, %broadcast_in_dim3A_1095, %broadcast_in_dim3A_1097 : vector<16xi1>, vector<16xi32>
    %add3A_1253 = arith.addi %add3A_1247, %select_n3A_1252 : vector<16xi32>
    %eq3A_1254 = arith.cmpf oeq, %get3A_63, %broadcast_in_dim3A : vector<16xf32>
    %select_n3A_1255 = arith.select %eq3A_1254, %broadcast_in_dim3A_1095, %broadcast_in_dim3A_1097 : vector<16xi1>, vector<16xi32>
    %add3A_1256 = arith.addi %add3A_1250, %select_n3A_1255 : vector<16xi32>
    %lt3A_1257 = arith.cmpf olt, %get3A_65, %broadcast_in_dim3A : vector<16xf32>
    %select_n3A_1258 = arith.select %lt3A_1257, %broadcast_in_dim3A_1095, %broadcast_in_dim3A_1097 : vector<16xi1>, vector<16xi32>
    %add3A_1259 = arith.addi %add3A_1253, %select_n3A_1258 : vector<16xi32>
    %eq3A_1260 = arith.cmpf oeq, %get3A_65, %broadcast_in_dim3A : vector<16xf32>
    %select_n3A_1261 = arith.select %eq3A_1260, %broadcast_in_dim3A_1095, %broadcast_in_dim3A_1097 : vector<16xi1>, vector<16xi32>
    %add3A_1262 = arith.addi %add3A_1256, %select_n3A_1261 : vector<16xi32>
    %lt3A_1263 = arith.cmpf olt, %get3A_67, %broadcast_in_dim3A : vector<16xf32>
    %select_n3A_1264 = arith.select %lt3A_1263, %broadcast_in_dim3A_1095, %broadcast_in_dim3A_1097 : vector<16xi1>, vector<16xi32>
    %add3A_1265 = arith.addi %add3A_1259, %select_n3A_1264 : vector<16xi32>
    %eq3A_1266 = arith.cmpf oeq, %get3A_67, %broadcast_in_dim3A : vector<16xf32>
    %select_n3A_1267 = arith.select %eq3A_1266, %broadcast_in_dim3A_1095, %broadcast_in_dim3A_1097 : vector<16xi1>, vector<16xi32>
    %add3A_1268 = arith.addi %add3A_1262, %select_n3A_1267 : vector<16xi32>
    %lt3A_1269 = arith.cmpf olt, %get3A_69, %broadcast_in_dim3A : vector<16xf32>
    %select_n3A_1270 = arith.select %lt3A_1269, %broadcast_in_dim3A_1095, %broadcast_in_dim3A_1097 : vector<16xi1>, vector<16xi32>
    %add3A_1271 = arith.addi %add3A_1265, %select_n3A_1270 : vector<16xi32>
    %eq3A_1272 = arith.cmpf oeq, %get3A_69, %broadcast_in_dim3A : vector<16xf32>
    %select_n3A_1273 = arith.select %eq3A_1272, %broadcast_in_dim3A_1095, %broadcast_in_dim3A_1097 : vector<16xi1>, vector<16xi32>
    %add3A_1274 = arith.addi %add3A_1268, %select_n3A_1273 : vector<16xi32>
    %lt3A_1275 = arith.cmpf olt, %get3A_71, %broadcast_in_dim3A : vector<16xf32>
    %select_n3A_1276 = arith.select %lt3A_1275, %broadcast_in_dim3A_1095, %broadcast_in_dim3A_1097 : vector<16xi1>, vector<16xi32>
    %add3A_1277 = arith.addi %add3A_1271, %select_n3A_1276 : vector<16xi32>
    %eq3A_1278 = arith.cmpf oeq, %get3A_71, %broadcast_in_dim3A : vector<16xf32>
    %select_n3A_1279 = arith.select %eq3A_1278, %broadcast_in_dim3A_1095, %broadcast_in_dim3A_1097 : vector<16xi1>, vector<16xi32>
    %add3A_1280 = arith.addi %add3A_1274, %select_n3A_1279 : vector<16xi32>
    %lt3A_1281 = arith.cmpf olt, %get3A_73, %broadcast_in_dim3A : vector<16xf32>
    %select_n3A_1282 = arith.select %lt3A_1281, %broadcast_in_dim3A_1095, %broadcast_in_dim3A_1097 : vector<16xi1>, vector<16xi32>
    %add3A_1283 = arith.addi %add3A_1277, %select_n3A_1282 : vector<16xi32>
    %eq3A_1284 = arith.cmpf oeq, %get3A_73, %broadcast_in_dim3A : vector<16xf32>
    %select_n3A_1285 = arith.select %eq3A_1284, %broadcast_in_dim3A_1095, %broadcast_in_dim3A_1097 : vector<16xi1>, vector<16xi32>
    %add3A_1286 = arith.addi %add3A_1280, %select_n3A_1285 : vector<16xi32>
    %lt3A_1287 = arith.cmpf olt, %get3A_75, %broadcast_in_dim3A : vector<16xf32>
    %select_n3A_1288 = arith.select %lt3A_1287, %broadcast_in_dim3A_1095, %broadcast_in_dim3A_1097 : vector<16xi1>, vector<16xi32>
    %add3A_1289 = arith.addi %add3A_1283, %select_n3A_1288 : vector<16xi32>
    %eq3A_1290 = arith.cmpf oeq, %get3A_75, %broadcast_in_dim3A : vector<16xf32>
    %select_n3A_1291 = arith.select %eq3A_1290, %broadcast_in_dim3A_1095, %broadcast_in_dim3A_1097 : vector<16xi1>, vector<16xi32>
    %add3A_1292 = arith.addi %add3A_1286, %select_n3A_1291 : vector<16xi32>
    %lt3A_1293 = arith.cmpf olt, %get3A_77, %broadcast_in_dim3A : vector<16xf32>
    %select_n3A_1294 = arith.select %lt3A_1293, %broadcast_in_dim3A_1095, %broadcast_in_dim3A_1097 : vector<16xi1>, vector<16xi32>
    %add3A_1295 = arith.addi %add3A_1289, %select_n3A_1294 : vector<16xi32>
    %eq3A_1296 = arith.cmpf oeq, %get3A_77, %broadcast_in_dim3A : vector<16xf32>
    %select_n3A_1297 = arith.select %eq3A_1296, %broadcast_in_dim3A_1095, %broadcast_in_dim3A_1097 : vector<16xi1>, vector<16xi32>
    %add3A_1298 = arith.addi %add3A_1292, %select_n3A_1297 : vector<16xi32>
    %lt3A_1299 = arith.cmpf olt, %get3A_79, %broadcast_in_dim3A : vector<16xf32>
    %select_n3A_1300 = arith.select %lt3A_1299, %broadcast_in_dim3A_1095, %broadcast_in_dim3A_1097 : vector<16xi1>, vector<16xi32>
    %add3A_1301 = arith.addi %add3A_1295, %select_n3A_1300 : vector<16xi32>
    %eq3A_1302 = arith.cmpf oeq, %get3A_79, %broadcast_in_dim3A : vector<16xf32>
    %select_n3A_1303 = arith.select %eq3A_1302, %broadcast_in_dim3A_1095, %broadcast_in_dim3A_1097 : vector<16xi1>, vector<16xi32>
    %add3A_1304 = arith.addi %add3A_1298, %select_n3A_1303 : vector<16xi32>
    %lt3A_1305 = arith.cmpf olt, %get3A_81, %broadcast_in_dim3A : vector<16xf32>
    %select_n3A_1306 = arith.select %lt3A_1305, %broadcast_in_dim3A_1095, %broadcast_in_dim3A_1097 : vector<16xi1>, vector<16xi32>
    %add3A_1307 = arith.addi %add3A_1301, %select_n3A_1306 : vector<16xi32>
    %eq3A_1308 = arith.cmpf oeq, %get3A_81, %broadcast_in_dim3A : vector<16xf32>
    %select_n3A_1309 = arith.select %eq3A_1308, %broadcast_in_dim3A_1095, %broadcast_in_dim3A_1097 : vector<16xi1>, vector<16xi32>
    %add3A_1310 = arith.addi %add3A_1304, %select_n3A_1309 : vector<16xi32>
    %reduce_sum3A = arith.constant true
    %reduce_sum3A_1311 = vector.broadcast %reduce_sum3A : i1 to vector<16xi1>
    %reduce_sum3A_1312 = tpu.scan <sum>, %add3A_1307 masked %reduce_sum3A_1311 : vector<16xi32>, vector<16xi1> -> vector<16xi32>
    %reduce_sum3A_1313 = vector.extract %reduce_sum3A_1312[15] : i32 from vector<16xi32>
    %reduce_sum3A_1314 = arith.constant true
    %reduce_sum3A_1315 = vector.broadcast %reduce_sum3A_1314 : i1 to vector<16xi1>
    %reduce_sum3A_1316 = tpu.scan <sum>, %add3A_1310 masked %reduce_sum3A_1315 : vector<16xi32>, vector<16xi1> -> vector<16xi32>
    %reduce_sum3A_1317 = vector.extract %reduce_sum3A_1316[15] : i32 from vector<16xi32>
    %sub3A = arith.constant 32 : i32
    %sub3A_1318 = arith.subi %sub3A, %reduce_sum3A_1313 : i32
    %sub3A_1319 = arith.subi %reduce_sum3A_1317, %sub3A_1318 : i32
    %broadcast_in_dim3A_1320 = vector.broadcast %sub3A_1319 : i32 to vector<16xi32>
    %swap3A = arith.constant 0 : index
    %swap3A_1321 = tpu.vector_load %arg5[%swap3A] {strides = array<i32>} : memref<640xi32, #tpu.memory_space<vmem>>, vector<16xi32>,
    tpu.vector_store %arg5[%swap3A], %broadcast_in_dim3A_1097 {strides = array<i32>} : memref<640xi32, #tpu.memory_space<vmem>>, vector<16xi32>,
    %iota3A = tpu.iota {dimensions = array<i32: 0>} : vector<16xi32>
    %eq3A_1322 = arith.cmpf oeq, %get3A_11, %broadcast_in_dim3A : vector<16xf32>
    %select_n3A_1323 = arith.select %eq3A_1322, %broadcast_in_dim3A_1095, %broadcast_in_dim3A_1097 : vector<16xi1>, vector<16xi32>
    %broadcast_in_dim3A_1324 = arith.constant true
    %broadcast_in_dim3A_1325 = vector.broadcast %broadcast_in_dim3A_1324 : i1 to vector<16xi1>
    %masked_cumsum3A = tpu.scan <sum>, %select_n3A_1323 masked %broadcast_in_dim3A_1325 : vector<16xi32>, vector<16xi1> -> vector<16xi32>
    %broadcast_in_dim3A_1326 = arith.constant 0 : i32
    %broadcast_in_dim3A_1327 = vector.broadcast %broadcast_in_dim3A_1326 : i32 to vector<16xi32>
    %add3A_1328 = arith.addi %masked_cumsum3A, %broadcast_in_dim3A_1327 : vector<16xi32>
    %gt3A = arith.cmpf ogt, %get3A_11, %broadcast_in_dim3A : vector<16xf32>
    %le3A = arith.cmpi sle, %add3A_1328, %broadcast_in_dim3A_1320 : vector<16xi32>
    %and3A = arith.andi %eq3A_1322, %le3A : vector<16xi1>
    %or3A = arith.ori %gt3A, %and3A : vector<16xi1>
    %add3A_1329 = arith.constant 1 : i32
    %add3A_1330 = vector.broadcast %add3A_1329 : i32 to vector<16xi32>
    %add3A_1331 = arith.addi %iota3A, %add3A_1330 : vector<16xi32>
    %swap3A_1332 = arith.constant 1 : i32
    %swap3A_1333 = arith.index_cast %swap3A_1332 : i32 to index
    %swap3A_1334 = tpu.vector_load %arg5[%swap3A_1333] masked %or3A {strides = array<i32>} : memref<640xi32, #tpu.memory_space<vmem>>, vector<16xi32>, vector<16xi1>
    tpu.vector_store %arg5[%swap3A_1333], %add3A_1331 masked %or3A {strides = array<i32>} : memref<640xi32, #tpu.memory_space<vmem>>, vector<16xi32>, vector<16xi1>
    %select_n3A_1335 = arith.select %or3A, %broadcast_in_dim3A_1095, %broadcast_in_dim3A_1097 : vector<16xi1>, vector<16xi32>
    %reduce_sum3A_1336 = arith.constant true
    %reduce_sum3A_1337 = vector.broadcast %reduce_sum3A_1336 : i1 to vector<16xi1>
    %reduce_sum3A_1338 = tpu.scan <sum>, %select_n3A_1335 masked %reduce_sum3A_1337 : vector<16xi32>, vector<16xi1> -> vector<16xi32>
    %reduce_sum3A_1339 = vector.extract %reduce_sum3A_1338[15] : i32 from vector<16xi32>
    %add3A_1340 = arith.constant 1 : i32
    %add3A_1341 = arith.addi %add3A_1340, %reduce_sum3A_1339 : i32
    %reduce_sum3A_1342 = arith.constant true
    %reduce_sum3A_1343 = vector.broadcast %reduce_sum3A_1342 : i1 to vector<16xi1>
    %reduce_sum3A_1344 = tpu.scan <sum>, %select_n3A_1323 masked %reduce_sum3A_1343 : vector<16xi32>, vector<16xi1> -> vector<16xi32>
    %reduce_sum3A_1345 = vector.extract %reduce_sum3A_1344[15] : i32 from vector<16xi32>
    %add3A_1346 = arith.constant 0 : i32
    %add3A_1347 = arith.addi %add3A_1346, %reduce_sum3A_1345 : i32
    %eq3A_1348 = arith.cmpf oeq, %get3A_13, %broadcast_in_dim3A : vector<16xf32>
    %select_n3A_1349 = arith.select %eq3A_1348, %broadcast_in_dim3A_1095, %broadcast_in_dim3A_1097 : vector<16xi1>, vector<16xi32>
    %broadcast_in_dim3A_1350 = arith.constant true
    %broadcast_in_dim3A_1351 = vector.broadcast %broadcast_in_dim3A_1350 : i1 to vector<16xi1>
    %masked_cumsum3A_1352 = tpu.scan <sum>, %select_n3A_1349 masked %broadcast_in_dim3A_1351 : vector<16xi32>, vector<16xi1> -> vector<16xi32>
    %broadcast_in_dim3A_1353 = vector.broadcast %add3A_1347 : i32 to vector<16xi32>
    %add3A_1354 = arith.addi %masked_cumsum3A_1352, %broadcast_in_dim3A_1353 : vector<16xi32>
    %gt3A_1355 = arith.cmpf ogt, %get3A_13, %broadcast_in_dim3A : vector<16xf32>
    %le3A_1356 = arith.cmpi sle, %add3A_1354, %broadcast_in_dim3A_1320 : vector<16xi32>
    %and3A_1357 = arith.andi %eq3A_1348, %le3A_1356 : vector<16xi1>
    %or3A_1358 = arith.ori %gt3A_1355, %and3A_1357 : vector<16xi1>
    %add3A_1359 = arith.constant 17 : i32
    %add3A_1360 = vector.broadcast %add3A_1359 : i32 to vector<16xi32>
    %add3A_1361 = arith.addi %iota3A, %add3A_1360 : vector<16xi32>
    %swap3A_1362 = arith.index_cast %add3A_1341 : i32 to index
    %swap3A_1363 = tpu.vector_load %arg5[%swap3A_1362] masked %or3A_1358 {strides = array<i32>} : memref<640xi32, #tpu.memory_space<vmem>>, vector<16xi32>, vector<16xi1>
    tpu.vector_store %arg5[%swap3A_1362], %add3A_1361 masked %or3A_1358 {strides = array<i32>} : memref<640xi32, #tpu.memory_space<vmem>>, vector<16xi32>, vector<16xi1>
    %select_n3A_1364 = arith.select %or3A_1358, %broadcast_in_dim3A_1095, %broadcast_in_dim3A_1097 : vector<16xi1>, vector<16xi32>
    %reduce_sum3A_1365 = arith.constant true
    %reduce_sum3A_1366 = vector.broadcast %reduce_sum3A_1365 : i1 to vector<16xi1>
    %reduce_sum3A_1367 = tpu.scan <sum>, %select_n3A_1364 masked %reduce_sum3A_1366 : vector<16xi32>, vector<16xi1> -> vector<16xi32>
    %reduce_sum3A_1368 = vector.extract %reduce_sum3A_1367[15] : i32 from vector<16xi32>
    %add3A_1369 = arith.addi %add3A_1341, %reduce_sum3A_1368 : i32
    %reduce_sum3A_1370 = arith.constant true
    %reduce_sum3A_1371 = vector.broadcast %reduce_sum3A_1370 : i1 to vector<16xi1>
    %reduce_sum3A_1372 = tpu.scan <sum>, %select_n3A_1349 masked %reduce_sum3A_1371 : vector<16xi32>, vector<16xi1> -> vector<16xi32>
    %reduce_sum3A_1373 = vector.extract %reduce_sum3A_1372[15] : i32 from vector<16xi32>
    %add3A_1374 = arith.addi %add3A_1347, %reduce_sum3A_1373 : i32
    %eq3A_1375 = arith.cmpf oeq, %get3A_15, %broadcast_in_dim3A : vector<16xf32>
    %select_n3A_1376 = arith.select %eq3A_1375, %broadcast_in_dim3A_1095, %broadcast_in_dim3A_1097 : vector<16xi1>, vector<16xi32>
    %broadcast_in_dim3A_1377 = arith.constant true
    %broadcast_in_dim3A_1378 = vector.broadcast %broadcast_in_dim3A_1377 : i1 to vector<16xi1>
    %masked_cumsum3A_1379 = tpu.scan <sum>, %select_n3A_1376 masked %broadcast_in_dim3A_1378 : vector<16xi32>, vector<16xi1> -> vector<16xi32>
    %broadcast_in_dim3A_1380 = vector.broadcast %add3A_1374 : i32 to vector<16xi32>
    %add3A_1381 = arith.addi %masked_cumsum3A_1379, %broadcast_in_dim3A_1380 : vector<16xi32>
    %gt3A_1382 = arith.cmpf ogt, %get3A_15, %broadcast_in_dim3A : vector<16xf32>
    %le3A_1383 = arith.cmpi sle, %add3A_1381, %broadcast_in_dim3A_1320 : vector<16xi32>
    %and3A_1384 = arith.andi %eq3A_1375, %le3A_1383 : vector<16xi1>
    %or3A_1385 = arith.ori %gt3A_1382, %and3A_1384 : vector<16xi1>
    %add3A_1386 = arith.constant 33 : i32
    %add3A_1387 = vector.broadcast %add3A_1386 : i32 to vector<16xi32>
    %add3A_1388 = arith.addi %iota3A, %add3A_1387 : vector<16xi32>
    %swap3A_1389 = arith.index_cast %add3A_1369 : i32 to index
    %swap3A_1390 = tpu.vector_load %arg5[%swap3A_1389] masked %or3A_1385 {strides = array<i32>} : memref<640xi32, #tpu.memory_space<vmem>>, vector<16xi32>, vector<16xi1>
    tpu.vector_store %arg5[%swap3A_1389], %add3A_1388 masked %or3A_1385 {strides = array<i32>} : memref<640xi32, #tpu.memory_space<vmem>>, vector<16xi32>, vector<16xi1>
    %select_n3A_1391 = arith.select %or3A_1385, %broadcast_in_dim3A_1095, %broadcast_in_dim3A_1097 : vector<16xi1>, vector<16xi32>
    %reduce_sum3A_1392 = arith.constant true
    %reduce_sum3A_1393 = vector.broadcast %reduce_sum3A_1392 : i1 to vector<16xi1>
    %reduce_sum3A_1394 = tpu.scan <sum>, %select_n3A_1391 masked %reduce_sum3A_1393 : vector<16xi32>, vector<16xi1> -> vector<16xi32>
    %reduce_sum3A_1395 = vector.extract %reduce_sum3A_1394[15] : i32 from vector<16xi32>
    %add3A_1396 = arith.addi %add3A_1369, %reduce_sum3A_1395 : i32
    %reduce_sum3A_1397 = arith.constant true
    %reduce_sum3A_1398 = vector.broadcast %reduce_sum3A_1397 : i1 to vector<16xi1>
    %reduce_sum3A_1399 = tpu.scan <sum>, %select_n3A_1376 masked %reduce_sum3A_1398 : vector<16xi32>, vector<16xi1> -> vector<16xi32>
    %reduce_sum3A_1400 = vector.extract %reduce_sum3A_1399[15] : i32 from vector<16xi32>
    %add3A_1401 = arith.addi %add3A_1374, %reduce_sum3A_1400 : i32
    %eq3A_1402 = arith.cmpf oeq, %get3A_17, %broadcast_in_dim3A : vector<16xf32>
    %select_n3A_1403 = arith.select %eq3A_1402, %broadcast_in_dim3A_1095, %broadcast_in_dim3A_1097 : vector<16xi1>, vector<16xi32>
    %broadcast_in_dim3A_1404 = arith.constant true
    %broadcast_in_dim3A_1405 = vector.broadcast %broadcast_in_dim3A_1404 : i1 to vector<16xi1>
    %masked_cumsum3A_1406 = tpu.scan <sum>, %select_n3A_1403 masked %broadcast_in_dim3A_1405 : vector<16xi32>, vector<16xi1> -> vector<16xi32>
    %broadcast_in_dim3A_1407 = vector.broadcast %add3A_1401 : i32 to vector<16xi32>
    %add3A_1408 = arith.addi %masked_cumsum3A_1406, %broadcast_in_dim3A_1407 : vector<16xi32>
    %gt3A_1409 = arith.cmpf ogt, %get3A_17, %broadcast_in_dim3A : vector<16xf32>
    %le3A_1410 = arith.cmpi sle, %add3A_1408, %broadcast_in_dim3A_1320 : vector<16xi32>
    %and3A_1411 = arith.andi %eq3A_1402, %le3A_1410 : vector<16xi1>
    %or3A_1412 = arith.ori %gt3A_1409, %and3A_1411 : vector<16xi1>
    %add3A_1413 = arith.constant 49 : i32
    %add3A_1414 = vector.broadcast %add3A_1413 : i32 to vector<16xi32>
    %add3A_1415 = arith.addi %iota3A, %add3A_1414 : vector<16xi32>
    %swap3A_1416 = arith.index_cast %add3A_1396 : i32 to index
    %swap3A_1417 = tpu.vector_load %arg5[%swap3A_1416] masked %or3A_1412 {strides = array<i32>} : memref<640xi32, #tpu.memory_space<vmem>>, vector<16xi32>, vector<16xi1>
    tpu.vector_store %arg5[%swap3A_1416], %add3A_1415 masked %or3A_1412 {strides = array<i32>} : memref<640xi32, #tpu.memory_space<vmem>>, vector<16xi32>, vector<16xi1>
    %select_n3A_1418 = arith.select %or3A_1412, %broadcast_in_dim3A_1095, %broadcast_in_dim3A_1097 : vector<16xi1>, vector<16xi32>
    %reduce_sum3A_1419 = arith.constant true
    %reduce_sum3A_1420 = vector.broadcast %reduce_sum3A_1419 : i1 to vector<16xi1>
    %reduce_sum3A_1421 = tpu.scan <sum>, %select_n3A_1418 masked %reduce_sum3A_1420 : vector<16xi32>, vector<16xi1> -> vector<16xi32>
    %reduce_sum3A_1422 = vector.extract %reduce_sum3A_1421[15] : i32 from vector<16xi32>
    %add3A_1423 = arith.addi %add3A_1396, %reduce_sum3A_1422 : i32
    %reduce_sum3A_1424 = arith.constant true
    %reduce_sum3A_1425 = vector.broadcast %reduce_sum3A_1424 : i1 to vector<16xi1>
    %reduce_sum3A_1426 = tpu.scan <sum>, %select_n3A_1403 masked %reduce_sum3A_1425 : vector<16xi32>, vector<16xi1> -> vector<16xi32>
    %reduce_sum3A_1427 = vector.extract %reduce_sum3A_1426[15] : i32 from vector<16xi32>
    %add3A_1428 = arith.addi %add3A_1401, %reduce_sum3A_1427 : i32
    %eq3A_1429 = arith.cmpf oeq, %get3A_19, %broadcast_in_dim3A : vector<16xf32>
    %select_n3A_1430 = arith.select %eq3A_1429, %broadcast_in_dim3A_1095, %broadcast_in_dim3A_1097 : vector<16xi1>, vector<16xi32>
    %broadcast_in_dim3A_1431 = arith.constant true
    %broadcast_in_dim3A_1432 = vector.broadcast %broadcast_in_dim3A_1431 : i1 to vector<16xi1>
    %masked_cumsum3A_1433 = tpu.scan <sum>, %select_n3A_1430 masked %broadcast_in_dim3A_1432 : vector<16xi32>, vector<16xi1> -> vector<16xi32>
    %broadcast_in_dim3A_1434 = vector.broadcast %add3A_1428 : i32 to vector<16xi32>
    %add3A_1435 = arith.addi %masked_cumsum3A_1433, %broadcast_in_dim3A_1434 : vector<16xi32>
    %gt3A_1436 = arith.cmpf ogt, %get3A_19, %broadcast_in_dim3A : vector<16xf32>
    %le3A_1437 = arith.cmpi sle, %add3A_1435, %broadcast_in_dim3A_1320 : vector<16xi32>
    %and3A_1438 = arith.andi %eq3A_1429, %le3A_1437 : vector<16xi1>
    %or3A_1439 = arith.ori %gt3A_1436, %and3A_1438 : vector<16xi1>
    %add3A_1440 = arith.constant 65 : i32
    %add3A_1441 = vector.broadcast %add3A_1440 : i32 to vector<16xi32>
    %add3A_1442 = arith.addi %iota3A, %add3A_1441 : vector<16xi32>
    %swap3A_1443 = arith.index_cast %add3A_1423 : i32 to index
    %swap3A_1444 = tpu.vector_load %arg5[%swap3A_1443] masked %or3A_1439 {strides = array<i32>} : memref<640xi32, #tpu.memory_space<vmem>>, vector<16xi32>, vector<16xi1>
    tpu.vector_store %arg5[%swap3A_1443], %add3A_1442 masked %or3A_1439 {strides = array<i32>} : memref<640xi32, #tpu.memory_space<vmem>>, vector<16xi32>, vector<16xi1>
    %select_n3A_1445 = arith.select %or3A_1439, %broadcast_in_dim3A_1095, %broadcast_in_dim3A_1097 : vector<16xi1>, vector<16xi32>
    %reduce_sum3A_1446 = arith.constant true
    %reduce_sum3A_1447 = vector.broadcast %reduce_sum3A_1446 : i1 to vector<16xi1>
    %reduce_sum3A_1448 = tpu.scan <sum>, %select_n3A_1445 masked %reduce_sum3A_1447 : vector<16xi32>, vector<16xi1> -> vector<16xi32>
    %reduce_sum3A_1449 = vector.extract %reduce_sum3A_1448[15] : i32 from vector<16xi32>
    %add3A_1450 = arith.addi %add3A_1423, %reduce_sum3A_1449 : i32
    %reduce_sum3A_1451 = arith.constant true
    %reduce_sum3A_1452 = vector.broadcast %reduce_sum3A_1451 : i1 to vector<16xi1>
    %reduce_sum3A_1453 = tpu.scan <sum>, %select_n3A_1430 masked %reduce_sum3A_1452 : vector<16xi32>, vector<16xi1> -> vector<16xi32>
    %reduce_sum3A_1454 = vector.extract %reduce_sum3A_1453[15] : i32 from vector<16xi32>
    %add3A_1455 = arith.addi %add3A_1428, %reduce_sum3A_1454 : i32
    %eq3A_1456 = arith.cmpf oeq, %get3A_21, %broadcast_in_dim3A : vector<16xf32>
    %select_n3A_1457 = arith.select %eq3A_1456, %broadcast_in_dim3A_1095, %broadcast_in_dim3A_1097 : vector<16xi1>, vector<16xi32>
    %broadcast_in_dim3A_1458 = arith.constant true
    %broadcast_in_dim3A_1459 = vector.broadcast %broadcast_in_dim3A_1458 : i1 to vector<16xi1>
    %masked_cumsum3A_1460 = tpu.scan <sum>, %select_n3A_1457 masked %broadcast_in_dim3A_1459 : vector<16xi32>, vector<16xi1> -> vector<16xi32>
    %broadcast_in_dim3A_1461 = vector.broadcast %add3A_1455 : i32 to vector<16xi32>
    %add3A_1462 = arith.addi %masked_cumsum3A_1460, %broadcast_in_dim3A_1461 : vector<16xi32>
    %gt3A_1463 = arith.cmpf ogt, %get3A_21, %broadcast_in_dim3A : vector<16xf32>
    %le3A_1464 = arith.cmpi sle, %add3A_1462, %broadcast_in_dim3A_1320 : vector<16xi32>
    %and3A_1465 = arith.andi %eq3A_1456, %le3A_1464 : vector<16xi1>
    %or3A_1466 = arith.ori %gt3A_1463, %and3A_1465 : vector<16xi1>
    %add3A_1467 = arith.constant 81 : i32
    %add3A_1468 = vector.broadcast %add3A_1467 : i32 to vector<16xi32>
    %add3A_1469 = arith.addi %iota3A, %add3A_1468 : vector<16xi32>
    %swap3A_1470 = arith.index_cast %add3A_1450 : i32 to index
    %swap3A_1471 = tpu.vector_load %arg5[%swap3A_1470] masked %or3A_1466 {strides = array<i32>} : memref<640xi32, #tpu.memory_space<vmem>>, vector<16xi32>, vector<16xi1>
    tpu.vector_store %arg5[%swap3A_1470], %add3A_1469 masked %or3A_1466 {strides = array<i32>} : memref<640xi32, #tpu.memory_space<vmem>>, vector<16xi32>, vector<16xi1>
    %select_n3A_1472 = arith.select %or3A_1466, %broadcast_in_dim3A_1095, %broadcast_in_dim3A_1097 : vector<16xi1>, vector<16xi32>
    %reduce_sum3A_1473 = arith.constant true
    %reduce_sum3A_1474 = vector.broadcast %reduce_sum3A_1473 : i1 to vector<16xi1>
    %reduce_sum3A_1475 = tpu.scan <sum>, %select_n3A_1472 masked %reduce_sum3A_1474 : vector<16xi32>, vector<16xi1> -> vector<16xi32>
    %reduce_sum3A_1476 = vector.extract %reduce_sum3A_1475[15] : i32 from vector<16xi32>
    %add3A_1477 = arith.addi %add3A_1450, %reduce_sum3A_1476 : i32
    %reduce_sum3A_1478 = arith.constant true
    %reduce_sum3A_1479 = vector.broadcast %reduce_sum3A_1478 : i1 to vector<16xi1>
    %reduce_sum3A_1480 = tpu.scan <sum>, %select_n3A_1457 masked %reduce_sum3A_1479 : vector<16xi32>, vector<16xi1> -> vector<16xi32>
    %reduce_sum3A_1481 = vector.extract %reduce_sum3A_1480[15] : i32 from vector<16xi32>
    %add3A_1482 = arith.addi %add3A_1455, %reduce_sum3A_1481 : i32
    %eq3A_1483 = arith.cmpf oeq, %get3A_23, %broadcast_in_dim3A : vector<16xf32>
    %select_n3A_1484 = arith.select %eq3A_1483, %broadcast_in_dim3A_1095, %broadcast_in_dim3A_1097 : vector<16xi1>, vector<16xi32>
    %broadcast_in_dim3A_1485 = arith.constant true
    %broadcast_in_dim3A_1486 = vector.broadcast %broadcast_in_dim3A_1485 : i1 to vector<16xi1>
    %masked_cumsum3A_1487 = tpu.scan <sum>, %select_n3A_1484 masked %broadcast_in_dim3A_1486 : vector<16xi32>, vector<16xi1> -> vector<16xi32>
    %broadcast_in_dim3A_1488 = vector.broadcast %add3A_1482 : i32 to vector<16xi32>
    %add3A_1489 = arith.addi %masked_cumsum3A_1487, %broadcast_in_dim3A_1488 : vector<16xi32>
    %gt3A_1490 = arith.cmpf ogt, %get3A_23, %broadcast_in_dim3A : vector<16xf32>
    %le3A_1491 = arith.cmpi sle, %add3A_1489, %broadcast_in_dim3A_1320 : vector<16xi32>
    %and3A_1492 = arith.andi %eq3A_1483, %le3A_1491 : vector<16xi1>
    %or3A_1493 = arith.ori %gt3A_1490, %and3A_1492 : vector<16xi1>
    %add3A_1494 = arith.constant 97 : i32
    %add3A_1495 = vector.broadcast %add3A_1494 : i32 to vector<16xi32>
    %add3A_1496 = arith.addi %iota3A, %add3A_1495 : vector<16xi32>
    %swap3A_1497 = arith.index_cast %add3A_1477 : i32 to index
    %swap3A_1498 = tpu.vector_load %arg5[%swap3A_1497] masked %or3A_1493 {strides = array<i32>} : memref<640xi32, #tpu.memory_space<vmem>>, vector<16xi32>, vector<16xi1>
    tpu.vector_store %arg5[%swap3A_1497], %add3A_1496 masked %or3A_1493 {strides = array<i32>} : memref<640xi32, #tpu.memory_space<vmem>>, vector<16xi32>, vector<16xi1>
    %select_n3A_1499 = arith.select %or3A_1493, %broadcast_in_dim3A_1095, %broadcast_in_dim3A_1097 : vector<16xi1>, vector<16xi32>
    %reduce_sum3A_1500 = arith.constant true
    %reduce_sum3A_1501 = vector.broadcast %reduce_sum3A_1500 : i1 to vector<16xi1>
    %reduce_sum3A_1502 = tpu.scan <sum>, %select_n3A_1499 masked %reduce_sum3A_1501 : vector<16xi32>, vector<16xi1> -> vector<16xi32>
    %reduce_sum3A_1503 = vector.extract %reduce_sum3A_1502[15] : i32 from vector<16xi32>
    %add3A_1504 = arith.addi %add3A_1477, %reduce_sum3A_1503 : i32
    %reduce_sum3A_1505 = arith.constant true
    %reduce_sum3A_1506 = vector.broadcast %reduce_sum3A_1505 : i1 to vector<16xi1>
    %reduce_sum3A_1507 = tpu.scan <sum>, %select_n3A_1484 masked %reduce_sum3A_1506 : vector<16xi32>, vector<16xi1> -> vector<16xi32>
    %reduce_sum3A_1508 = vector.extract %reduce_sum3A_1507[15] : i32 from vector<16xi32>
    %add3A_1509 = arith.addi %add3A_1482, %reduce_sum3A_1508 : i32
    %eq3A_1510 = arith.cmpf oeq, %get3A_25, %broadcast_in_dim3A : vector<16xf32>
    %select_n3A_1511 = arith.select %eq3A_1510, %broadcast_in_dim3A_1095, %broadcast_in_dim3A_1097 : vector<16xi1>, vector<16xi32>
    %broadcast_in_dim3A_1512 = arith.constant true
    %broadcast_in_dim3A_1513 = vector.broadcast %broadcast_in_dim3A_1512 : i1 to vector<16xi1>
    %masked_cumsum3A_1514 = tpu.scan <sum>, %select_n3A_1511 masked %broadcast_in_dim3A_1513 : vector<16xi32>, vector<16xi1> -> vector<16xi32>
    %broadcast_in_dim3A_1515 = vector.broadcast %add3A_1509 : i32 to vector<16xi32>
    %add3A_1516 = arith.addi %masked_cumsum3A_1514, %broadcast_in_dim3A_1515 : vector<16xi32>
    %gt3A_1517 = arith.cmpf ogt, %get3A_25, %broadcast_in_dim3A : vector<16xf32>
    %le3A_1518 = arith.cmpi sle, %add3A_1516, %broadcast_in_dim3A_1320 : vector<16xi32>
    %and3A_1519 = arith.andi %eq3A_1510, %le3A_1518 : vector<16xi1>
    %or3A_1520 = arith.ori %gt3A_1517, %and3A_1519 : vector<16xi1>
    %add3A_1521 = arith.constant 113 : i32
    %add3A_1522 = vector.broadcast %add3A_1521 : i32 to vector<16xi32>
    %add3A_1523 = arith.addi %iota3A, %add3A_1522 : vector<16xi32>
    %swap3A_1524 = arith.index_cast %add3A_1504 : i32 to index
    %swap3A_1525 = tpu.vector_load %arg5[%swap3A_1524] masked %or3A_1520 {strides = array<i32>} : memref<640xi32, #tpu.memory_space<vmem>>, vector<16xi32>, vector<16xi1>
    tpu.vector_store %arg5[%swap3A_1524], %add3A_1523 masked %or3A_1520 {strides = array<i32>} : memref<640xi32, #tpu.memory_space<vmem>>, vector<16xi32>, vector<16xi1>
    %select_n3A_1526 = arith.select %or3A_1520, %broadcast_in_dim3A_1095, %broadcast_in_dim3A_1097 : vector<16xi1>, vector<16xi32>
    %reduce_sum3A_1527 = arith.constant true
    %reduce_sum3A_1528 = vector.broadcast %reduce_sum3A_1527 : i1 to vector<16xi1>
    %reduce_sum3A_1529 = tpu.scan <sum>, %select_n3A_1526 masked %reduce_sum3A_1528 : vector<16xi32>, vector<16xi1> -> vector<16xi32>
    %reduce_sum3A_1530 = vector.extract %reduce_sum3A_1529[15] : i32 from vector<16xi32>
    %add3A_1531 = arith.addi %add3A_1504, %reduce_sum3A_1530 : i32
    %reduce_sum3A_1532 = arith.constant true
    %reduce_sum3A_1533 = vector.broadcast %reduce_sum3A_1532 : i1 to vector<16xi1>
    %reduce_sum3A_1534 = tpu.scan <sum>, %select_n3A_1511 masked %reduce_sum3A_1533 : vector<16xi32>, vector<16xi1> -> vector<16xi32>
    %reduce_sum3A_1535 = vector.extract %reduce_sum3A_1534[15] : i32 from vector<16xi32>
    %add3A_1536 = arith.addi %add3A_1509, %reduce_sum3A_1535 : i32
    %eq3A_1537 = arith.cmpf oeq, %get3A_27, %broadcast_in_dim3A : vector<16xf32>
    %select_n3A_1538 = arith.select %eq3A_1537, %broadcast_in_dim3A_1095, %broadcast_in_dim3A_1097 : vector<16xi1>, vector<16xi32>
    %broadcast_in_dim3A_1539 = arith.constant true
    %broadcast_in_dim3A_1540 = vector.broadcast %broadcast_in_dim3A_1539 : i1 to vector<16xi1>
    %masked_cumsum3A_1541 = tpu.scan <sum>, %select_n3A_1538 masked %broadcast_in_dim3A_1540 : vector<16xi32>, vector<16xi1> -> vector<16xi32>
    %broadcast_in_dim3A_1542 = vector.broadcast %add3A_1536 : i32 to vector<16xi32>
    %add3A_1543 = arith.addi %masked_cumsum3A_1541, %broadcast_in_dim3A_1542 : vector<16xi32>
    %gt3A_1544 = arith.cmpf ogt, %get3A_27, %broadcast_in_dim3A : vector<16xf32>
    %le3A_1545 = arith.cmpi sle, %add3A_1543, %broadcast_in_dim3A_1320 : vector<16xi32>
    %and3A_1546 = arith.andi %eq3A_1537, %le3A_1545 : vector<16xi1>
    %or3A_1547 = arith.ori %gt3A_1544, %and3A_1546 : vector<16xi1>
    %add3A_1548 = arith.constant 129 : i32
    %add3A_1549 = vector.broadcast %add3A_1548 : i32 to vector<16xi32>
    %add3A_1550 = arith.addi %iota3A, %add3A_1549 : vector<16xi32>
    %swap3A_1551 = arith.index_cast %add3A_1531 : i32 to index
    %swap3A_1552 = tpu.vector_load %arg5[%swap3A_1551] masked %or3A_1547 {strides = array<i32>} : memref<640xi32, #tpu.memory_space<vmem>>, vector<16xi32>, vector<16xi1>
    tpu.vector_store %arg5[%swap3A_1551], %add3A_1550 masked %or3A_1547 {strides = array<i32>} : memref<640xi32, #tpu.memory_space<vmem>>, vector<16xi32>, vector<16xi1>
    %select_n3A_1553 = arith.select %or3A_1547, %broadcast_in_dim3A_1095, %broadcast_in_dim3A_1097 : vector<16xi1>, vector<16xi32>
    %reduce_sum3A_1554 = arith.constant true
    %reduce_sum3A_1555 = vector.broadcast %reduce_sum3A_1554 : i1 to vector<16xi1>
    %reduce_sum3A_1556 = tpu.scan <sum>, %select_n3A_1553 masked %reduce_sum3A_1555 : vector<16xi32>, vector<16xi1> -> vector<16xi32>
    %reduce_sum3A_1557 = vector.extract %reduce_sum3A_1556[15] : i32 from vector<16xi32>
    %add3A_1558 = arith.addi %add3A_1531, %reduce_sum3A_1557 : i32
    %reduce_sum3A_1559 = arith.constant true
    %reduce_sum3A_1560 = vector.broadcast %reduce_sum3A_1559 : i1 to vector<16xi1>
    %reduce_sum3A_1561 = tpu.scan <sum>, %select_n3A_1538 masked %reduce_sum3A_1560 : vector<16xi32>, vector<16xi1> -> vector<16xi32>
    %reduce_sum3A_1562 = vector.extract %reduce_sum3A_1561[15] : i32 from vector<16xi32>
    %add3A_1563 = arith.addi %add3A_1536, %reduce_sum3A_1562 : i32
    %eq3A_1564 = arith.cmpf oeq, %get3A_29, %broadcast_in_dim3A : vector<16xf32>
    %select_n3A_1565 = arith.select %eq3A_1564, %broadcast_in_dim3A_1095, %broadcast_in_dim3A_1097 : vector<16xi1>, vector<16xi32>
    %broadcast_in_dim3A_1566 = arith.constant true
    %broadcast_in_dim3A_1567 = vector.broadcast %broadcast_in_dim3A_1566 : i1 to vector<16xi1>
    %masked_cumsum3A_1568 = tpu.scan <sum>, %select_n3A_1565 masked %broadcast_in_dim3A_1567 : vector<16xi32>, vector<16xi1> -> vector<16xi32>
    %broadcast_in_dim3A_1569 = vector.broadcast %add3A_1563 : i32 to vector<16xi32>
    %add3A_1570 = arith.addi %masked_cumsum3A_1568, %broadcast_in_dim3A_1569 : vector<16xi32>
    %gt3A_1571 = arith.cmpf ogt, %get3A_29, %broadcast_in_dim3A : vector<16xf32>
    %le3A_1572 = arith.cmpi sle, %add3A_1570, %broadcast_in_dim3A_1320 : vector<16xi32>
    %and3A_1573 = arith.andi %eq3A_1564, %le3A_1572 : vector<16xi1>
    %or3A_1574 = arith.ori %gt3A_1571, %and3A_1573 : vector<16xi1>
    %add3A_1575 = arith.constant 145 : i32
    %add3A_1576 = vector.broadcast %add3A_1575 : i32 to vector<16xi32>
    %add3A_1577 = arith.addi %iota3A, %add3A_1576 : vector<16xi32>
    %swap3A_1578 = arith.index_cast %add3A_1558 : i32 to index
    %swap3A_1579 = tpu.vector_load %arg5[%swap3A_1578] masked %or3A_1574 {strides = array<i32>} : memref<640xi32, #tpu.memory_space<vmem>>, vector<16xi32>, vector<16xi1>
    tpu.vector_store %arg5[%swap3A_1578], %add3A_1577 masked %or3A_1574 {strides = array<i32>} : memref<640xi32, #tpu.memory_space<vmem>>, vector<16xi32>, vector<16xi1>
    %select_n3A_1580 = arith.select %or3A_1574, %broadcast_in_dim3A_1095, %broadcast_in_dim3A_1097 : vector<16xi1>, vector<16xi32>
    %reduce_sum3A_1581 = arith.constant true
    %reduce_sum3A_1582 = vector.broadcast %reduce_sum3A_1581 : i1 to vector<16xi1>
    %reduce_sum3A_1583 = tpu.scan <sum>, %select_n3A_1580 masked %reduce_sum3A_1582 : vector<16xi32>, vector<16xi1> -> vector<16xi32>
    %reduce_sum3A_1584 = vector.extract %reduce_sum3A_1583[15] : i32 from vector<16xi32>
    %add3A_1585 = arith.addi %add3A_1558, %reduce_sum3A_1584 : i32
    %reduce_sum3A_1586 = arith.constant true
    %reduce_sum3A_1587 = vector.broadcast %reduce_sum3A_1586 : i1 to vector<16xi1>
    %reduce_sum3A_1588 = tpu.scan <sum>, %select_n3A_1565 masked %reduce_sum3A_1587 : vector<16xi32>, vector<16xi1> -> vector<16xi32>
    %reduce_sum3A_1589 = vector.extract %reduce_sum3A_1588[15] : i32 from vector<16xi32>
    %add3A_1590 = arith.addi %add3A_1563, %reduce_sum3A_1589 : i32
    %eq3A_1591 = arith.cmpf oeq, %get3A_31, %broadcast_in_dim3A : vector<16xf32>
    %select_n3A_1592 = arith.select %eq3A_1591, %broadcast_in_dim3A_1095, %broadcast_in_dim3A_1097 : vector<16xi1>, vector<16xi32>
    %broadcast_in_dim3A_1593 = arith.constant true
    %broadcast_in_dim3A_1594 = vector.broadcast %broadcast_in_dim3A_1593 : i1 to vector<16xi1>
    %masked_cumsum3A_1595 = tpu.scan <sum>, %select_n3A_1592 masked %broadcast_in_dim3A_1594 : vector<16xi32>, vector<16xi1> -> vector<16xi32>
    %broadcast_in_dim3A_1596 = vector.broadcast %add3A_1590 : i32 to vector<16xi32>
    %add3A_1597 = arith.addi %masked_cumsum3A_1595, %broadcast_in_dim3A_1596 : vector<16xi32>
    %gt3A_1598 = arith.cmpf ogt, %get3A_31, %broadcast_in_dim3A : vector<16xf32>
    %le3A_1599 = arith.cmpi sle, %add3A_1597, %broadcast_in_dim3A_1320 : vector<16xi32>
    %and3A_1600 = arith.andi %eq3A_1591, %le3A_1599 : vector<16xi1>
    %or3A_1601 = arith.ori %gt3A_1598, %and3A_1600 : vector<16xi1>
    %add3A_1602 = arith.constant 161 : i32
    %add3A_1603 = vector.broadcast %add3A_1602 : i32 to vector<16xi32>
    %add3A_1604 = arith.addi %iota3A, %add3A_1603 : vector<16xi32>
    %swap3A_1605 = arith.index_cast %add3A_1585 : i32 to index
    %swap3A_1606 = tpu.vector_load %arg5[%swap3A_1605] masked %or3A_1601 {strides = array<i32>} : memref<640xi32, #tpu.memory_space<vmem>>, vector<16xi32>, vector<16xi1>
    tpu.vector_store %arg5[%swap3A_1605], %add3A_1604 masked %or3A_1601 {strides = array<i32>} : memref<640xi32, #tpu.memory_space<vmem>>, vector<16xi32>, vector<16xi1>
    %select_n3A_1607 = arith.select %or3A_1601, %broadcast_in_dim3A_1095, %broadcast_in_dim3A_1097 : vector<16xi1>, vector<16xi32>
    %reduce_sum3A_1608 = arith.constant true
    %reduce_sum3A_1609 = vector.broadcast %reduce_sum3A_1608 : i1 to vector<16xi1>
    %reduce_sum3A_1610 = tpu.scan <sum>, %select_n3A_1607 masked %reduce_sum3A_1609 : vector<16xi32>, vector<16xi1> -> vector<16xi32>
    %reduce_sum3A_1611 = vector.extract %reduce_sum3A_1610[15] : i32 from vector<16xi32>
    %add3A_1612 = arith.addi %add3A_1585, %reduce_sum3A_1611 : i32
    %reduce_sum3A_1613 = arith.constant true
    %reduce_sum3A_1614 = vector.broadcast %reduce_sum3A_1613 : i1 to vector<16xi1>
    %reduce_sum3A_1615 = tpu.scan <sum>, %select_n3A_1592 masked %reduce_sum3A_1614 : vector<16xi32>, vector<16xi1> -> vector<16xi32>
    %reduce_sum3A_1616 = vector.extract %reduce_sum3A_1615[15] : i32 from vector<16xi32>
    %add3A_1617 = arith.addi %add3A_1590, %reduce_sum3A_1616 : i32
    %eq3A_1618 = arith.cmpf oeq, %get3A_33, %broadcast_in_dim3A : vector<16xf32>
    %select_n3A_1619 = arith.select %eq3A_1618, %broadcast_in_dim3A_1095, %broadcast_in_dim3A_1097 : vector<16xi1>, vector<16xi32>
    %broadcast_in_dim3A_1620 = arith.constant true
    %broadcast_in_dim3A_1621 = vector.broadcast %broadcast_in_dim3A_1620 : i1 to vector<16xi1>
    %masked_cumsum3A_1622 = tpu.scan <sum>, %select_n3A_1619 masked %broadcast_in_dim3A_1621 : vector<16xi32>, vector<16xi1> -> vector<16xi32>
    %broadcast_in_dim3A_1623 = vector.broadcast %add3A_1617 : i32 to vector<16xi32>
    %add3A_1624 = arith.addi %masked_cumsum3A_1622, %broadcast_in_dim3A_1623 : vector<16xi32>
    %gt3A_1625 = arith.cmpf ogt, %get3A_33, %broadcast_in_dim3A : vector<16xf32>
    %le3A_1626 = arith.cmpi sle, %add3A_1624, %broadcast_in_dim3A_1320 : vector<16xi32>
    %and3A_1627 = arith.andi %eq3A_1618, %le3A_1626 : vector<16xi1>
    %or3A_1628 = arith.ori %gt3A_1625, %and3A_1627 : vector<16xi1>
    %add3A_1629 = arith.constant 177 : i32
    %add3A_1630 = vector.broadcast %add3A_1629 : i32 to vector<16xi32>
    %add3A_1631 = arith.addi %iota3A, %add3A_1630 : vector<16xi32>
    %swap3A_1632 = arith.index_cast %add3A_1612 : i32 to index
    %swap3A_1633 = tpu.vector_load %arg5[%swap3A_1632] masked %or3A_1628 {strides = array<i32>} : memref<640xi32, #tpu.memory_space<vmem>>, vector<16xi32>, vector<16xi1>
    tpu.vector_store %arg5[%swap3A_1632], %add3A_1631 masked %or3A_1628 {strides = array<i32>} : memref<640xi32, #tpu.memory_space<vmem>>, vector<16xi32>, vector<16xi1>
    %select_n3A_1634 = arith.select %or3A_1628, %broadcast_in_dim3A_1095, %broadcast_in_dim3A_1097 : vector<16xi1>, vector<16xi32>
    %reduce_sum3A_1635 = arith.constant true
    %reduce_sum3A_1636 = vector.broadcast %reduce_sum3A_1635 : i1 to vector<16xi1>
    %reduce_sum3A_1637 = tpu.scan <sum>, %select_n3A_1634 masked %reduce_sum3A_1636 : vector<16xi32>, vector<16xi1> -> vector<16xi32>
    %reduce_sum3A_1638 = vector.extract %reduce_sum3A_1637[15] : i32 from vector<16xi32>
    %add3A_1639 = arith.addi %add3A_1612, %reduce_sum3A_1638 : i32
    %reduce_sum3A_1640 = arith.constant true
    %reduce_sum3A_1641 = vector.broadcast %reduce_sum3A_1640 : i1 to vector<16xi1>
    %reduce_sum3A_1642 = tpu.scan <sum>, %select_n3A_1619 masked %reduce_sum3A_1641 : vector<16xi32>, vector<16xi1> -> vector<16xi32>
    %reduce_sum3A_1643 = vector.extract %reduce_sum3A_1642[15] : i32 from vector<16xi32>
    %add3A_1644 = arith.addi %add3A_1617, %reduce_sum3A_1643 : i32
    %eq3A_1645 = arith.cmpf oeq, %get3A_35, %broadcast_in_dim3A : vector<16xf32>
    %select_n3A_1646 = arith.select %eq3A_1645, %broadcast_in_dim3A_1095, %broadcast_in_dim3A_1097 : vector<16xi1>, vector<16xi32>
    %broadcast_in_dim3A_1647 = arith.constant true
    %broadcast_in_dim3A_1648 = vector.broadcast %broadcast_in_dim3A_1647 : i1 to vector<16xi1>
    %masked_cumsum3A_1649 = tpu.scan <sum>, %select_n3A_1646 masked %broadcast_in_dim3A_1648 : vector<16xi32>, vector<16xi1> -> vector<16xi32>
    %broadcast_in_dim3A_1650 = vector.broadcast %add3A_1644 : i32 to vector<16xi32>
    %add3A_1651 = arith.addi %masked_cumsum3A_1649, %broadcast_in_dim3A_1650 : vector<16xi32>
    %gt3A_1652 = arith.cmpf ogt, %get3A_35, %broadcast_in_dim3A : vector<16xf32>
    %le3A_1653 = arith.cmpi sle, %add3A_1651, %broadcast_in_dim3A_1320 : vector<16xi32>
    %and3A_1654 = arith.andi %eq3A_1645, %le3A_1653 : vector<16xi1>
    %or3A_1655 = arith.ori %gt3A_1652, %and3A_1654 : vector<16xi1>
    %add3A_1656 = arith.constant 193 : i32
    %add3A_1657 = vector.broadcast %add3A_1656 : i32 to vector<16xi32>
    %add3A_1658 = arith.addi %iota3A, %add3A_1657 : vector<16xi32>
    %swap3A_1659 = arith.index_cast %add3A_1639 : i32 to index
    %swap3A_1660 = tpu.vector_load %arg5[%swap3A_1659] masked %or3A_1655 {strides = array<i32>} : memref<640xi32, #tpu.memory_space<vmem>>, vector<16xi32>, vector<16xi1>
    tpu.vector_store %arg5[%swap3A_1659], %add3A_1658 masked %or3A_1655 {strides = array<i32>} : memref<640xi32, #tpu.memory_space<vmem>>, vector<16xi32>, vector<16xi1>
    %select_n3A_1661 = arith.select %or3A_1655, %broadcast_in_dim3A_1095, %broadcast_in_dim3A_1097 : vector<16xi1>, vector<16xi32>
    %reduce_sum3A_1662 = arith.constant true
    %reduce_sum3A_1663 = vector.broadcast %reduce_sum3A_1662 : i1 to vector<16xi1>
    %reduce_sum3A_1664 = tpu.scan <sum>, %select_n3A_1661 masked %reduce_sum3A_1663 : vector<16xi32>, vector<16xi1> -> vector<16xi32>
    %reduce_sum3A_1665 = vector.extract %reduce_sum3A_1664[15] : i32 from vector<16xi32>
    %add3A_1666 = arith.addi %add3A_1639, %reduce_sum3A_1665 : i32
    %reduce_sum3A_1667 = arith.constant true
    %reduce_sum3A_1668 = vector.broadcast %reduce_sum3A_1667 : i1 to vector<16xi1>
    %reduce_sum3A_1669 = tpu.scan <sum>, %select_n3A_1646 masked %reduce_sum3A_1668 : vector<16xi32>, vector<16xi1> -> vector<16xi32>
    %reduce_sum3A_1670 = vector.extract %reduce_sum3A_1669[15] : i32 from vector<16xi32>
    %add3A_1671 = arith.addi %add3A_1644, %reduce_sum3A_1670 : i32
    %eq3A_1672 = arith.cmpf oeq, %get3A_37, %broadcast_in_dim3A : vector<16xf32>
    %select_n3A_1673 = arith.select %eq3A_1672, %broadcast_in_dim3A_1095, %broadcast_in_dim3A_1097 : vector<16xi1>, vector<16xi32>
    %broadcast_in_dim3A_1674 = arith.constant true
    %broadcast_in_dim3A_1675 = vector.broadcast %broadcast_in_dim3A_1674 : i1 to vector<16xi1>
    %masked_cumsum3A_1676 = tpu.scan <sum>, %select_n3A_1673 masked %broadcast_in_dim3A_1675 : vector<16xi32>, vector<16xi1> -> vector<16xi32>
    %broadcast_in_dim3A_1677 = vector.broadcast %add3A_1671 : i32 to vector<16xi32>
    %add3A_1678 = arith.addi %masked_cumsum3A_1676, %broadcast_in_dim3A_1677 : vector<16xi32>
    %gt3A_1679 = arith.cmpf ogt, %get3A_37, %broadcast_in_dim3A : vector<16xf32>
    %le3A_1680 = arith.cmpi sle, %add3A_1678, %broadcast_in_dim3A_1320 : vector<16xi32>
    %and3A_1681 = arith.andi %eq3A_1672, %le3A_1680 : vector<16xi1>
    %or3A_1682 = arith.ori %gt3A_1679, %and3A_1681 : vector<16xi1>
    %add3A_1683 = arith.constant 209 : i32
    %add3A_1684 = vector.broadcast %add3A_1683 : i32 to vector<16xi32>
    %add3A_1685 = arith.addi %iota3A, %add3A_1684 : vector<16xi32>
    %swap3A_1686 = arith.index_cast %add3A_1666 : i32 to index
    %swap3A_1687 = tpu.vector_load %arg5[%swap3A_1686] masked %or3A_1682 {strides = array<i32>} : memref<640xi32, #tpu.memory_space<vmem>>, vector<16xi32>, vector<16xi1>
    tpu.vector_store %arg5[%swap3A_1686], %add3A_1685 masked %or3A_1682 {strides = array<i32>} : memref<640xi32, #tpu.memory_space<vmem>>, vector<16xi32>, vector<16xi1>
    %select_n3A_1688 = arith.select %or3A_1682, %broadcast_in_dim3A_1095, %broadcast_in_dim3A_1097 : vector<16xi1>, vector<16xi32>
    %reduce_sum3A_1689 = arith.constant true
    %reduce_sum3A_1690 = vector.broadcast %reduce_sum3A_1689 : i1 to vector<16xi1>
    %reduce_sum3A_1691 = tpu.scan <sum>, %select_n3A_1688 masked %reduce_sum3A_1690 : vector<16xi32>, vector<16xi1> -> vector<16xi32>
    %reduce_sum3A_1692 = vector.extract %reduce_sum3A_1691[15] : i32 from vector<16xi32>
    %add3A_1693 = arith.addi %add3A_1666, %reduce_sum3A_1692 : i32
    %reduce_sum3A_1694 = arith.constant true
    %reduce_sum3A_1695 = vector.broadcast %reduce_sum3A_1694 : i1 to vector<16xi1>
    %reduce_sum3A_1696 = tpu.scan <sum>, %select_n3A_1673 masked %reduce_sum3A_1695 : vector<16xi32>, vector<16xi1> -> vector<16xi32>
    %reduce_sum3A_1697 = vector.extract %reduce_sum3A_1696[15] : i32 from vector<16xi32>
    %add3A_1698 = arith.addi %add3A_1671, %reduce_sum3A_1697 : i32
    %eq3A_1699 = arith.cmpf oeq, %get3A_39, %broadcast_in_dim3A : vector<16xf32>
    %select_n3A_1700 = arith.select %eq3A_1699, %broadcast_in_dim3A_1095, %broadcast_in_dim3A_1097 : vector<16xi1>, vector<16xi32>
    %broadcast_in_dim3A_1701 = arith.constant true
    %broadcast_in_dim3A_1702 = vector.broadcast %broadcast_in_dim3A_1701 : i1 to vector<16xi1>
    %masked_cumsum3A_1703 = tpu.scan <sum>, %select_n3A_1700 masked %broadcast_in_dim3A_1702 : vector<16xi32>, vector<16xi1> -> vector<16xi32>
    %broadcast_in_dim3A_1704 = vector.broadcast %add3A_1698 : i32 to vector<16xi32>
    %add3A_1705 = arith.addi %masked_cumsum3A_1703, %broadcast_in_dim3A_1704 : vector<16xi32>
    %gt3A_1706 = arith.cmpf ogt, %get3A_39, %broadcast_in_dim3A : vector<16xf32>
    %le3A_1707 = arith.cmpi sle, %add3A_1705, %broadcast_in_dim3A_1320 : vector<16xi32>
    %and3A_1708 = arith.andi %eq3A_1699, %le3A_1707 : vector<16xi1>
    %or3A_1709 = arith.ori %gt3A_1706, %and3A_1708 : vector<16xi1>
    %add3A_1710 = arith.constant 225 : i32
    %add3A_1711 = vector.broadcast %add3A_1710 : i32 to vector<16xi32>
    %add3A_1712 = arith.addi %iota3A, %add3A_1711 : vector<16xi32>
    %swap3A_1713 = arith.index_cast %add3A_1693 : i32 to index
    %swap3A_1714 = tpu.vector_load %arg5[%swap3A_1713] masked %or3A_1709 {strides = array<i32>} : memref<640xi32, #tpu.memory_space<vmem>>, vector<16xi32>, vector<16xi1>
    tpu.vector_store %arg5[%swap3A_1713], %add3A_1712 masked %or3A_1709 {strides = array<i32>} : memref<640xi32, #tpu.memory_space<vmem>>, vector<16xi32>, vector<16xi1>
    %select_n3A_1715 = arith.select %or3A_1709, %broadcast_in_dim3A_1095, %broadcast_in_dim3A_1097 : vector<16xi1>, vector<16xi32>
    %reduce_sum3A_1716 = arith.constant true
    %reduce_sum3A_1717 = vector.broadcast %reduce_sum3A_1716 : i1 to vector<16xi1>
    %reduce_sum3A_1718 = tpu.scan <sum>, %select_n3A_1715 masked %reduce_sum3A_1717 : vector<16xi32>, vector<16xi1> -> vector<16xi32>
    %reduce_sum3A_1719 = vector.extract %reduce_sum3A_1718[15] : i32 from vector<16xi32>
    %add3A_1720 = arith.addi %add3A_1693, %reduce_sum3A_1719 : i32
    %reduce_sum3A_1721 = arith.constant true
    %reduce_sum3A_1722 = vector.broadcast %reduce_sum3A_1721 : i1 to vector<16xi1>
    %reduce_sum3A_1723 = tpu.scan <sum>, %select_n3A_1700 masked %reduce_sum3A_1722 : vector<16xi32>, vector<16xi1> -> vector<16xi32>
    %reduce_sum3A_1724 = vector.extract %reduce_sum3A_1723[15] : i32 from vector<16xi32>
    %add3A_1725 = arith.addi %add3A_1698, %reduce_sum3A_1724 : i32
    %eq3A_1726 = arith.cmpf oeq, %get3A_41, %broadcast_in_dim3A : vector<16xf32>
    %select_n3A_1727 = arith.select %eq3A_1726, %broadcast_in_dim3A_1095, %broadcast_in_dim3A_1097 : vector<16xi1>, vector<16xi32>
    %broadcast_in_dim3A_1728 = arith.constant true
    %broadcast_in_dim3A_1729 = vector.broadcast %broadcast_in_dim3A_1728 : i1 to vector<16xi1>
    %masked_cumsum3A_1730 = tpu.scan <sum>, %select_n3A_1727 masked %broadcast_in_dim3A_1729 : vector<16xi32>, vector<16xi1> -> vector<16xi32>
    %broadcast_in_dim3A_1731 = vector.broadcast %add3A_1725 : i32 to vector<16xi32>
    %add3A_1732 = arith.addi %masked_cumsum3A_1730, %broadcast_in_dim3A_1731 : vector<16xi32>
    %gt3A_1733 = arith.cmpf ogt, %get3A_41, %broadcast_in_dim3A : vector<16xf32>
    %le3A_1734 = arith.cmpi sle, %add3A_1732, %broadcast_in_dim3A_1320 : vector<16xi32>
    %and3A_1735 = arith.andi %eq3A_1726, %le3A_1734 : vector<16xi1>
    %or3A_1736 = arith.ori %gt3A_1733, %and3A_1735 : vector<16xi1>
    %add3A_1737 = arith.constant 241 : i32
    %add3A_1738 = vector.broadcast %add3A_1737 : i32 to vector<16xi32>
    %add3A_1739 = arith.addi %iota3A, %add3A_1738 : vector<16xi32>
    %swap3A_1740 = arith.index_cast %add3A_1720 : i32 to index
    %swap3A_1741 = tpu.vector_load %arg5[%swap3A_1740] masked %or3A_1736 {strides = array<i32>} : memref<640xi32, #tpu.memory_space<vmem>>, vector<16xi32>, vector<16xi1>
    tpu.vector_store %arg5[%swap3A_1740], %add3A_1739 masked %or3A_1736 {strides = array<i32>} : memref<640xi32, #tpu.memory_space<vmem>>, vector<16xi32>, vector<16xi1>
    %select_n3A_1742 = arith.select %or3A_1736, %broadcast_in_dim3A_1095, %broadcast_in_dim3A_1097 : vector<16xi1>, vector<16xi32>
    %reduce_sum3A_1743 = arith.constant true
    %reduce_sum3A_1744 = vector.broadcast %reduce_sum3A_1743 : i1 to vector<16xi1>
    %reduce_sum3A_1745 = tpu.scan <sum>, %select_n3A_1742 masked %reduce_sum3A_1744 : vector<16xi32>, vector<16xi1> -> vector<16xi32>
    %reduce_sum3A_1746 = vector.extract %reduce_sum3A_1745[15] : i32 from vector<16xi32>
    %add3A_1747 = arith.addi %add3A_1720, %reduce_sum3A_1746 : i32
    %reduce_sum3A_1748 = arith.constant true
    %reduce_sum3A_1749 = vector.broadcast %reduce_sum3A_1748 : i1 to vector<16xi1>
    %reduce_sum3A_1750 = tpu.scan <sum>, %select_n3A_1727 masked %reduce_sum3A_1749 : vector<16xi32>, vector<16xi1> -> vector<16xi32>
    %reduce_sum3A_1751 = vector.extract %reduce_sum3A_1750[15] : i32 from vector<16xi32>
    %add3A_1752 = arith.addi %add3A_1725, %reduce_sum3A_1751 : i32
    %eq3A_1753 = arith.cmpf oeq, %get3A_43, %broadcast_in_dim3A : vector<16xf32>
    %select_n3A_1754 = arith.select %eq3A_1753, %broadcast_in_dim3A_1095, %broadcast_in_dim3A_1097 : vector<16xi1>, vector<16xi32>
    %broadcast_in_dim3A_1755 = arith.constant true
    %broadcast_in_dim3A_1756 = vector.broadcast %broadcast_in_dim3A_1755 : i1 to vector<16xi1>
    %masked_cumsum3A_1757 = tpu.scan <sum>, %select_n3A_1754 masked %broadcast_in_dim3A_1756 : vector<16xi32>, vector<16xi1> -> vector<16xi32>
    %broadcast_in_dim3A_1758 = vector.broadcast %add3A_1752 : i32 to vector<16xi32>
    %add3A_1759 = arith.addi %masked_cumsum3A_1757, %broadcast_in_dim3A_1758 : vector<16xi32>
    %gt3A_1760 = arith.cmpf ogt, %get3A_43, %broadcast_in_dim3A : vector<16xf32>
    %le3A_1761 = arith.cmpi sle, %add3A_1759, %broadcast_in_dim3A_1320 : vector<16xi32>
    %and3A_1762 = arith.andi %eq3A_1753, %le3A_1761 : vector<16xi1>
    %or3A_1763 = arith.ori %gt3A_1760, %and3A_1762 : vector<16xi1>
    %add3A_1764 = arith.constant 257 : i32
    %add3A_1765 = vector.broadcast %add3A_1764 : i32 to vector<16xi32>
    %add3A_1766 = arith.addi %iota3A, %add3A_1765 : vector<16xi32>
    %swap3A_1767 = arith.index_cast %add3A_1747 : i32 to index
    %swap3A_1768 = tpu.vector_load %arg5[%swap3A_1767] masked %or3A_1763 {strides = array<i32>} : memref<640xi32, #tpu.memory_space<vmem>>, vector<16xi32>, vector<16xi1>
    tpu.vector_store %arg5[%swap3A_1767], %add3A_1766 masked %or3A_1763 {strides = array<i32>} : memref<640xi32, #tpu.memory_space<vmem>>, vector<16xi32>, vector<16xi1>
    %select_n3A_1769 = arith.select %or3A_1763, %broadcast_in_dim3A_1095, %broadcast_in_dim3A_1097 : vector<16xi1>, vector<16xi32>
    %reduce_sum3A_1770 = arith.constant true
    %reduce_sum3A_1771 = vector.broadcast %reduce_sum3A_1770 : i1 to vector<16xi1>
    %reduce_sum3A_1772 = tpu.scan <sum>, %select_n3A_1769 masked %reduce_sum3A_1771 : vector<16xi32>, vector<16xi1> -> vector<16xi32>
    %reduce_sum3A_1773 = vector.extract %reduce_sum3A_1772[15] : i32 from vector<16xi32>
    %add3A_1774 = arith.addi %add3A_1747, %reduce_sum3A_1773 : i32
    %reduce_sum3A_1775 = arith.constant true
    %reduce_sum3A_1776 = vector.broadcast %reduce_sum3A_1775 : i1 to vector<16xi1>
    %reduce_sum3A_1777 = tpu.scan <sum>, %select_n3A_1754 masked %reduce_sum3A_1776 : vector<16xi32>, vector<16xi1> -> vector<16xi32>
    %reduce_sum3A_1778 = vector.extract %reduce_sum3A_1777[15] : i32 from vector<16xi32>
    %add3A_1779 = arith.addi %add3A_1752, %reduce_sum3A_1778 : i32
    %eq3A_1780 = arith.cmpf oeq, %get3A_45, %broadcast_in_dim3A : vector<16xf32>
    %select_n3A_1781 = arith.select %eq3A_1780, %broadcast_in_dim3A_1095, %broadcast_in_dim3A_1097 : vector<16xi1>, vector<16xi32>
    %broadcast_in_dim3A_1782 = arith.constant true
    %broadcast_in_dim3A_1783 = vector.broadcast %broadcast_in_dim3A_1782 : i1 to vector<16xi1>
    %masked_cumsum3A_1784 = tpu.scan <sum>, %select_n3A_1781 masked %broadcast_in_dim3A_1783 : vector<16xi32>, vector<16xi1> -> vector<16xi32>
    %broadcast_in_dim3A_1785 = vector.broadcast %add3A_1779 : i32 to vector<16xi32>
    %add3A_1786 = arith.addi %masked_cumsum3A_1784, %broadcast_in_dim3A_1785 : vector<16xi32>
    %gt3A_1787 = arith.cmpf ogt, %get3A_45, %broadcast_in_dim3A : vector<16xf32>
    %le3A_1788 = arith.cmpi sle, %add3A_1786, %broadcast_in_dim3A_1320 : vector<16xi32>
    %and3A_1789 = arith.andi %eq3A_1780, %le3A_1788 : vector<16xi1>
    %or3A_1790 = arith.ori %gt3A_1787, %and3A_1789 : vector<16xi1>
    %add3A_1791 = arith.constant 273 : i32
    %add3A_1792 = vector.broadcast %add3A_1791 : i32 to vector<16xi32>
    %add3A_1793 = arith.addi %iota3A, %add3A_1792 : vector<16xi32>
    %swap3A_1794 = arith.index_cast %add3A_1774 : i32 to index
    %swap3A_1795 = tpu.vector_load %arg5[%swap3A_1794] masked %or3A_1790 {strides = array<i32>} : memref<640xi32, #tpu.memory_space<vmem>>, vector<16xi32>, vector<16xi1>
    tpu.vector_store %arg5[%swap3A_1794], %add3A_1793 masked %or3A_1790 {strides = array<i32>} : memref<640xi32, #tpu.memory_space<vmem>>, vector<16xi32>, vector<16xi1>
    %select_n3A_1796 = arith.select %or3A_1790, %broadcast_in_dim3A_1095, %broadcast_in_dim3A_1097 : vector<16xi1>, vector<16xi32>
    %reduce_sum3A_1797 = arith.constant true
    %reduce_sum3A_1798 = vector.broadcast %reduce_sum3A_1797 : i1 to vector<16xi1>
    %reduce_sum3A_1799 = tpu.scan <sum>, %select_n3A_1796 masked %reduce_sum3A_1798 : vector<16xi32>, vector<16xi1> -> vector<16xi32>
    %reduce_sum3A_1800 = vector.extract %reduce_sum3A_1799[15] : i32 from vector<16xi32>
    %add3A_1801 = arith.addi %add3A_1774, %reduce_sum3A_1800 : i32
    %reduce_sum3A_1802 = arith.constant true
    %reduce_sum3A_1803 = vector.broadcast %reduce_sum3A_1802 : i1 to vector<16xi1>
    %reduce_sum3A_1804 = tpu.scan <sum>, %select_n3A_1781 masked %reduce_sum3A_1803 : vector<16xi32>, vector<16xi1> -> vector<16xi32>
    %reduce_sum3A_1805 = vector.extract %reduce_sum3A_1804[15] : i32 from vector<16xi32>
    %add3A_1806 = arith.addi %add3A_1779, %reduce_sum3A_1805 : i32
    %eq3A_1807 = arith.cmpf oeq, %get3A_47, %broadcast_in_dim3A : vector<16xf32>
    %select_n3A_1808 = arith.select %eq3A_1807, %broadcast_in_dim3A_1095, %broadcast_in_dim3A_1097 : vector<16xi1>, vector<16xi32>
    %broadcast_in_dim3A_1809 = arith.constant true
    %broadcast_in_dim3A_1810 = vector.broadcast %broadcast_in_dim3A_1809 : i1 to vector<16xi1>
    %masked_cumsum3A_1811 = tpu.scan <sum>, %select_n3A_1808 masked %broadcast_in_dim3A_1810 : vector<16xi32>, vector<16xi1> -> vector<16xi32>
    %broadcast_in_dim3A_1812 = vector.broadcast %add3A_1806 : i32 to vector<16xi32>
    %add3A_1813 = arith.addi %masked_cumsum3A_1811, %broadcast_in_dim3A_1812 : vector<16xi32>
    %gt3A_1814 = arith.cmpf ogt, %get3A_47, %broadcast_in_dim3A : vector<16xf32>
    %le3A_1815 = arith.cmpi sle, %add3A_1813, %broadcast_in_dim3A_1320 : vector<16xi32>
    %and3A_1816 = arith.andi %eq3A_1807, %le3A_1815 : vector<16xi1>
    %or3A_1817 = arith.ori %gt3A_1814, %and3A_1816 : vector<16xi1>
    %add3A_1818 = arith.constant 289 : i32
    %add3A_1819 = vector.broadcast %add3A_1818 : i32 to vector<16xi32>
    %add3A_1820 = arith.addi %iota3A, %add3A_1819 : vector<16xi32>
    %swap3A_1821 = arith.index_cast %add3A_1801 : i32 to index
    %swap3A_1822 = tpu.vector_load %arg5[%swap3A_1821] masked %or3A_1817 {strides = array<i32>} : memref<640xi32, #tpu.memory_space<vmem>>, vector<16xi32>, vector<16xi1>
    tpu.vector_store %arg5[%swap3A_1821], %add3A_1820 masked %or3A_1817 {strides = array<i32>} : memref<640xi32, #tpu.memory_space<vmem>>, vector<16xi32>, vector<16xi1>
    %select_n3A_1823 = arith.select %or3A_1817, %broadcast_in_dim3A_1095, %broadcast_in_dim3A_1097 : vector<16xi1>, vector<16xi32>
    %reduce_sum3A_1824 = arith.constant true
    %reduce_sum3A_1825 = vector.broadcast %reduce_sum3A_1824 : i1 to vector<16xi1>
    %reduce_sum3A_1826 = tpu.scan <sum>, %select_n3A_1823 masked %reduce_sum3A_1825 : vector<16xi32>, vector<16xi1> -> vector<16xi32>
    %reduce_sum3A_1827 = vector.extract %reduce_sum3A_1826[15] : i32 from vector<16xi32>
    %add3A_1828 = arith.addi %add3A_1801, %reduce_sum3A_1827 : i32
    %reduce_sum3A_1829 = arith.constant true
    %reduce_sum3A_1830 = vector.broadcast %reduce_sum3A_1829 : i1 to vector<16xi1>
    %reduce_sum3A_1831 = tpu.scan <sum>, %select_n3A_1808 masked %reduce_sum3A_1830 : vector<16xi32>, vector<16xi1> -> vector<16xi32>
    %reduce_sum3A_1832 = vector.extract %reduce_sum3A_1831[15] : i32 from vector<16xi32>
    %add3A_1833 = arith.addi %add3A_1806, %reduce_sum3A_1832 : i32
    %eq3A_1834 = arith.cmpf oeq, %get3A_49, %broadcast_in_dim3A : vector<16xf32>
    %select_n3A_1835 = arith.select %eq3A_1834, %broadcast_in_dim3A_1095, %broadcast_in_dim3A_1097 : vector<16xi1>, vector<16xi32>
    %broadcast_in_dim3A_1836 = arith.constant true
    %broadcast_in_dim3A_1837 = vector.broadcast %broadcast_in_dim3A_1836 : i1 to vector<16xi1>
    %masked_cumsum3A_1838 = tpu.scan <sum>, %select_n3A_1835 masked %broadcast_in_dim3A_1837 : vector<16xi32>, vector<16xi1> -> vector<16xi32>
    %broadcast_in_dim3A_1839 = vector.broadcast %add3A_1833 : i32 to vector<16xi32>
    %add3A_1840 = arith.addi %masked_cumsum3A_1838, %broadcast_in_dim3A_1839 : vector<16xi32>
    %gt3A_1841 = arith.cmpf ogt, %get3A_49, %broadcast_in_dim3A : vector<16xf32>
    %le3A_1842 = arith.cmpi sle, %add3A_1840, %broadcast_in_dim3A_1320 : vector<16xi32>
    %and3A_1843 = arith.andi %eq3A_1834, %le3A_1842 : vector<16xi1>
    %or3A_1844 = arith.ori %gt3A_1841, %and3A_1843 : vector<16xi1>
    %add3A_1845 = arith.constant 305 : i32
    %add3A_1846 = vector.broadcast %add3A_1845 : i32 to vector<16xi32>
    %add3A_1847 = arith.addi %iota3A, %add3A_1846 : vector<16xi32>
    %swap3A_1848 = arith.index_cast %add3A_1828 : i32 to index
    %swap3A_1849 = tpu.vector_load %arg5[%swap3A_1848] masked %or3A_1844 {strides = array<i32>} : memref<640xi32, #tpu.memory_space<vmem>>, vector<16xi32>, vector<16xi1>
    tpu.vector_store %arg5[%swap3A_1848], %add3A_1847 masked %or3A_1844 {strides = array<i32>} : memref<640xi32, #tpu.memory_space<vmem>>, vector<16xi32>, vector<16xi1>
    %select_n3A_1850 = arith.select %or3A_1844, %broadcast_in_dim3A_1095, %broadcast_in_dim3A_1097 : vector<16xi1>, vector<16xi32>
    %reduce_sum3A_1851 = arith.constant true
    %reduce_sum3A_1852 = vector.broadcast %reduce_sum3A_1851 : i1 to vector<16xi1>
    %reduce_sum3A_1853 = tpu.scan <sum>, %select_n3A_1850 masked %reduce_sum3A_1852 : vector<16xi32>, vector<16xi1> -> vector<16xi32>
    %reduce_sum3A_1854 = vector.extract %reduce_sum3A_1853[15] : i32 from vector<16xi32>
    %add3A_1855 = arith.addi %add3A_1828, %reduce_sum3A_1854 : i32
    %reduce_sum3A_1856 = arith.constant true
    %reduce_sum3A_1857 = vector.broadcast %reduce_sum3A_1856 : i1 to vector<16xi1>
    %reduce_sum3A_1858 = tpu.scan <sum>, %select_n3A_1835 masked %reduce_sum3A_1857 : vector<16xi32>, vector<16xi1> -> vector<16xi32>
    %reduce_sum3A_1859 = vector.extract %reduce_sum3A_1858[15] : i32 from vector<16xi32>
    %add3A_1860 = arith.addi %add3A_1833, %reduce_sum3A_1859 : i32
    %eq3A_1861 = arith.cmpf oeq, %get3A_51, %broadcast_in_dim3A : vector<16xf32>
    %select_n3A_1862 = arith.select %eq3A_1861, %broadcast_in_dim3A_1095, %broadcast_in_dim3A_1097 : vector<16xi1>, vector<16xi32>
    %broadcast_in_dim3A_1863 = arith.constant true
    %broadcast_in_dim3A_1864 = vector.broadcast %broadcast_in_dim3A_1863 : i1 to vector<16xi1>
    %masked_cumsum3A_1865 = tpu.scan <sum>, %select_n3A_1862 masked %broadcast_in_dim3A_1864 : vector<16xi32>, vector<16xi1> -> vector<16xi32>
    %broadcast_in_dim3A_1866 = vector.broadcast %add3A_1860 : i32 to vector<16xi32>
    %add3A_1867 = arith.addi %masked_cumsum3A_1865, %broadcast_in_dim3A_1866 : vector<16xi32>
    %gt3A_1868 = arith.cmpf ogt, %get3A_51, %broadcast_in_dim3A : vector<16xf32>
    %le3A_1869 = arith.cmpi sle, %add3A_1867, %broadcast_in_dim3A_1320 : vector<16xi32>
    %and3A_1870 = arith.andi %eq3A_1861, %le3A_1869 : vector<16xi1>
    %or3A_1871 = arith.ori %gt3A_1868, %and3A_1870 : vector<16xi1>
    %add3A_1872 = arith.constant 321 : i32
    %add3A_1873 = vector.broadcast %add3A_1872 : i32 to vector<16xi32>
    %add3A_1874 = arith.addi %iota3A, %add3A_1873 : vector<16xi32>
    %swap3A_1875 = arith.index_cast %add3A_1855 : i32 to index
    %swap3A_1876 = tpu.vector_load %arg5[%swap3A_1875] masked %or3A_1871 {strides = array<i32>} : memref<640xi32, #tpu.memory_space<vmem>>, vector<16xi32>, vector<16xi1>
    tpu.vector_store %arg5[%swap3A_1875], %add3A_1874 masked %or3A_1871 {strides = array<i32>} : memref<640xi32, #tpu.memory_space<vmem>>, vector<16xi32>, vector<16xi1>
    %select_n3A_1877 = arith.select %or3A_1871, %broadcast_in_dim3A_1095, %broadcast_in_dim3A_1097 : vector<16xi1>, vector<16xi32>
    %reduce_sum3A_1878 = arith.constant true
    %reduce_sum3A_1879 = vector.broadcast %reduce_sum3A_1878 : i1 to vector<16xi1>
    %reduce_sum3A_1880 = tpu.scan <sum>, %select_n3A_1877 masked %reduce_sum3A_1879 : vector<16xi32>, vector<16xi1> -> vector<16xi32>
    %reduce_sum3A_1881 = vector.extract %reduce_sum3A_1880[15] : i32 from vector<16xi32>
    %add3A_1882 = arith.addi %add3A_1855, %reduce_sum3A_1881 : i32
    %reduce_sum3A_1883 = arith.constant true
    %reduce_sum3A_1884 = vector.broadcast %reduce_sum3A_1883 : i1 to vector<16xi1>
    %reduce_sum3A_1885 = tpu.scan <sum>, %select_n3A_1862 masked %reduce_sum3A_1884 : vector<16xi32>, vector<16xi1> -> vector<16xi32>
    %reduce_sum3A_1886 = vector.extract %reduce_sum3A_1885[15] : i32 from vector<16xi32>
    %add3A_1887 = arith.addi %add3A_1860, %reduce_sum3A_1886 : i32
    %eq3A_1888 = arith.cmpf oeq, %get3A_53, %broadcast_in_dim3A : vector<16xf32>
    %select_n3A_1889 = arith.select %eq3A_1888, %broadcast_in_dim3A_1095, %broadcast_in_dim3A_1097 : vector<16xi1>, vector<16xi32>
    %broadcast_in_dim3A_1890 = arith.constant true
    %broadcast_in_dim3A_1891 = vector.broadcast %broadcast_in_dim3A_1890 : i1 to vector<16xi1>
    %masked_cumsum3A_1892 = tpu.scan <sum>, %select_n3A_1889 masked %broadcast_in_dim3A_1891 : vector<16xi32>, vector<16xi1> -> vector<16xi32>
    %broadcast_in_dim3A_1893 = vector.broadcast %add3A_1887 : i32 to vector<16xi32>
    %add3A_1894 = arith.addi %masked_cumsum3A_1892, %broadcast_in_dim3A_1893 : vector<16xi32>
    %gt3A_1895 = arith.cmpf ogt, %get3A_53, %broadcast_in_dim3A : vector<16xf32>
    %le3A_1896 = arith.cmpi sle, %add3A_1894, %broadcast_in_dim3A_1320 : vector<16xi32>
    %and3A_1897 = arith.andi %eq3A_1888, %le3A_1896 : vector<16xi1>
    %or3A_1898 = arith.ori %gt3A_1895, %and3A_1897 : vector<16xi1>
    %add3A_1899 = arith.constant 337 : i32
    %add3A_1900 = vector.broadcast %add3A_1899 : i32 to vector<16xi32>
    %add3A_1901 = arith.addi %iota3A, %add3A_1900 : vector<16xi32>
    %swap3A_1902 = arith.index_cast %add3A_1882 : i32 to index
    %swap3A_1903 = tpu.vector_load %arg5[%swap3A_1902] masked %or3A_1898 {strides = array<i32>} : memref<640xi32, #tpu.memory_space<vmem>>, vector<16xi32>, vector<16xi1>
    tpu.vector_store %arg5[%swap3A_1902], %add3A_1901 masked %or3A_1898 {strides = array<i32>} : memref<640xi32, #tpu.memory_space<vmem>>, vector<16xi32>, vector<16xi1>
    %select_n3A_1904 = arith.select %or3A_1898, %broadcast_in_dim3A_1095, %broadcast_in_dim3A_1097 : vector<16xi1>, vector<16xi32>
    %reduce_sum3A_1905 = arith.constant true
    %reduce_sum3A_1906 = vector.broadcast %reduce_sum3A_1905 : i1 to vector<16xi1>
    %reduce_sum3A_1907 = tpu.scan <sum>, %select_n3A_1904 masked %reduce_sum3A_1906 : vector<16xi32>, vector<16xi1> -> vector<16xi32>
    %reduce_sum3A_1908 = vector.extract %reduce_sum3A_1907[15] : i32 from vector<16xi32>
    %add3A_1909 = arith.addi %add3A_1882, %reduce_sum3A_1908 : i32
    %reduce_sum3A_1910 = arith.constant true
    %reduce_sum3A_1911 = vector.broadcast %reduce_sum3A_1910 : i1 to vector<16xi1>
    %reduce_sum3A_1912 = tpu.scan <sum>, %select_n3A_1889 masked %reduce_sum3A_1911 : vector<16xi32>, vector<16xi1> -> vector<16xi32>
    %reduce_sum3A_1913 = vector.extract %reduce_sum3A_1912[15] : i32 from vector<16xi32>
    %add3A_1914 = arith.addi %add3A_1887, %reduce_sum3A_1913 : i32
    %eq3A_1915 = arith.cmpf oeq, %get3A_55, %broadcast_in_dim3A : vector<16xf32>
    %select_n3A_1916 = arith.select %eq3A_1915, %broadcast_in_dim3A_1095, %broadcast_in_dim3A_1097 : vector<16xi1>, vector<16xi32>
    %broadcast_in_dim3A_1917 = arith.constant true
    %broadcast_in_dim3A_1918 = vector.broadcast %broadcast_in_dim3A_1917 : i1 to vector<16xi1>
    %masked_cumsum3A_1919 = tpu.scan <sum>, %select_n3A_1916 masked %broadcast_in_dim3A_1918 : vector<16xi32>, vector<16xi1> -> vector<16xi32>
    %broadcast_in_dim3A_1920 = vector.broadcast %add3A_1914 : i32 to vector<16xi32>
    %add3A_1921 = arith.addi %masked_cumsum3A_1919, %broadcast_in_dim3A_1920 : vector<16xi32>
    %gt3A_1922 = arith.cmpf ogt, %get3A_55, %broadcast_in_dim3A : vector<16xf32>
    %le3A_1923 = arith.cmpi sle, %add3A_1921, %broadcast_in_dim3A_1320 : vector<16xi32>
    %and3A_1924 = arith.andi %eq3A_1915, %le3A_1923 : vector<16xi1>
    %or3A_1925 = arith.ori %gt3A_1922, %and3A_1924 : vector<16xi1>
    %add3A_1926 = arith.constant 353 : i32
    %add3A_1927 = vector.broadcast %add3A_1926 : i32 to vector<16xi32>
    %add3A_1928 = arith.addi %iota3A, %add3A_1927 : vector<16xi32>
    %swap3A_1929 = arith.index_cast %add3A_1909 : i32 to index
    %swap3A_1930 = tpu.vector_load %arg5[%swap3A_1929] masked %or3A_1925 {strides = array<i32>} : memref<640xi32, #tpu.memory_space<vmem>>, vector<16xi32>, vector<16xi1>
    tpu.vector_store %arg5[%swap3A_1929], %add3A_1928 masked %or3A_1925 {strides = array<i32>} : memref<640xi32, #tpu.memory_space<vmem>>, vector<16xi32>, vector<16xi1>
    %select_n3A_1931 = arith.select %or3A_1925, %broadcast_in_dim3A_1095, %broadcast_in_dim3A_1097 : vector<16xi1>, vector<16xi32>
    %reduce_sum3A_1932 = arith.constant true
    %reduce_sum3A_1933 = vector.broadcast %reduce_sum3A_1932 : i1 to vector<16xi1>
    %reduce_sum3A_1934 = tpu.scan <sum>, %select_n3A_1931 masked %reduce_sum3A_1933 : vector<16xi32>, vector<16xi1> -> vector<16xi32>
    %reduce_sum3A_1935 = vector.extract %reduce_sum3A_1934[15] : i32 from vector<16xi32>
    %add3A_1936 = arith.addi %add3A_1909, %reduce_sum3A_1935 : i32
    %reduce_sum3A_1937 = arith.constant true
    %reduce_sum3A_1938 = vector.broadcast %reduce_sum3A_1937 : i1 to vector<16xi1>
    %reduce_sum3A_1939 = tpu.scan <sum>, %select_n3A_1916 masked %reduce_sum3A_1938 : vector<16xi32>, vector<16xi1> -> vector<16xi32>
    %reduce_sum3A_1940 = vector.extract %reduce_sum3A_1939[15] : i32 from vector<16xi32>
    %add3A_1941 = arith.addi %add3A_1914, %reduce_sum3A_1940 : i32
    %eq3A_1942 = arith.cmpf oeq, %get3A_57, %broadcast_in_dim3A : vector<16xf32>
    %select_n3A_1943 = arith.select %eq3A_1942, %broadcast_in_dim3A_1095, %broadcast_in_dim3A_1097 : vector<16xi1>, vector<16xi32>
    %broadcast_in_dim3A_1944 = arith.constant true
    %broadcast_in_dim3A_1945 = vector.broadcast %broadcast_in_dim3A_1944 : i1 to vector<16xi1>
    %masked_cumsum3A_1946 = tpu.scan <sum>, %select_n3A_1943 masked %broadcast_in_dim3A_1945 : vector<16xi32>, vector<16xi1> -> vector<16xi32>
    %broadcast_in_dim3A_1947 = vector.broadcast %add3A_1941 : i32 to vector<16xi32>
    %add3A_1948 = arith.addi %masked_cumsum3A_1946, %broadcast_in_dim3A_1947 : vector<16xi32>
    %gt3A_1949 = arith.cmpf ogt, %get3A_57, %broadcast_in_dim3A : vector<16xf32>
    %le3A_1950 = arith.cmpi sle, %add3A_1948, %broadcast_in_dim3A_1320 : vector<16xi32>
    %and3A_1951 = arith.andi %eq3A_1942, %le3A_1950 : vector<16xi1>
    %or3A_1952 = arith.ori %gt3A_1949, %and3A_1951 : vector<16xi1>
    %add3A_1953 = arith.constant 369 : i32
    %add3A_1954 = vector.broadcast %add3A_1953 : i32 to vector<16xi32>
    %add3A_1955 = arith.addi %iota3A, %add3A_1954 : vector<16xi32>
    %swap3A_1956 = arith.index_cast %add3A_1936 : i32 to index
    %swap3A_1957 = tpu.vector_load %arg5[%swap3A_1956] masked %or3A_1952 {strides = array<i32>} : memref<640xi32, #tpu.memory_space<vmem>>, vector<16xi32>, vector<16xi1>
    tpu.vector_store %arg5[%swap3A_1956], %add3A_1955 masked %or3A_1952 {strides = array<i32>} : memref<640xi32, #tpu.memory_space<vmem>>, vector<16xi32>, vector<16xi1>
    %select_n3A_1958 = arith.select %or3A_1952, %broadcast_in_dim3A_1095, %broadcast_in_dim3A_1097 : vector<16xi1>, vector<16xi32>
    %reduce_sum3A_1959 = arith.constant true
    %reduce_sum3A_1960 = vector.broadcast %reduce_sum3A_1959 : i1 to vector<16xi1>
    %reduce_sum3A_1961 = tpu.scan <sum>, %select_n3A_1958 masked %reduce_sum3A_1960 : vector<16xi32>, vector<16xi1> -> vector<16xi32>
    %reduce_sum3A_1962 = vector.extract %reduce_sum3A_1961[15] : i32 from vector<16xi32>
    %add3A_1963 = arith.addi %add3A_1936, %reduce_sum3A_1962 : i32
    %reduce_sum3A_1964 = arith.constant true
    %reduce_sum3A_1965 = vector.broadcast %reduce_sum3A_1964 : i1 to vector<16xi1>
    %reduce_sum3A_1966 = tpu.scan <sum>, %select_n3A_1943 masked %reduce_sum3A_1965 : vector<16xi32>, vector<16xi1> -> vector<16xi32>
    %reduce_sum3A_1967 = vector.extract %reduce_sum3A_1966[15] : i32 from vector<16xi32>
    %add3A_1968 = arith.addi %add3A_1941, %reduce_sum3A_1967 : i32
    %eq3A_1969 = arith.cmpf oeq, %get3A_59, %broadcast_in_dim3A : vector<16xf32>
    %select_n3A_1970 = arith.select %eq3A_1969, %broadcast_in_dim3A_1095, %broadcast_in_dim3A_1097 : vector<16xi1>, vector<16xi32>
    %broadcast_in_dim3A_1971 = arith.constant true
    %broadcast_in_dim3A_1972 = vector.broadcast %broadcast_in_dim3A_1971 : i1 to vector<16xi1>
    %masked_cumsum3A_1973 = tpu.scan <sum>, %select_n3A_1970 masked %broadcast_in_dim3A_1972 : vector<16xi32>, vector<16xi1> -> vector<16xi32>
    %broadcast_in_dim3A_1974 = vector.broadcast %add3A_1968 : i32 to vector<16xi32>
    %add3A_1975 = arith.addi %masked_cumsum3A_1973, %broadcast_in_dim3A_1974 : vector<16xi32>
    %gt3A_1976 = arith.cmpf ogt, %get3A_59, %broadcast_in_dim3A : vector<16xf32>
    %le3A_1977 = arith.cmpi sle, %add3A_1975, %broadcast_in_dim3A_1320 : vector<16xi32>
    %and3A_1978 = arith.andi %eq3A_1969, %le3A_1977 : vector<16xi1>
    %or3A_1979 = arith.ori %gt3A_1976, %and3A_1978 : vector<16xi1>
    %add3A_1980 = arith.constant 385 : i32
    %add3A_1981 = vector.broadcast %add3A_1980 : i32 to vector<16xi32>
    %add3A_1982 = arith.addi %iota3A, %add3A_1981 : vector<16xi32>
    %swap3A_1983 = arith.index_cast %add3A_1963 : i32 to index
    %swap3A_1984 = tpu.vector_load %arg5[%swap3A_1983] masked %or3A_1979 {strides = array<i32>} : memref<640xi32, #tpu.memory_space<vmem>>, vector<16xi32>, vector<16xi1>
    tpu.vector_store %arg5[%swap3A_1983], %add3A_1982 masked %or3A_1979 {strides = array<i32>} : memref<640xi32, #tpu.memory_space<vmem>>, vector<16xi32>, vector<16xi1>
    %select_n3A_1985 = arith.select %or3A_1979, %broadcast_in_dim3A_1095, %broadcast_in_dim3A_1097 : vector<16xi1>, vector<16xi32>
    %reduce_sum3A_1986 = arith.constant true
    %reduce_sum3A_1987 = vector.broadcast %reduce_sum3A_1986 : i1 to vector<16xi1>
    %reduce_sum3A_1988 = tpu.scan <sum>, %select_n3A_1985 masked %reduce_sum3A_1987 : vector<16xi32>, vector<16xi1> -> vector<16xi32>
    %reduce_sum3A_1989 = vector.extract %reduce_sum3A_1988[15] : i32 from vector<16xi32>
    %add3A_1990 = arith.addi %add3A_1963, %reduce_sum3A_1989 : i32
    %reduce_sum3A_1991 = arith.constant true
    %reduce_sum3A_1992 = vector.broadcast %reduce_sum3A_1991 : i1 to vector<16xi1>
    %reduce_sum3A_1993 = tpu.scan <sum>, %select_n3A_1970 masked %reduce_sum3A_1992 : vector<16xi32>, vector<16xi1> -> vector<16xi32>
    %reduce_sum3A_1994 = vector.extract %reduce_sum3A_1993[15] : i32 from vector<16xi32>
    %add3A_1995 = arith.addi %add3A_1968, %reduce_sum3A_1994 : i32
    %eq3A_1996 = arith.cmpf oeq, %get3A_61, %broadcast_in_dim3A : vector<16xf32>
    %select_n3A_1997 = arith.select %eq3A_1996, %broadcast_in_dim3A_1095, %broadcast_in_dim3A_1097 : vector<16xi1>, vector<16xi32>
    %broadcast_in_dim3A_1998 = arith.constant true
    %broadcast_in_dim3A_1999 = vector.broadcast %broadcast_in_dim3A_1998 : i1 to vector<16xi1>
    %masked_cumsum3A_2000 = tpu.scan <sum>, %select_n3A_1997 masked %broadcast_in_dim3A_1999 : vector<16xi32>, vector<16xi1> -> vector<16xi32>
    %broadcast_in_dim3A_2001 = vector.broadcast %add3A_1995 : i32 to vector<16xi32>
    %add3A_2002 = arith.addi %masked_cumsum3A_2000, %broadcast_in_dim3A_2001 : vector<16xi32>
    %gt3A_2003 = arith.cmpf ogt, %get3A_61, %broadcast_in_dim3A : vector<16xf32>
    %le3A_2004 = arith.cmpi sle, %add3A_2002, %broadcast_in_dim3A_1320 : vector<16xi32>
    %and3A_2005 = arith.andi %eq3A_1996, %le3A_2004 : vector<16xi1>
    %or3A_2006 = arith.ori %gt3A_2003, %and3A_2005 : vector<16xi1>
    %add3A_2007 = arith.constant 401 : i32
    %add3A_2008 = vector.broadcast %add3A_2007 : i32 to vector<16xi32>
    %add3A_2009 = arith.addi %iota3A, %add3A_2008 : vector<16xi32>
    %swap3A_2010 = arith.index_cast %add3A_1990 : i32 to index
    %swap3A_2011 = tpu.vector_load %arg5[%swap3A_2010] masked %or3A_2006 {strides = array<i32>} : memref<640xi32, #tpu.memory_space<vmem>>, vector<16xi32>, vector<16xi1>
    tpu.vector_store %arg5[%swap3A_2010], %add3A_2009 masked %or3A_2006 {strides = array<i32>} : memref<640xi32, #tpu.memory_space<vmem>>, vector<16xi32>, vector<16xi1>
    %select_n3A_2012 = arith.select %or3A_2006, %broadcast_in_dim3A_1095, %broadcast_in_dim3A_1097 : vector<16xi1>, vector<16xi32>
    %reduce_sum3A_2013 = arith.constant true
    %reduce_sum3A_2014 = vector.broadcast %reduce_sum3A_2013 : i1 to vector<16xi1>
    %reduce_sum3A_2015 = tpu.scan <sum>, %select_n3A_2012 masked %reduce_sum3A_2014 : vector<16xi32>, vector<16xi1> -> vector<16xi32>
    %reduce_sum3A_2016 = vector.extract %reduce_sum3A_2015[15] : i32 from vector<16xi32>
    %add3A_2017 = arith.addi %add3A_1990, %reduce_sum3A_2016 : i32
    %reduce_sum3A_2018 = arith.constant true
    %reduce_sum3A_2019 = vector.broadcast %reduce_sum3A_2018 : i1 to vector<16xi1>
    %reduce_sum3A_2020 = tpu.scan <sum>, %select_n3A_1997 masked %reduce_sum3A_2019 : vector<16xi32>, vector<16xi1> -> vector<16xi32>
    %reduce_sum3A_2021 = vector.extract %reduce_sum3A_2020[15] : i32 from vector<16xi32>
    %add3A_2022 = arith.addi %add3A_1995, %reduce_sum3A_2021 : i32
    %eq3A_2023 = arith.cmpf oeq, %get3A_63, %broadcast_in_dim3A : vector<16xf32>
    %select_n3A_2024 = arith.select %eq3A_2023, %broadcast_in_dim3A_1095, %broadcast_in_dim3A_1097 : vector<16xi1>, vector<16xi32>
    %broadcast_in_dim3A_2025 = arith.constant true
    %broadcast_in_dim3A_2026 = vector.broadcast %broadcast_in_dim3A_2025 : i1 to vector<16xi1>
    %masked_cumsum3A_2027 = tpu.scan <sum>, %select_n3A_2024 masked %broadcast_in_dim3A_2026 : vector<16xi32>, vector<16xi1> -> vector<16xi32>
    %broadcast_in_dim3A_2028 = vector.broadcast %add3A_2022 : i32 to vector<16xi32>
    %add3A_2029 = arith.addi %masked_cumsum3A_2027, %broadcast_in_dim3A_2028 : vector<16xi32>
    %gt3A_2030 = arith.cmpf ogt, %get3A_63, %broadcast_in_dim3A : vector<16xf32>
    %le3A_2031 = arith.cmpi sle, %add3A_2029, %broadcast_in_dim3A_1320 : vector<16xi32>
    %and3A_2032 = arith.andi %eq3A_2023, %le3A_2031 : vector<16xi1>
    %or3A_2033 = arith.ori %gt3A_2030, %and3A_2032 : vector<16xi1>
    %add3A_2034 = arith.constant 417 : i32
    %add3A_2035 = vector.broadcast %add3A_2034 : i32 to vector<16xi32>
    %add3A_2036 = arith.addi %iota3A, %add3A_2035 : vector<16xi32>
    %swap3A_2037 = arith.index_cast %add3A_2017 : i32 to index
    %swap3A_2038 = tpu.vector_load %arg5[%swap3A_2037] masked %or3A_2033 {strides = array<i32>} : memref<640xi32, #tpu.memory_space<vmem>>, vector<16xi32>, vector<16xi1>
    tpu.vector_store %arg5[%swap3A_2037], %add3A_2036 masked %or3A_2033 {strides = array<i32>} : memref<640xi32, #tpu.memory_space<vmem>>, vector<16xi32>, vector<16xi1>
    %select_n3A_2039 = arith.select %or3A_2033, %broadcast_in_dim3A_1095, %broadcast_in_dim3A_1097 : vector<16xi1>, vector<16xi32>
    %reduce_sum3A_2040 = arith.constant true
    %reduce_sum3A_2041 = vector.broadcast %reduce_sum3A_2040 : i1 to vector<16xi1>
    %reduce_sum3A_2042 = tpu.scan <sum>, %select_n3A_2039 masked %reduce_sum3A_2041 : vector<16xi32>, vector<16xi1> -> vector<16xi32>
    %reduce_sum3A_2043 = vector.extract %reduce_sum3A_2042[15] : i32 from vector<16xi32>
    %add3A_2044 = arith.addi %add3A_2017, %reduce_sum3A_2043 : i32
    %reduce_sum3A_2045 = arith.constant true
    %reduce_sum3A_2046 = vector.broadcast %reduce_sum3A_2045 : i1 to vector<16xi1>
    %reduce_sum3A_2047 = tpu.scan <sum>, %select_n3A_2024 masked %reduce_sum3A_2046 : vector<16xi32>, vector<16xi1> -> vector<16xi32>
    %reduce_sum3A_2048 = vector.extract %reduce_sum3A_2047[15] : i32 from vector<16xi32>
    %add3A_2049 = arith.addi %add3A_2022, %reduce_sum3A_2048 : i32
    %eq3A_2050 = arith.cmpf oeq, %get3A_65, %broadcast_in_dim3A : vector<16xf32>
    %select_n3A_2051 = arith.select %eq3A_2050, %broadcast_in_dim3A_1095, %broadcast_in_dim3A_1097 : vector<16xi1>, vector<16xi32>
    %broadcast_in_dim3A_2052 = arith.constant true
    %broadcast_in_dim3A_2053 = vector.broadcast %broadcast_in_dim3A_2052 : i1 to vector<16xi1>
    %masked_cumsum3A_2054 = tpu.scan <sum>, %select_n3A_2051 masked %broadcast_in_dim3A_2053 : vector<16xi32>, vector<16xi1> -> vector<16xi32>
    %broadcast_in_dim3A_2055 = vector.broadcast %add3A_2049 : i32 to vector<16xi32>
    %add3A_2056 = arith.addi %masked_cumsum3A_2054, %broadcast_in_dim3A_2055 : vector<16xi32>
    %gt3A_2057 = arith.cmpf ogt, %get3A_65, %broadcast_in_dim3A : vector<16xf32>
    %le3A_2058 = arith.cmpi sle, %add3A_2056, %broadcast_in_dim3A_1320 : vector<16xi32>
    %and3A_2059 = arith.andi %eq3A_2050, %le3A_2058 : vector<16xi1>
    %or3A_2060 = arith.ori %gt3A_2057, %and3A_2059 : vector<16xi1>
    %add3A_2061 = arith.constant 433 : i32
    %add3A_2062 = vector.broadcast %add3A_2061 : i32 to vector<16xi32>
    %add3A_2063 = arith.addi %iota3A, %add3A_2062 : vector<16xi32>
    %swap3A_2064 = arith.index_cast %add3A_2044 : i32 to index
    %swap3A_2065 = tpu.vector_load %arg5[%swap3A_2064] masked %or3A_2060 {strides = array<i32>} : memref<640xi32, #tpu.memory_space<vmem>>, vector<16xi32>, vector<16xi1>
    tpu.vector_store %arg5[%swap3A_2064], %add3A_2063 masked %or3A_2060 {strides = array<i32>} : memref<640xi32, #tpu.memory_space<vmem>>, vector<16xi32>, vector<16xi1>
    %select_n3A_2066 = arith.select %or3A_2060, %broadcast_in_dim3A_1095, %broadcast_in_dim3A_1097 : vector<16xi1>, vector<16xi32>
    %reduce_sum3A_2067 = arith.constant true
    %reduce_sum3A_2068 = vector.broadcast %reduce_sum3A_2067 : i1 to vector<16xi1>
    %reduce_sum3A_2069 = tpu.scan <sum>, %select_n3A_2066 masked %reduce_sum3A_2068 : vector<16xi32>, vector<16xi1> -> vector<16xi32>
    %reduce_sum3A_2070 = vector.extract %reduce_sum3A_2069[15] : i32 from vector<16xi32>
    %add3A_2071 = arith.addi %add3A_2044, %reduce_sum3A_2070 : i32
    %reduce_sum3A_2072 = arith.constant true
    %reduce_sum3A_2073 = vector.broadcast %reduce_sum3A_2072 : i1 to vector<16xi1>
    %reduce_sum3A_2074 = tpu.scan <sum>, %select_n3A_2051 masked %reduce_sum3A_2073 : vector<16xi32>, vector<16xi1> -> vector<16xi32>
    %reduce_sum3A_2075 = vector.extract %reduce_sum3A_2074[15] : i32 from vector<16xi32>
    %add3A_2076 = arith.addi %add3A_2049, %reduce_sum3A_2075 : i32
    %eq3A_2077 = arith.cmpf oeq, %get3A_67, %broadcast_in_dim3A : vector<16xf32>
    %select_n3A_2078 = arith.select %eq3A_2077, %broadcast_in_dim3A_1095, %broadcast_in_dim3A_1097 : vector<16xi1>, vector<16xi32>
    %broadcast_in_dim3A_2079 = arith.constant true
    %broadcast_in_dim3A_2080 = vector.broadcast %broadcast_in_dim3A_2079 : i1 to vector<16xi1>
    %masked_cumsum3A_2081 = tpu.scan <sum>, %select_n3A_2078 masked %broadcast_in_dim3A_2080 : vector<16xi32>, vector<16xi1> -> vector<16xi32>
    %broadcast_in_dim3A_2082 = vector.broadcast %add3A_2076 : i32 to vector<16xi32>
    %add3A_2083 = arith.addi %masked_cumsum3A_2081, %broadcast_in_dim3A_2082 : vector<16xi32>
    %gt3A_2084 = arith.cmpf ogt, %get3A_67, %broadcast_in_dim3A : vector<16xf32>
    %le3A_2085 = arith.cmpi sle, %add3A_2083, %broadcast_in_dim3A_1320 : vector<16xi32>
    %and3A_2086 = arith.andi %eq3A_2077, %le3A_2085 : vector<16xi1>
    %or3A_2087 = arith.ori %gt3A_2084, %and3A_2086 : vector<16xi1>
    %add3A_2088 = arith.constant 449 : i32
    %add3A_2089 = vector.broadcast %add3A_2088 : i32 to vector<16xi32>
    %add3A_2090 = arith.addi %iota3A, %add3A_2089 : vector<16xi32>
    %swap3A_2091 = arith.index_cast %add3A_2071 : i32 to index
    %swap3A_2092 = tpu.vector_load %arg5[%swap3A_2091] masked %or3A_2087 {strides = array<i32>} : memref<640xi32, #tpu.memory_space<vmem>>, vector<16xi32>, vector<16xi1>
    tpu.vector_store %arg5[%swap3A_2091], %add3A_2090 masked %or3A_2087 {strides = array<i32>} : memref<640xi32, #tpu.memory_space<vmem>>, vector<16xi32>, vector<16xi1>
    %select_n3A_2093 = arith.select %or3A_2087, %broadcast_in_dim3A_1095, %broadcast_in_dim3A_1097 : vector<16xi1>, vector<16xi32>
    %reduce_sum3A_2094 = arith.constant true
    %reduce_sum3A_2095 = vector.broadcast %reduce_sum3A_2094 : i1 to vector<16xi1>
    %reduce_sum3A_2096 = tpu.scan <sum>, %select_n3A_2093 masked %reduce_sum3A_2095 : vector<16xi32>, vector<16xi1> -> vector<16xi32>
    %reduce_sum3A_2097 = vector.extract %reduce_sum3A_2096[15] : i32 from vector<16xi32>
    %add3A_2098 = arith.addi %add3A_2071, %reduce_sum3A_2097 : i32
    %reduce_sum3A_2099 = arith.constant true
    %reduce_sum3A_2100 = vector.broadcast %reduce_sum3A_2099 : i1 to vector<16xi1>
    %reduce_sum3A_2101 = tpu.scan <sum>, %select_n3A_2078 masked %reduce_sum3A_2100 : vector<16xi32>, vector<16xi1> -> vector<16xi32>
    %reduce_sum3A_2102 = vector.extract %reduce_sum3A_2101[15] : i32 from vector<16xi32>
    %add3A_2103 = arith.addi %add3A_2076, %reduce_sum3A_2102 : i32
    %eq3A_2104 = arith.cmpf oeq, %get3A_69, %broadcast_in_dim3A : vector<16xf32>
    %select_n3A_2105 = arith.select %eq3A_2104, %broadcast_in_dim3A_1095, %broadcast_in_dim3A_1097 : vector<16xi1>, vector<16xi32>
    %broadcast_in_dim3A_2106 = arith.constant true
    %broadcast_in_dim3A_2107 = vector.broadcast %broadcast_in_dim3A_2106 : i1 to vector<16xi1>
    %masked_cumsum3A_2108 = tpu.scan <sum>, %select_n3A_2105 masked %broadcast_in_dim3A_2107 : vector<16xi32>, vector<16xi1> -> vector<16xi32>
    %broadcast_in_dim3A_2109 = vector.broadcast %add3A_2103 : i32 to vector<16xi32>
    %add3A_2110 = arith.addi %masked_cumsum3A_2108, %broadcast_in_dim3A_2109 : vector<16xi32>
    %gt3A_2111 = arith.cmpf ogt, %get3A_69, %broadcast_in_dim3A : vector<16xf32>
    %le3A_2112 = arith.cmpi sle, %add3A_2110, %broadcast_in_dim3A_1320 : vector<16xi32>
    %and3A_2113 = arith.andi %eq3A_2104, %le3A_2112 : vector<16xi1>
    %or3A_2114 = arith.ori %gt3A_2111, %and3A_2113 : vector<16xi1>
    %add3A_2115 = arith.constant 465 : i32
    %add3A_2116 = vector.broadcast %add3A_2115 : i32 to vector<16xi32>
    %add3A_2117 = arith.addi %iota3A, %add3A_2116 : vector<16xi32>
    %swap3A_2118 = arith.index_cast %add3A_2098 : i32 to index
    %swap3A_2119 = tpu.vector_load %arg5[%swap3A_2118] masked %or3A_2114 {strides = array<i32>} : memref<640xi32, #tpu.memory_space<vmem>>, vector<16xi32>, vector<16xi1>
    tpu.vector_store %arg5[%swap3A_2118], %add3A_2117 masked %or3A_2114 {strides = array<i32>} : memref<640xi32, #tpu.memory_space<vmem>>, vector<16xi32>, vector<16xi1>
    %select_n3A_2120 = arith.select %or3A_2114, %broadcast_in_dim3A_1095, %broadcast_in_dim3A_1097 : vector<16xi1>, vector<16xi32>
    %reduce_sum3A_2121 = arith.constant true
    %reduce_sum3A_2122 = vector.broadcast %reduce_sum3A_2121 : i1 to vector<16xi1>
    %reduce_sum3A_2123 = tpu.scan <sum>, %select_n3A_2120 masked %reduce_sum3A_2122 : vector<16xi32>, vector<16xi1> -> vector<16xi32>
    %reduce_sum3A_2124 = vector.extract %reduce_sum3A_2123[15] : i32 from vector<16xi32>
    %add3A_2125 = arith.addi %add3A_2098, %reduce_sum3A_2124 : i32
    %reduce_sum3A_2126 = arith.constant true
    %reduce_sum3A_2127 = vector.broadcast %reduce_sum3A_2126 : i1 to vector<16xi1>
    %reduce_sum3A_2128 = tpu.scan <sum>, %select_n3A_2105 masked %reduce_sum3A_2127 : vector<16xi32>, vector<16xi1> -> vector<16xi32>
    %reduce_sum3A_2129 = vector.extract %reduce_sum3A_2128[15] : i32 from vector<16xi32>
    %add3A_2130 = arith.addi %add3A_2103, %reduce_sum3A_2129 : i32
    %eq3A_2131 = arith.cmpf oeq, %get3A_71, %broadcast_in_dim3A : vector<16xf32>
    %select_n3A_2132 = arith.select %eq3A_2131, %broadcast_in_dim3A_1095, %broadcast_in_dim3A_1097 : vector<16xi1>, vector<16xi32>
    %broadcast_in_dim3A_2133 = arith.constant true
    %broadcast_in_dim3A_2134 = vector.broadcast %broadcast_in_dim3A_2133 : i1 to vector<16xi1>
    %masked_cumsum3A_2135 = tpu.scan <sum>, %select_n3A_2132 masked %broadcast_in_dim3A_2134 : vector<16xi32>, vector<16xi1> -> vector<16xi32>
    %broadcast_in_dim3A_2136 = vector.broadcast %add3A_2130 : i32 to vector<16xi32>
    %add3A_2137 = arith.addi %masked_cumsum3A_2135, %broadcast_in_dim3A_2136 : vector<16xi32>
    %gt3A_2138 = arith.cmpf ogt, %get3A_71, %broadcast_in_dim3A : vector<16xf32>
    %le3A_2139 = arith.cmpi sle, %add3A_2137, %broadcast_in_dim3A_1320 : vector<16xi32>
    %and3A_2140 = arith.andi %eq3A_2131, %le3A_2139 : vector<16xi1>
    %or3A_2141 = arith.ori %gt3A_2138, %and3A_2140 : vector<16xi1>
    %add3A_2142 = arith.constant 481 : i32
    %add3A_2143 = vector.broadcast %add3A_2142 : i32 to vector<16xi32>
    %add3A_2144 = arith.addi %iota3A, %add3A_2143 : vector<16xi32>
    %swap3A_2145 = arith.index_cast %add3A_2125 : i32 to index
    %swap3A_2146 = tpu.vector_load %arg5[%swap3A_2145] masked %or3A_2141 {strides = array<i32>} : memref<640xi32, #tpu.memory_space<vmem>>, vector<16xi32>, vector<16xi1>
    tpu.vector_store %arg5[%swap3A_2145], %add3A_2144 masked %or3A_2141 {strides = array<i32>} : memref<640xi32, #tpu.memory_space<vmem>>, vector<16xi32>, vector<16xi1>
    %select_n3A_2147 = arith.select %or3A_2141, %broadcast_in_dim3A_1095, %broadcast_in_dim3A_1097 : vector<16xi1>, vector<16xi32>
    %reduce_sum3A_2148 = arith.constant true
    %reduce_sum3A_2149 = vector.broadcast %reduce_sum3A_2148 : i1 to vector<16xi1>
    %reduce_sum3A_2150 = tpu.scan <sum>, %select_n3A_2147 masked %reduce_sum3A_2149 : vector<16xi32>, vector<16xi1> -> vector<16xi32>
    %reduce_sum3A_2151 = vector.extract %reduce_sum3A_2150[15] : i32 from vector<16xi32>
    %add3A_2152 = arith.addi %add3A_2125, %reduce_sum3A_2151 : i32
    %reduce_sum3A_2153 = arith.constant true
    %reduce_sum3A_2154 = vector.broadcast %reduce_sum3A_2153 : i1 to vector<16xi1>
    %reduce_sum3A_2155 = tpu.scan <sum>, %select_n3A_2132 masked %reduce_sum3A_2154 : vector<16xi32>, vector<16xi1> -> vector<16xi32>
    %reduce_sum3A_2156 = vector.extract %reduce_sum3A_2155[15] : i32 from vector<16xi32>
    %add3A_2157 = arith.addi %add3A_2130, %reduce_sum3A_2156 : i32
    %eq3A_2158 = arith.cmpf oeq, %get3A_73, %broadcast_in_dim3A : vector<16xf32>
    %select_n3A_2159 = arith.select %eq3A_2158, %broadcast_in_dim3A_1095, %broadcast_in_dim3A_1097 : vector<16xi1>, vector<16xi32>
    %broadcast_in_dim3A_2160 = arith.constant true
    %broadcast_in_dim3A_2161 = vector.broadcast %broadcast_in_dim3A_2160 : i1 to vector<16xi1>
    %masked_cumsum3A_2162 = tpu.scan <sum>, %select_n3A_2159 masked %broadcast_in_dim3A_2161 : vector<16xi32>, vector<16xi1> -> vector<16xi32>
    %broadcast_in_dim3A_2163 = vector.broadcast %add3A_2157 : i32 to vector<16xi32>
    %add3A_2164 = arith.addi %masked_cumsum3A_2162, %broadcast_in_dim3A_2163 : vector<16xi32>
    %gt3A_2165 = arith.cmpf ogt, %get3A_73, %broadcast_in_dim3A : vector<16xf32>
    %le3A_2166 = arith.cmpi sle, %add3A_2164, %broadcast_in_dim3A_1320 : vector<16xi32>
    %and3A_2167 = arith.andi %eq3A_2158, %le3A_2166 : vector<16xi1>
    %or3A_2168 = arith.ori %gt3A_2165, %and3A_2167 : vector<16xi1>
    %add3A_2169 = arith.constant 497 : i32
    %add3A_2170 = vector.broadcast %add3A_2169 : i32 to vector<16xi32>
    %add3A_2171 = arith.addi %iota3A, %add3A_2170 : vector<16xi32>
    %swap3A_2172 = arith.index_cast %add3A_2152 : i32 to index
    %swap3A_2173 = tpu.vector_load %arg5[%swap3A_2172] masked %or3A_2168 {strides = array<i32>} : memref<640xi32, #tpu.memory_space<vmem>>, vector<16xi32>, vector<16xi1>
    tpu.vector_store %arg5[%swap3A_2172], %add3A_2171 masked %or3A_2168 {strides = array<i32>} : memref<640xi32, #tpu.memory_space<vmem>>, vector<16xi32>, vector<16xi1>
    %select_n3A_2174 = arith.select %or3A_2168, %broadcast_in_dim3A_1095, %broadcast_in_dim3A_1097 : vector<16xi1>, vector<16xi32>
    %reduce_sum3A_2175 = arith.constant true
    %reduce_sum3A_2176 = vector.broadcast %reduce_sum3A_2175 : i1 to vector<16xi1>
    %reduce_sum3A_2177 = tpu.scan <sum>, %select_n3A_2174 masked %reduce_sum3A_2176 : vector<16xi32>, vector<16xi1> -> vector<16xi32>
    %reduce_sum3A_2178 = vector.extract %reduce_sum3A_2177[15] : i32 from vector<16xi32>
    %add3A_2179 = arith.addi %add3A_2152, %reduce_sum3A_2178 : i32
    %reduce_sum3A_2180 = arith.constant true
    %reduce_sum3A_2181 = vector.broadcast %reduce_sum3A_2180 : i1 to vector<16xi1>
    %reduce_sum3A_2182 = tpu.scan <sum>, %select_n3A_2159 masked %reduce_sum3A_2181 : vector<16xi32>, vector<16xi1> -> vector<16xi32>
    %reduce_sum3A_2183 = vector.extract %reduce_sum3A_2182[15] : i32 from vector<16xi32>
    %add3A_2184 = arith.addi %add3A_2157, %reduce_sum3A_2183 : i32
    %eq3A_2185 = arith.cmpf oeq, %get3A_75, %broadcast_in_dim3A : vector<16xf32>
    %select_n3A_2186 = arith.select %eq3A_2185, %broadcast_in_dim3A_1095, %broadcast_in_dim3A_1097 : vector<16xi1>, vector<16xi32>
    %broadcast_in_dim3A_2187 = arith.constant true
    %broadcast_in_dim3A_2188 = vector.broadcast %broadcast_in_dim3A_2187 : i1 to vector<16xi1>
    %masked_cumsum3A_2189 = tpu.scan <sum>, %select_n3A_2186 masked %broadcast_in_dim3A_2188 : vector<16xi32>, vector<16xi1> -> vector<16xi32>
    %broadcast_in_dim3A_2190 = vector.broadcast %add3A_2184 : i32 to vector<16xi32>
    %add3A_2191 = arith.addi %masked_cumsum3A_2189, %broadcast_in_dim3A_2190 : vector<16xi32>
    %gt3A_2192 = arith.cmpf ogt, %get3A_75, %broadcast_in_dim3A : vector<16xf32>
    %le3A_2193 = arith.cmpi sle, %add3A_2191, %broadcast_in_dim3A_1320 : vector<16xi32>
    %and3A_2194 = arith.andi %eq3A_2185, %le3A_2193 : vector<16xi1>
    %or3A_2195 = arith.ori %gt3A_2192, %and3A_2194 : vector<16xi1>
    %add3A_2196 = arith.constant 513 : i32
    %add3A_2197 = vector.broadcast %add3A_2196 : i32 to vector<16xi32>
    %add3A_2198 = arith.addi %iota3A, %add3A_2197 : vector<16xi32>
    %swap3A_2199 = arith.index_cast %add3A_2179 : i32 to index
    %swap3A_2200 = tpu.vector_load %arg5[%swap3A_2199] masked %or3A_2195 {strides = array<i32>} : memref<640xi32, #tpu.memory_space<vmem>>, vector<16xi32>, vector<16xi1>
    tpu.vector_store %arg5[%swap3A_2199], %add3A_2198 masked %or3A_2195 {strides = array<i32>} : memref<640xi32, #tpu.memory_space<vmem>>, vector<16xi32>, vector<16xi1>
    %select_n3A_2201 = arith.select %or3A_2195, %broadcast_in_dim3A_1095, %broadcast_in_dim3A_1097 : vector<16xi1>, vector<16xi32>
    %reduce_sum3A_2202 = arith.constant true
    %reduce_sum3A_2203 = vector.broadcast %reduce_sum3A_2202 : i1 to vector<16xi1>
    %reduce_sum3A_2204 = tpu.scan <sum>, %select_n3A_2201 masked %reduce_sum3A_2203 : vector<16xi32>, vector<16xi1> -> vector<16xi32>
    %reduce_sum3A_2205 = vector.extract %reduce_sum3A_2204[15] : i32 from vector<16xi32>
    %add3A_2206 = arith.addi %add3A_2179, %reduce_sum3A_2205 : i32
    %reduce_sum3A_2207 = arith.constant true
    %reduce_sum3A_2208 = vector.broadcast %reduce_sum3A_2207 : i1 to vector<16xi1>
    %reduce_sum3A_2209 = tpu.scan <sum>, %select_n3A_2186 masked %reduce_sum3A_2208 : vector<16xi32>, vector<16xi1> -> vector<16xi32>
    %reduce_sum3A_2210 = vector.extract %reduce_sum3A_2209[15] : i32 from vector<16xi32>
    %add3A_2211 = arith.addi %add3A_2184, %reduce_sum3A_2210 : i32
    %eq3A_2212 = arith.cmpf oeq, %get3A_77, %broadcast_in_dim3A : vector<16xf32>
    %select_n3A_2213 = arith.select %eq3A_2212, %broadcast_in_dim3A_1095, %broadcast_in_dim3A_1097 : vector<16xi1>, vector<16xi32>
    %broadcast_in_dim3A_2214 = arith.constant true
    %broadcast_in_dim3A_2215 = vector.broadcast %broadcast_in_dim3A_2214 : i1 to vector<16xi1>
    %masked_cumsum3A_2216 = tpu.scan <sum>, %select_n3A_2213 masked %broadcast_in_dim3A_2215 : vector<16xi32>, vector<16xi1> -> vector<16xi32>
    %broadcast_in_dim3A_2217 = vector.broadcast %add3A_2211 : i32 to vector<16xi32>
    %add3A_2218 = arith.addi %masked_cumsum3A_2216, %broadcast_in_dim3A_2217 : vector<16xi32>
    %gt3A_2219 = arith.cmpf ogt, %get3A_77, %broadcast_in_dim3A : vector<16xf32>
    %le3A_2220 = arith.cmpi sle, %add3A_2218, %broadcast_in_dim3A_1320 : vector<16xi32>
    %and3A_2221 = arith.andi %eq3A_2212, %le3A_2220 : vector<16xi1>
    %or3A_2222 = arith.ori %gt3A_2219, %and3A_2221 : vector<16xi1>
    %add3A_2223 = arith.constant 529 : i32
    %add3A_2224 = vector.broadcast %add3A_2223 : i32 to vector<16xi32>
    %add3A_2225 = arith.addi %iota3A, %add3A_2224 : vector<16xi32>
    %swap3A_2226 = arith.index_cast %add3A_2206 : i32 to index
    %swap3A_2227 = tpu.vector_load %arg5[%swap3A_2226] masked %or3A_2222 {strides = array<i32>} : memref<640xi32, #tpu.memory_space<vmem>>, vector<16xi32>, vector<16xi1>
    tpu.vector_store %arg5[%swap3A_2226], %add3A_2225 masked %or3A_2222 {strides = array<i32>} : memref<640xi32, #tpu.memory_space<vmem>>, vector<16xi32>, vector<16xi1>
    %select_n3A_2228 = arith.select %or3A_2222, %broadcast_in_dim3A_1095, %broadcast_in_dim3A_1097 : vector<16xi1>, vector<16xi32>
    %reduce_sum3A_2229 = arith.constant true
    %reduce_sum3A_2230 = vector.broadcast %reduce_sum3A_2229 : i1 to vector<16xi1>
    %reduce_sum3A_2231 = tpu.scan <sum>, %select_n3A_2228 masked %reduce_sum3A_2230 : vector<16xi32>, vector<16xi1> -> vector<16xi32>
    %reduce_sum3A_2232 = vector.extract %reduce_sum3A_2231[15] : i32 from vector<16xi32>
    %add3A_2233 = arith.addi %add3A_2206, %reduce_sum3A_2232 : i32
    %reduce_sum3A_2234 = arith.constant true
    %reduce_sum3A_2235 = vector.broadcast %reduce_sum3A_2234 : i1 to vector<16xi1>
    %reduce_sum3A_2236 = tpu.scan <sum>, %select_n3A_2213 masked %reduce_sum3A_2235 : vector<16xi32>, vector<16xi1> -> vector<16xi32>
    %reduce_sum3A_2237 = vector.extract %reduce_sum3A_2236[15] : i32 from vector<16xi32>
    %add3A_2238 = arith.addi %add3A_2211, %reduce_sum3A_2237 : i32
    %eq3A_2239 = arith.cmpf oeq, %get3A_79, %broadcast_in_dim3A : vector<16xf32>
    %select_n3A_2240 = arith.select %eq3A_2239, %broadcast_in_dim3A_1095, %broadcast_in_dim3A_1097 : vector<16xi1>, vector<16xi32>
    %broadcast_in_dim3A_2241 = arith.constant true
    %broadcast_in_dim3A_2242 = vector.broadcast %broadcast_in_dim3A_2241 : i1 to vector<16xi1>
    %masked_cumsum3A_2243 = tpu.scan <sum>, %select_n3A_2240 masked %broadcast_in_dim3A_2242 : vector<16xi32>, vector<16xi1> -> vector<16xi32>
    %broadcast_in_dim3A_2244 = vector.broadcast %add3A_2238 : i32 to vector<16xi32>
    %add3A_2245 = arith.addi %masked_cumsum3A_2243, %broadcast_in_dim3A_2244 : vector<16xi32>
    %gt3A_2246 = arith.cmpf ogt, %get3A_79, %broadcast_in_dim3A : vector<16xf32>
    %le3A_2247 = arith.cmpi sle, %add3A_2245, %broadcast_in_dim3A_1320 : vector<16xi32>
    %and3A_2248 = arith.andi %eq3A_2239, %le3A_2247 : vector<16xi1>
    %or3A_2249 = arith.ori %gt3A_2246, %and3A_2248 : vector<16xi1>
    %add3A_2250 = arith.constant 545 : i32
    %add3A_2251 = vector.broadcast %add3A_2250 : i32 to vector<16xi32>
    %add3A_2252 = arith.addi %iota3A, %add3A_2251 : vector<16xi32>
    %swap3A_2253 = arith.index_cast %add3A_2233 : i32 to index
    %swap3A_2254 = tpu.vector_load %arg5[%swap3A_2253] masked %or3A_2249 {strides = array<i32>} : memref<640xi32, #tpu.memory_space<vmem>>, vector<16xi32>, vector<16xi1>
    tpu.vector_store %arg5[%swap3A_2253], %add3A_2252 masked %or3A_2249 {strides = array<i32>} : memref<640xi32, #tpu.memory_space<vmem>>, vector<16xi32>, vector<16xi1>
    %select_n3A_2255 = arith.select %or3A_2249, %broadcast_in_dim3A_1095, %broadcast_in_dim3A_1097 : vector<16xi1>, vector<16xi32>
    %reduce_sum3A_2256 = arith.constant true
    %reduce_sum3A_2257 = vector.broadcast %reduce_sum3A_2256 : i1 to vector<16xi1>
    %reduce_sum3A_2258 = tpu.scan <sum>, %select_n3A_2255 masked %reduce_sum3A_2257 : vector<16xi32>, vector<16xi1> -> vector<16xi32>
    %reduce_sum3A_2259 = vector.extract %reduce_sum3A_2258[15] : i32 from vector<16xi32>
    %add3A_2260 = arith.addi %add3A_2233, %reduce_sum3A_2259 : i32
    %reduce_sum3A_2261 = arith.constant true
    %reduce_sum3A_2262 = vector.broadcast %reduce_sum3A_2261 : i1 to vector<16xi1>
    %reduce_sum3A_2263 = tpu.scan <sum>, %select_n3A_2240 masked %reduce_sum3A_2262 : vector<16xi32>, vector<16xi1> -> vector<16xi32>
    %reduce_sum3A_2264 = vector.extract %reduce_sum3A_2263[15] : i32 from vector<16xi32>
    %add3A_2265 = arith.addi %add3A_2238, %reduce_sum3A_2264 : i32
    %eq3A_2266 = arith.cmpf oeq, %get3A_81, %broadcast_in_dim3A : vector<16xf32>
    %select_n3A_2267 = arith.select %eq3A_2266, %broadcast_in_dim3A_1095, %broadcast_in_dim3A_1097 : vector<16xi1>, vector<16xi32>
    %broadcast_in_dim3A_2268 = arith.constant true
    %broadcast_in_dim3A_2269 = vector.broadcast %broadcast_in_dim3A_2268 : i1 to vector<16xi1>
    %masked_cumsum3A_2270 = tpu.scan <sum>, %select_n3A_2267 masked %broadcast_in_dim3A_2269 : vector<16xi32>, vector<16xi1> -> vector<16xi32>
    %broadcast_in_dim3A_2271 = vector.broadcast %add3A_2265 : i32 to vector<16xi32>
    %add3A_2272 = arith.addi %masked_cumsum3A_2270, %broadcast_in_dim3A_2271 : vector<16xi32>
    %gt3A_2273 = arith.cmpf ogt, %get3A_81, %broadcast_in_dim3A : vector<16xf32>
    %le3A_2274 = arith.cmpi sle, %add3A_2272, %broadcast_in_dim3A_1320 : vector<16xi32>
    %and3A_2275 = arith.andi %eq3A_2266, %le3A_2274 : vector<16xi1>
    %or3A_2276 = arith.ori %gt3A_2273, %and3A_2275 : vector<16xi1>
    %add3A_2277 = arith.constant 561 : i32
    %add3A_2278 = vector.broadcast %add3A_2277 : i32 to vector<16xi32>
    %add3A_2279 = arith.addi %iota3A, %add3A_2278 : vector<16xi32>
    %swap3A_2280 = arith.index_cast %add3A_2260 : i32 to index
    %swap3A_2281 = tpu.vector_load %arg5[%swap3A_2280] masked %or3A_2276 {strides = array<i32>} : memref<640xi32, #tpu.memory_space<vmem>>, vector<16xi32>, vector<16xi1>
    tpu.vector_store %arg5[%swap3A_2280], %add3A_2279 masked %or3A_2276 {strides = array<i32>} : memref<640xi32, #tpu.memory_space<vmem>>, vector<16xi32>, vector<16xi1>
    %select_n3A_2282 = arith.select %or3A_2276, %broadcast_in_dim3A_1095, %broadcast_in_dim3A_1097 : vector<16xi1>, vector<16xi32>
    %reduce_sum3A_2283 = arith.constant true
    %reduce_sum3A_2284 = vector.broadcast %reduce_sum3A_2283 : i1 to vector<16xi1>
    %reduce_sum3A_2285 = tpu.scan <sum>, %select_n3A_2282 masked %reduce_sum3A_2284 : vector<16xi32>, vector<16xi1> -> vector<16xi32>
    %reduce_sum3A_2286 = vector.extract %reduce_sum3A_2285[15] : i32 from vector<16xi32>
    %add3A_2287 = arith.addi %add3A_2260, %reduce_sum3A_2286 : i32
    %reduce_sum3A_2288 = arith.constant true
    %reduce_sum3A_2289 = vector.broadcast %reduce_sum3A_2288 : i1 to vector<16xi1>
    %reduce_sum3A_2290 = tpu.scan <sum>, %select_n3A_2267 masked %reduce_sum3A_2289 : vector<16xi32>, vector<16xi1> -> vector<16xi32>
    %reduce_sum3A_2291 = vector.extract %reduce_sum3A_2290[15] : i32 from vector<16xi32>
    %add3A_2292 = arith.addi %add3A_2265, %reduce_sum3A_2291 : i32
    "tpu.region"() ({
      %run_scoped3A = tpu.sem_alloc : memref<!tpu.dma_semaphore, #tpu.memory_space<semaphore_mem>>
      %dma_start3A_2293 = arith.constant 0 : i32
      %dma_start3A_2294 = tpu.memref_slice %arg3[%add3A, %dma_start3A_2293] : memref<32x640xi32, #tpu.memory_space<hbm>> -> memref<1x640xi32, #tpu.memory_space<hbm>>
      %dma_start3A_2295 = tpu.memref_squeeze %dma_start3A_2294 : memref<1x640xi32, #tpu.memory_space<hbm>> -> memref<640xi32, #tpu.memory_space<hbm>>
      %dma_start3A_2296 = arith.constant 0 : i32
      %dma_start3A_2297 = tpu.memref_slice %arg3[%add3A, %dma_start3A_2296] : memref<32x640xi32, #tpu.memory_space<hbm>> -> memref<1x640xi32, #tpu.memory_space<hbm>>
      %dma_start3A_2298 = tpu.memref_squeeze %dma_start3A_2297 : memref<1x640xi32, #tpu.memory_space<hbm>> -> memref<640xi32, #tpu.memory_space<hbm>>
      tpu.enqueue_dma source(%arg5 : memref<640xi32, #tpu.memory_space<vmem>>) target(%dma_start3A_2298 : memref<640xi32, #tpu.memory_space<hbm>>) target_semaphore(%run_scoped3A : memref<!tpu.dma_semaphore, #tpu.memory_space<semaphore_mem>>)
      %dma_wait3A_2299 = arith.constant 0 : i32
      %dma_wait3A_2300 = tpu.memref_slice %arg3[%add3A, %dma_wait3A_2299] : memref<32x640xi32, #tpu.memory_space<hbm>> -> memref<1x640xi32, #tpu.memory_space<hbm>>
      %dma_wait3A_2301 = tpu.memref_squeeze %dma_wait3A_2300 : memref<1x640xi32, #tpu.memory_space<hbm>> -> memref<640xi32, #tpu.memory_space<hbm>>
      %dma_wait3A_2302 = arith.constant 0 : i32
      %dma_wait3A_2303 = tpu.memref_slice %arg3[%add3A, %dma_wait3A_2302] : memref<32x640xi32, #tpu.memory_space<hbm>> -> memref<1x640xi32, #tpu.memory_space<hbm>>
      %dma_wait3A_2304 = tpu.memref_squeeze %dma_wait3A_2303 : memref<1x640xi32, #tpu.memory_space<hbm>> -> memref<640xi32, #tpu.memory_space<hbm>>
      tpu.wait_dma2 semaphore(%run_scoped3A : memref<!tpu.dma_semaphore, #tpu.memory_space<semaphore_mem>>) src(%arg5 : memref<640xi32, #tpu.memory_space<vmem>>) dst(%dma_wait3A_2304 : memref<640xi32, #tpu.memory_space<hbm>>)
      tpu.yield
    }) : () -> ()
    return
  }
}

module attributes {stable_mosaic.version = 14 : i64} {
  func.func @_pack_body(%arg0: i32, %arg1: memref<8x640xi32, #tpu.memory_space<vmem>>, %arg2: memref<8x545xi32, #tpu.memory_space<vmem>>) attributes {dimension_semantics = [#tpu.dimension_semantics<arbitrary>], iteration_bounds = array<i64: 4>, scalar_prefetch = 0 : i64, scratch_operands = 0 : i64, tpu.core_type = #tpu.core_type<tc>, window_params = [{transform_indices = @transform_0, window_bounds = array<i64: 8, 640>}, {transform_indices = @transform_1, window_bounds = array<i64: 8, 545>}]} {
    %get3A = arith.constant 0 : index
    %get3A_0 = arith.constant 0 : index
    %get3A_1 = vector.load %arg1[%get3A, %get3A_0] : memref<8x640xi32, #tpu.memory_space<vmem>>, vector<8x545xi32>
    %swap3A = arith.constant 0 : index
    %swap3A_2 = arith.constant 0 : index
    %swap3A_3 = vector.load %arg2[%swap3A, %swap3A_2] : memref<8x545xi32, #tpu.memory_space<vmem>>, vector<8x545xi32>
    tpu.vector_store %arg2[%swap3A, %swap3A_2], %get3A_1 {strides = array<i32>} : memref<8x545xi32, #tpu.memory_space<vmem>>, vector<8x545xi32>,
    return
  }
  func.func @transform_0(%arg0: i32) -> (i32, i32) {
    %c0_i32 = arith.constant 0 : i32
    %c0_i32_0 = arith.constant 0 : i32
    return %arg0, %c0_i32 : i32, i32
  }
  func.func @transform_1(%arg0: i32) -> (i32, i32) {
    %c0_i32 = arith.constant 0 : i32
    %c0_i32_0 = arith.constant 0 : i32
    return %arg0, %c0_i32 : i32, i32
  }
}

module attributes {stable_mosaic.version = 14 : i64} {
  func.func @_mean_body(%arg0: i32, %arg1: memref<12x1x32x577xf32, #tpu.memory_space<vmem>>, %arg2: memref<32x576xf32, #tpu.memory_space<vmem>>, %arg3: memref<32x640xf32, #tpu.memory_space<vmem>>) attributes {dimension_semantics = [#tpu.dimension_semantics<arbitrary>], iteration_bounds = array<i64: 1>, scalar_prefetch = 0 : i64, scratch_operands = 0 : i64, tpu.core_type = #tpu.core_type<tc>, window_params = [{transform_indices = @transform_0, window_bounds = array<i64: 12, 1, 32, 577>}, {pipeline_mode = #tpu.pipeline_mode<synchronous>, transform_indices = @transform_1, window_bounds = array<i64: 32, 576>}, {pipeline_mode = #tpu.pipeline_mode<synchronous>, transform_indices = @transform_2, window_bounds = array<i64: 32, 640>}]} {
    %get3A = arith.constant 0 : index
    %get3A_0 = arith.constant 0 : index
    %get3A_1 = arith.constant 0 : index
    %get3A_2 = arith.constant 0 : index
    %get3A_3 = vector.load %arg1[%get3A, %get3A_0, %get3A_1, %get3A_2] : memref<12x1x32x577xf32, #tpu.memory_space<vmem>>, vector<1x1x32x577xf32>
    %get3A_4 = vector.shape_cast %get3A_3 : vector<1x1x32x577xf32> to vector<32x577xf32>
    %get3A_5 = arith.constant 1 : index
    %get3A_6 = arith.constant 0 : index
    %get3A_7 = arith.constant 0 : index
    %get3A_8 = arith.constant 0 : index
    %get3A_9 = vector.load %arg1[%get3A_5, %get3A_6, %get3A_7, %get3A_8] : memref<12x1x32x577xf32, #tpu.memory_space<vmem>>, vector<1x1x32x577xf32>
    %get3A_10 = vector.shape_cast %get3A_9 : vector<1x1x32x577xf32> to vector<32x577xf32>
    %add3A = arith.addf %get3A_4, %get3A_10 : vector<32x577xf32>
    %get3A_11 = arith.constant 2 : index
    %get3A_12 = arith.constant 0 : index
    %get3A_13 = arith.constant 0 : index
    %get3A_14 = arith.constant 0 : index
    %get3A_15 = vector.load %arg1[%get3A_11, %get3A_12, %get3A_13, %get3A_14] : memref<12x1x32x577xf32, #tpu.memory_space<vmem>>, vector<1x1x32x577xf32>
    %get3A_16 = vector.shape_cast %get3A_15 : vector<1x1x32x577xf32> to vector<32x577xf32>
    %add3A_17 = arith.addf %add3A, %get3A_16 : vector<32x577xf32>
    %get3A_18 = arith.constant 3 : index
    %get3A_19 = arith.constant 0 : index
    %get3A_20 = arith.constant 0 : index
    %get3A_21 = arith.constant 0 : index
    %get3A_22 = vector.load %arg1[%get3A_18, %get3A_19, %get3A_20, %get3A_21] : memref<12x1x32x577xf32, #tpu.memory_space<vmem>>, vector<1x1x32x577xf32>
    %get3A_23 = vector.shape_cast %get3A_22 : vector<1x1x32x577xf32> to vector<32x577xf32>
    %add3A_24 = arith.addf %add3A_17, %get3A_23 : vector<32x577xf32>
    %get3A_25 = arith.constant 4 : index
    %get3A_26 = arith.constant 0 : index
    %get3A_27 = arith.constant 0 : index
    %get3A_28 = arith.constant 0 : index
    %get3A_29 = vector.load %arg1[%get3A_25, %get3A_26, %get3A_27, %get3A_28] : memref<12x1x32x577xf32, #tpu.memory_space<vmem>>, vector<1x1x32x577xf32>
    %get3A_30 = vector.shape_cast %get3A_29 : vector<1x1x32x577xf32> to vector<32x577xf32>
    %add3A_31 = arith.addf %add3A_24, %get3A_30 : vector<32x577xf32>
    %get3A_32 = arith.constant 5 : index
    %get3A_33 = arith.constant 0 : index
    %get3A_34 = arith.constant 0 : index
    %get3A_35 = arith.constant 0 : index
    %get3A_36 = vector.load %arg1[%get3A_32, %get3A_33, %get3A_34, %get3A_35] : memref<12x1x32x577xf32, #tpu.memory_space<vmem>>, vector<1x1x32x577xf32>
    %get3A_37 = vector.shape_cast %get3A_36 : vector<1x1x32x577xf32> to vector<32x577xf32>
    %add3A_38 = arith.addf %add3A_31, %get3A_37 : vector<32x577xf32>
    %get3A_39 = arith.constant 6 : index
    %get3A_40 = arith.constant 0 : index
    %get3A_41 = arith.constant 0 : index
    %get3A_42 = arith.constant 0 : index
    %get3A_43 = vector.load %arg1[%get3A_39, %get3A_40, %get3A_41, %get3A_42] : memref<12x1x32x577xf32, #tpu.memory_space<vmem>>, vector<1x1x32x577xf32>
    %get3A_44 = vector.shape_cast %get3A_43 : vector<1x1x32x577xf32> to vector<32x577xf32>
    %add3A_45 = arith.addf %add3A_38, %get3A_44 : vector<32x577xf32>
    %get3A_46 = arith.constant 7 : index
    %get3A_47 = arith.constant 0 : index
    %get3A_48 = arith.constant 0 : index
    %get3A_49 = arith.constant 0 : index
    %get3A_50 = vector.load %arg1[%get3A_46, %get3A_47, %get3A_48, %get3A_49] : memref<12x1x32x577xf32, #tpu.memory_space<vmem>>, vector<1x1x32x577xf32>
    %get3A_51 = vector.shape_cast %get3A_50 : vector<1x1x32x577xf32> to vector<32x577xf32>
    %add3A_52 = arith.addf %add3A_45, %get3A_51 : vector<32x577xf32>
    %get3A_53 = arith.constant 8 : index
    %get3A_54 = arith.constant 0 : index
    %get3A_55 = arith.constant 0 : index
    %get3A_56 = arith.constant 0 : index
    %get3A_57 = vector.load %arg1[%get3A_53, %get3A_54, %get3A_55, %get3A_56] : memref<12x1x32x577xf32, #tpu.memory_space<vmem>>, vector<1x1x32x577xf32>
    %get3A_58 = vector.shape_cast %get3A_57 : vector<1x1x32x577xf32> to vector<32x577xf32>
    %add3A_59 = arith.addf %add3A_52, %get3A_58 : vector<32x577xf32>
    %get3A_60 = arith.constant 9 : index
    %get3A_61 = arith.constant 0 : index
    %get3A_62 = arith.constant 0 : index
    %get3A_63 = arith.constant 0 : index
    %get3A_64 = vector.load %arg1[%get3A_60, %get3A_61, %get3A_62, %get3A_63] : memref<12x1x32x577xf32, #tpu.memory_space<vmem>>, vector<1x1x32x577xf32>
    %get3A_65 = vector.shape_cast %get3A_64 : vector<1x1x32x577xf32> to vector<32x577xf32>
    %add3A_66 = arith.addf %add3A_59, %get3A_65 : vector<32x577xf32>
    %get3A_67 = arith.constant 10 : index
    %get3A_68 = arith.constant 0 : index
    %get3A_69 = arith.constant 0 : index
    %get3A_70 = arith.constant 0 : index
    %get3A_71 = vector.load %arg1[%get3A_67, %get3A_68, %get3A_69, %get3A_70] : memref<12x1x32x577xf32, #tpu.memory_space<vmem>>, vector<1x1x32x577xf32>
    %get3A_72 = vector.shape_cast %get3A_71 : vector<1x1x32x577xf32> to vector<32x577xf32>
    %add3A_73 = arith.addf %add3A_66, %get3A_72 : vector<32x577xf32>
    %get3A_74 = arith.constant 11 : index
    %get3A_75 = arith.constant 0 : index
    %get3A_76 = arith.constant 0 : index
    %get3A_77 = arith.constant 0 : index
    %get3A_78 = vector.load %arg1[%get3A_74, %get3A_75, %get3A_76, %get3A_77] : memref<12x1x32x577xf32, #tpu.memory_space<vmem>>, vector<1x1x32x577xf32>
    %get3A_79 = vector.shape_cast %get3A_78 : vector<1x1x32x577xf32> to vector<32x577xf32>
    %add3A_80 = arith.addf %add3A_73, %get3A_79 : vector<32x577xf32>
    %mul3A = arith.constant 0.0833333358 : f32
    %mul3A_81 = vector.broadcast %mul3A : f32 to vector<32x577xf32>
    %mul3A_82 = arith.mulf %add3A_80, %mul3A_81 : vector<32x577xf32>
    %slice3A = vector.extract_strided_slice %mul3A_82 {offsets = [0, 1], sizes = [32, 576], strides = [1, 1]} : vector<32x577xf32> to vector<32x576xf32>
    %swap3A = arith.constant 0 : index
    %swap3A_83 = arith.constant 0 : index
    %swap3A_84 = vector.load %arg2[%swap3A, %swap3A_83] : memref<32x576xf32, #tpu.memory_space<vmem>>, vector<32x576xf32>
    tpu.vector_store %arg2[%swap3A, %swap3A_83], %slice3A {strides = array<i32>} : memref<32x576xf32, #tpu.memory_space<vmem>>, vector<32x576xf32>,
    %slice3A_85 = vector.extract_strided_slice %mul3A_82 {offsets = [0, 1], sizes = [32, 576], strides = [1, 1]} : vector<32x577xf32> to vector<32x576xf32>
    %swap3A_86 = arith.constant 0 : index
    %swap3A_87 = arith.constant 0 : index
    %swap3A_88 = vector.load %arg3[%swap3A_86, %swap3A_87] : memref<32x640xf32, #tpu.memory_space<vmem>>, vector<32x576xf32>
    tpu.vector_store %arg3[%swap3A_86, %swap3A_87], %slice3A_85 {strides = array<i32>} : memref<32x640xf32, #tpu.memory_space<vmem>>, vector<32x576xf32>,
    %broadcast_in_dim3A = arith.constant 0.000000e+00 : f32
    %broadcast_in_dim3A_89 = vector.broadcast %broadcast_in_dim3A : f32 to vector<32x64xf32>
    %swap3A_90 = arith.constant 0 : index
    %swap3A_91 = arith.constant 576 : index
    %swap3A_92 = vector.load %arg3[%swap3A_90, %swap3A_91] : memref<32x640xf32, #tpu.memory_space<vmem>>, vector<32x64xf32>
    tpu.vector_store %arg3[%swap3A_90, %swap3A_91], %broadcast_in_dim3A_89 {strides = array<i32>} : memref<32x640xf32, #tpu.memory_space<vmem>>, vector<32x64xf32>,
    return
  }
  func.func @transform_0(%arg0: i32) -> (i32, i32, i32, i32) {
    %c0_i32 = arith.constant 0 : i32
    %c0_i32_0 = arith.constant 0 : i32
    %c0_i32_1 = arith.constant 0 : i32
    %c0_i32_2 = arith.constant 0 : i32
    %c0_i32_3 = arith.constant 0 : i32
    return %c0_i32, %c0_i32_0, %c0_i32_1, %c0_i32_2 : i32, i32, i32, i32
  }
  func.func @transform_1(%arg0: i32) -> (i32, i32) {
    %c0_i32 = arith.constant 0 : i32
    %c0_i32_0 = arith.constant 0 : i32
    %c0_i32_1 = arith.constant 0 : i32
    return %c0_i32, %c0_i32_0 : i32, i32
  }
  func.func @transform_2(%arg0: i32) -> (i32, i32) {
    %c0_i32 = arith.constant 0 : i32
    %c0_i32_0 = arith.constant 0 : i32
    %c0_i32_1 = arith.constant 0 : i32
    return %c0_i32, %c0_i32_0 : i32, i32
  }
}

</mosaic_0001>

<sc_bundles>
// kernel: kernel.5.cloned.1.call-start
scs
__scs_entry_jumppad:
0x0: {  	(pc) =	sbr.rel $0x88, $3  }
0x1: {  	(tag) =	ssettag $0x0;
	lr =	simm.s32 $0x1  }
0x2: {  	[smem:$0x3F9F] =	sst lr;
	_ =	strace $0xD0000000  }
0x3: {  	_ = 	snop  }
0x4: {  	_ = 	snop  }
0x5: {  	_ = 	snop  }
0x6: {  	_ = 	snop  }
0x7: {  	_ = 	snop  }
__scs_overlays_trampoline_lowered:
0x8: {  	[smem:$0x3FAE] =	sst s0  }
0x9: {  	[smem:$0x3FAF] =	sst s1  }
0xa: {  	[smem:$0x3FB0] =	sst s2  }
0xb: {  	[smem:$0x3FB1] =	sst s3  }
0xc: {  	[smem:$0x3FB2] =	sst s4  }
0xd: {  	[smem:$0x3FB3] =	sst s5  }
0xe: {  	[smem:$0x3FB4] =	sst s6  }
0xf: {  	[smem:$0x3FB5] =	sst s7  }
0x10: {  	[smem:$0x3FB6] =	sst s8  }
0x11: {  	[smem:$0x3FB7] =	sst s9;
	s0 =	simm.s32 @!p0 $0x0  }
0x12: {  	s1 =	sld [smem:$0x3F9D];
	s0 =	simm.s32 @p0 $0x1  }
0x13: {  	[smem:$0x3FB8] =	sst s0;
	s0 =	simm.s32 @!p1 $0x0  }
0x14: {  	s2 =	sld [smem:$0x3F9C];
	s0 =	simm.s32 @p1 $0x1  }
0x15: {  	[smem:$0x3FB9] =	sst s0;
	s0 =	simm.s32 @!p2 $0x0  }
0x16: {  	s3 =	sld [smem:$0x3FDB];
	s0 =	simm.s32 @p2 $0x1  }
0x17: {  	s4 =	simm.s32 $0x1BF5;
	[smem:$0x3FBB] =	sst s0  }
0x18: {  	s0 =	sld [smem:$0x3F9E];
	_ =	swait.ge [sflag:s4], $0x0  }
0x19: {  	s7 =	sld [smem:$0x3F9F]  }
0x1a: {  	s8 =	sadd.s32 $0xFFFFE003, lr  }
0x1b: {  	s9 =	sadd.s32 $0xFFFFFEF7, lr;
	s5 =	simm.s32 $0xFFFFFFFF;
	p2 =	slt.u32 s8, $0xFFFFF086  }
0x1c: {  	p1 =	slt.u32 s9, $0xF7A;
	s5 =	simm.s32 @!p2 $0x0  }
0x1d: {  	s5 =	simm.s32 @p1 $0x1;
	p0 =	seq.s32 s7, s2  }
0x1e: {  	s7 =	smul.u32 @!p0 $0xF7A, s2;
	p2 =	seq.s32 @!p0 s5, $0x0  }
0x1f: {  	s9 =	smul.u32 $0xF7A, s1;
	s8 =	simm.s32 @!p0 $0x1BF5;
	p2 =	por !p2, p0  }
0x20: {  	[sflag:s8] =	ssyncset.s32 @!p0 $0xFFFFF086;
	s6 =	sadd.s32 @!p0 s3, s7;
	s7 =	simm.s32 @!p0 $0x108  }
0x21: {  	s3 =	sadd.s32 s3, s9;
	s6 =	sadd.s32 @!p0 $0x88, s6;
	s7 =	simm.s32 @p2 $0x1082  }
0x22: {  	[simem:s7], [sflag:s8] =	dma.local @!p0 [hbm:s6], $0xF7A  }
0x23: {  	s9 =	sor.u32 $0xD0000000, s2;
	s6 =	simm.s32 $0x108;
	_ =	swait.ge @!p0 [sflag:s8], $0x0  }
0x24: {  	s3 =	sadd.s32 $0x88, s3;
	s6 =	simm.s32 @!p1 $0x1082;
	[sflag:s4] =	ssyncset.s32 $0xFFFFF086  }
0x25: {  	[simem:s6], [sflag:s4] =	dma.local [hbm:s3], $0xF7A  }
0x26: {  	[smem:$0x3F9F] =	sst s1;
	(tag) =	ssettag s2;
	_ =	strace s9  }
0x27: {  	s1 =	sld [smem:$0x3FAF]  }
0x28: {  	s2 =	sld [smem:$0x3FB0]  }
0x29: {  	s4 =	sld [smem:$0x3FB2]  }
0x2a: {  	p0 =	seq.s32 s5, $0x0;
	s5 =	sld [smem:$0x3FB3]  }
0x2b: {  	s6 =	sld [smem:$0x3FB4]  }
0x2c: {  	s7 =	sld [smem:$0x3FB5]  }
0x2d: {  	s3 =	simm.s32 $0x108;
	s8 =	sld [smem:$0x3FB6]  }
0x2e: {  	s3 =	simm.s32 @!p0 $0x1082;
	s9 =	sld [smem:$0x3FB7]  }
0x2f: {  	lr =	sadd.s32 s0, s3;
	s0 =	sld [smem:$0x3FAE]  }
0x30: {  	s3 =	sld [smem:$0x3FB1]  }
0x31: {  	[smem:$0x3FBA] =	sst s10  }
0x32: {  	s10 =	sld [smem:$0x3FB8];
	_ =	sdelay $0x3  }
0x33: {  	p0 =	seq.s32 s10, $0x1;
	s10 =	sld [smem:$0x3FBA];
	_ =	sdelay $0x3  }
0x34: {  	[smem:$0x3FBA] =	sst s10  }
0x35: {  	s10 =	sld [smem:$0x3FB9];
	_ =	sdelay $0x3  }
0x36: {  	p1 =	seq.s32 s10, $0x1;
	s10 =	sld [smem:$0x3FBA];
	_ =	sdelay $0x3  }
0x37: {  	[smem:$0x3FBA] =	sst s10  }
0x38: {  	s10 =	sld [smem:$0x3FBB]  }
0x39: {  	_ = 	snop;
	(pc) =	sbr.ind lr, $3  }
0x3a: {  	_ = 	snop  }
0x3b: {  	_ = 	snop  }
0x3c: {  	p2 =	seq.s32 s10, $0x1;
	s10 =	sld [smem:$0x3FBA]  }
0x3d: {  	_ =	shalt  }
0x3e: {  	_ =	shalt  }
0x3f: {  	_ =	shalt  }
0x40: {  	_ =	shalt  }
0x41: {  	_ =	shalt  }
0x42: {  	_ =	shalt  }
0x43: {  	_ =	shalt  }
0x44: {  	_ =	shalt  }
0x45: {  	_ =	shalt  }
0x46: {  	_ =	shalt  }
0x47: {  	_ =	shalt  }
0x48: {  	_ =	shalt  }
0x49: {  	_ =	shalt  }
0x4a: {  	_ =	shalt  }
0x4b: {  	_ =	shalt  }
0x4c: {  	_ =	shalt  }
0x4d: {  	_ =	shalt  }
0x4e: {  	_ =	shalt  }
0x4f: {  	_ =	shalt  }
0x50: {  	_ =	shalt  }
0x51: {  	_ =	shalt  }
0x52: {  	_ =	shalt  }
0x53: {  	_ =	shalt  }
0x54: {  	_ =	shalt  }
0x55: {  	_ =	shalt  }
0x56: {  	_ =	shalt  }
0x57: {  	_ =	shalt  }
0x58: {  	_ =	shalt  }
0x59: {  	_ =	shalt  }
0x5a: {  	_ =	shalt  }
0x5b: {  	_ =	shalt  }
0x5c: {  	_ =	shalt  }
0x5d: {  	_ =	shalt  }
0x5e: {  	_ =	shalt  }
0x5f: {  	_ =	shalt  }
0x60: {  	_ =	shalt  }
0x61: {  	_ =	shalt  }
0x62: {  	_ =	shalt  }
0x63: {  	_ =	shalt  }
0x64: {  	_ =	shalt  }
0x65: {  	_ =	shalt  }
0x66: {  	_ =	shalt  }
0x67: {  	_ =	shalt  }
0x68: {  	_ =	shalt  }
0x69: {  	_ =	shalt  }
0x6a: {  	_ =	shalt  }
0x6b: {  	_ =	shalt  }
0x6c: {  	_ =	shalt  }
0x6d: {  	_ =	shalt  }
0x6e: {  	_ =	shalt  }
0x6f: {  	_ =	shalt  }
0x70: {  	_ =	shalt  }
0x71: {  	_ =	shalt  }
0x72: {  	_ =	shalt  }
0x73: {  	_ =	shalt  }
0x74: {  	_ =	shalt  }
0x75: {  	_ =	shalt  }
0x76: {  	_ =	shalt  }
0x77: {  	_ =	shalt  }
0x78: {  	_ =	shalt  }
0x79: {  	_ =	shalt  }
0x7a: {  	_ =	shalt  }
0x7b: {  	_ =	shalt  }
0x7c: {  	_ =	shalt  }
0x7d: {  	_ =	shalt  }
0x7e: {  	_ =	shalt  }
0x7f: {  	_ =	shalt  }
0x80: {  	_ =	shalt  }
0x81: {  	_ =	shalt  }
0x82: {  	_ =	shalt  }
0x83: {  	_ =	shalt  }
0x84: {  	_ =	shalt  }
0x85: {  	_ =	shalt  }
0x86: {  	_ =	shalt  }
0x87: {  	_ =	shalt  }
.Lfunc_end0:
.L_simem_size_0:
called_computation_lowered:
.L_overlay_start_0:
0x88: {  	s2 =	sld [smem:$0x3FD9]  }
0x89: {  	s3 =	sld [smem:$0x3FFE];
	_ =	sdelay $0x1  }
0x8a: {  	s1 =	srdreg.scid  }
0x8b: {  	s0 =	sand.u32 $0x1, s1  }
0x8c: {  	s15 =	sshll.u32 s0, $0xA;
	s2 =	sadd.s32 s3, s2  }
0x8d: {  	s2 =	sadd.s32 s2, s15  }
0x8e: {  	[smem:$0x3FC6] =	sst s2  }
0x8f: {  	_ = 	snop  }
0x90: {  	s2 =	sld [smem:$0x3FD0];
	_ =	sdelay $0x2  }
0x91: {  	s16 =	simm.s32 $0xA;
	s4 =	simm.s32 $0x10  }
0x92: {  	[smem:s4], [sflag:s16] =	dma.local [hbm:s2], $0x1  }
0x93: {  	_ =	swait.eq [sflag:s16], $0x1  }
0x94: {  	[sflag:s16] =	ssyncset.done $0x0  }
0x95: {  	s17 =	sld [smem:$0x10];
	[sflag:s16] =	ssyncadd.s32 $0xFFFFFFFF  }
0x96: {  	s18 =	sld [smem:$0x11];
	(tm) =	ssettm $0x1  }
0x97: {  	s19 =	sld [smem:$0x3FFB];
	_ =	sdelay $0x3  }
0x98: {  	_ =	strace s19  }
0x99: {  	s4 =	sld [smem:$0x3FFC];
	_ =	sdelay $0x3  }
0x9a: {  	_ =	strace s4  }
0x9b: {  	s4 =	sld [smem:$0x3FFD];
	_ =	sdelay $0x3  }
0x9c: {  	_ =	strace s4  }
0x9d: {  	_ =	strace $0x8FFFFFFF  }
0x9e: {  	s20 =	sld [smem:$0x3FDB];
	_ =	sdelay $0x1  }
0x9f: {  	s5 =	simm.s32 $_scs_section_size  }
0xa0: {  	s6 =	simm.s32 $_size__tile_overlayer_lowered;
	s7 =	simm.s32 $_tile_overlayer_lowered  }
0xa1: {  	s23 =	simm.s32 $0x1BFF;
	s22 =	sshll.u32 s7, $0x1;
	s4 =	sadd.s32 s5, s20  }
0xa2: {  	s8 =	simm.s32 $0x0;
	s21 =	sshll.u32 s6, $0x1;
	s6 =	sadd.s32 s22, s4  }
0xa3: {  	[timem:s8], [sflag:s23] =	dma.local [hbm:s6], s21  }
0xa4: {  	_ =	swait.ge [sflag:s23], s21  }
0xa5: {  	s5 =	ssub.s32 $0x0, s21;
	[sflag:s23] =	ssyncset.done $0x0  }
0xa6: {  	[sflag:s23] =	ssyncadd.s32 s5;
	_ =	sdelay $0x1  }
0xa7: {  	s24 =	simm.s32 $0x1B8B  }
0xa8: {  	_ =	swait.ge [sflag:s24], $0x1  }
0xa9: {  	[sflag:s24] =	ssyncset.done $0x0  }
0xaa: {  	s25 =	simm.s32 $0x1B8E;
	[sflag:s24] =	ssyncadd.s32 $0xFFFFFFFF  }
0xab: {  	s26 =	simm.s32 $execute0_lowered;
	[smem:$0x3FD2] =	sst s25  }
0xac: {  	s5 =	sshll.u32 s26, $0x1;
	_ =	strace $0x80000046;
	[dreg:$0x1] =	wrdreg $0xFFFFFFFF  }
0xad: {  	s28 =	simm.s32 $_size_execute0_lowered;
	s4 =	sadd.s32 s4, s5;
	[dreg:$0x0] =	wrdreg $0x0  }
0xae: {  	s5 =	sshll.u32 s28, $0x1;
	[dreg:$0x2] =	wrdreg s4  }
0xaf: {  	[dreg:$0x3] =	wrdreg s5  }
0xb0: {  	[dreg:$0x4] =	wrdreg $0xC0  }
0xb1: {  	_ =	task [dreg:s8], $0x5FFFF  }
0xb2: {  	[dreg:$0x1] =	wrdreg $0xFFFFFFFF  }
0xb3: {  	[dreg:$0x0] =	wrdreg $0x60  }
0xb4: {  	[dreg:$0x2] =	wrdreg s18  }
0xb5: {  	[dreg:$0x3] =	wrdreg s17  }
0xb6: {  	[dreg:$0x4] =	wrdreg $0x9  }
0xb7: {  	_ =	task.clear_ibuf [dreg:s8], $0x5FFFF;
	_ =	strace $0x90000046  }
0xb8: {  	s29 =	simm.s32 $0x9;
	_ =	strace $0x80000048  }
0xb9: {  	_ =	swait.ge [sflag:s29], $0x1  }
0xba: {  	[sflag:s29] =	ssyncadd.s32 $0xFFFFFFFF  }
0xbb: {  	_ =	strace $0x90000048  }
0xbc: {  	_ =	sfence  }
0xbd: {  	s30 =	sld [smem:$0x0];
	_ =	sdelay $0x2  }
0xbe: {  	s31 =	sshll.u32 s1, $0xD;
	s1 =	sshrl.u32 s1, $0x2  }
0xbf: {  	s3 =	sand.u32 $0x4000, s31;
	s1 =	sadd.s32 s1, s30  }
0xc0: {  	s0 =	sor.u32 s3, s0;
	s1 =	sshll.u32 s1, $0x11  }
0xc1: {  	s0 =	sor.u32 s1, s0  }
0xc2: {  	s0 =	sadd.s32 $0x8F2B, s0  }
0xc3: {  	[sflag:s0] =	ssyncadd.remote.s32 $0x1  }
0xc4: {  	_ =	sfence.sel $0xFFFF  }
0xc5: {  	[dreg:$0x0] =	wrdreg $0xFFFFFFFF;
	(pc) =	sbr.abs _section_cstart, $3  }
0xc6: {  	[dreg:$0x1] =	wrdreg $0xFFFFFFFF  }
0xc7: {  	_ =	task.clear_ibuf [dreg:s8], $0x2FFFF;
	_ =	strace $0x9FFFFFFF  }
0xc8: {  	(tm) =	ssettm $0x7FFFFFFF  }
0xc9: {  	_ =	shalt  }
tec
execute0_lowered:
.L_overlay_start_1:
0x0: {  	(tag) =	ssettag $0x1  }
0x1: {  	v2 =	vlaneseq.u32  }
0x2: {  	v1 =	vadd.s32 $0x1, v2  }
0x3: {  	[tilespmem:$0x1FDC0] =	vst v1;
	v1 =	vadd.s32 $0x11, v2  }
0x4: {  	[tilespmem:$0x1FDD0] =	vst v1;
	v1 =	vadd.s32 $0x21, v2  }
0x5: {  	[tilespmem:$0x1FDE0] =	vst v1;
	v1 =	vadd.s32 $0x31, v2  }
0x6: {  	[tilespmem:$0x1FDF0] =	vst v1;
	v1 =	vadd.s32 $0x41, v2  }
0x7: {  	[tilespmem:$0x1FE00] =	vst v1;
	v1 =	vadd.s32 $0x51, v2  }
0x8: {  	[tilespmem:$0x1FE10] =	vst v1;
	v1 =	vadd.s32 $0x61, v2  }
0x9: {  	[tilespmem:$0x1FE20] =	vst v1;
	v1 =	vadd.s32 $0x71, v2  }
0xa: {  	[tilespmem:$0x1FE30] =	vst v1;
	v1 =	vadd.s32 $0x81, v2  }
0xb: {  	[tilespmem:$0x1FE40] =	vst v1;
	v1 =	vadd.s32 $0x91, v2  }
0xc: {  	[tilespmem:$0x1FE50] =	vst v1;
	v1 =	vadd.s32 $0xA1, v2  }
0xd: {  	[tilespmem:$0x1FE60] =	vst v1;
	v1 =	vadd.s32 $0xB1, v2  }
0xe: {  	[tilespmem:$0x1FE70] =	vst v1;
	v1 =	vadd.s32 $0xC1, v2  }
0xf: {  	[tilespmem:$0x1FE80] =	vst v1;
	v1 =	vadd.s32 $0xD1, v2  }
0x10: {  	[tilespmem:$0x1FE90] =	vst v1;
	v1 =	vadd.s32 $0xE1, v2  }
0x11: {  	[tilespmem:$0x1FEA0] =	vst v1;
	v1 =	vadd.s32 $0xF1, v2  }
0x12: {  	[tilespmem:$0x1FEB0] =	vst v1;
	v1 =	vadd.s32 $0x101, v2  }
0x13: {  	s0 =	rddreg [dreg:$0x0];
	s26 =	simm.s32 $0x0;
	[tilespmem:$0x1FEC0] =	vst v1;
	v1 =	vadd.s32 $0x111, v2  }
0x14: {  	[smem:$0x7FF] =	sst s26;
	[tilespmem:$0x1FED0] =	vst v1;
	v1 =	vadd.s32 $0x121, v2  }
0x15: {  	s5 =	rddreg [dreg:$0x1];
	_ =	strace $0x80000047;
	[tilespmem:$0x1FEE0] =	vst v1;
	v1 =	vadd.s32 $0x131, v2  }
0x16: {  	[tilespmem:$0x1FEF0] =	vst v1;
	v1 =	vadd.s32 $0x141, v2  }
0x17: {  	[tilespmem:$0x1FF00] =	vst v1;
	v1 =	vadd.s32 $0x151, v2  }
0x18: {  	[tilespmem:$0x1FF10] =	vst v1;
	v1 =	vadd.s32 $0x161, v2  }
0x19: {  	[tilespmem:$0x1FF20] =	vst v1;
	v1 =	vadd.s32 $0x171, v2  }
0x1a: {  	[tilespmem:$0x1FF30] =	vst v1;
	v1 =	vadd.s32 $0x181, v2  }
0x1b: {  	[tilespmem:$0x1FF40] =	vst v1;
	v1 =	vadd.s32 $0x191, v2  }
0x1c: {  	s1 =	srdreg.scid;
	s3 =	stileid.u32;
	[tilespmem:$0x1FF50] =	vst v1;
	v1 =	vadd.s32 $0x1A1, v2  }
0x1d: {  	s1 =	sand.u32 $0x1, s1;
	s2 =	sshrl.u32 s3, $0x2;
	s3 =	sshll.u32 s3, $0x8;
	[tilespmem:$0x1FF60] =	vst v1;
	v1 =	vadd.s32 $0x1B1, v2  }
0x1e: {  	s2 =	smul.u32 $0x1400, s2;
	s4 =	sshll.u32 s1, $0x7;
	s3 =	sand.u32 $0x300, s3;
	[tilespmem:$0x1FF70] =	vst v1;
	v1 =	vadd.s32 $0x1C1, v2  }
0x1f: {  	s3 =	sor.u32 s4, s3;
	[tilespmem:$0x1FF80] =	vst v1;
	v1 =	vadd.s32 $0x1D1, v2  }
0x20: {  	s2 =	sor.u32 s2, s3;
	[tilespmem:$0x1FF90] =	vst v1;
	v1 =	vadd.s32 $0x1E1, v2  }
0x21: {  	s2 =	sshrl.u32 s2, $0x3;
	[tilespmem:$0x1FFA0] =	vst v1;
	v1 =	vadd.s32 $0x1F1, v2  }
0x22: {  	s0 =	sadd.s32 s0, s2;
	[tilespmem:$0x1FFB0] =	vst v1;
	v1 =	vadd.s32 $0x201, v2  }
0x23: {  	s1 =	ssub.s32 $0x2, s1;
	s29 =	sadd.s32 s5, s2;
	[dreg:$0x3] =	wrdreg s0;
	[tilespmem:$0x1FFC0] =	vst v1;
	v1 =	vadd.s32 $0x211, v2  }
0x24: {  	s30 =	simm.s32 $0x281;
	v0 =	vmul.u32 $0xFFFFFFFF, v2;
	s28 =	sshrl.u32 s1, $0x1;
	[dreg:$0x5] =	wrdreg s29;
	[tilespmem:$0x1FFD0] =	vst v1;
	v1 =	vadd.s32 $0x221, v2  }
0x25: {  	s31 =	simm.s32 $0x280;
	s1 =	ssub.s32 s1, s28;
	[dreg:$0x4] =	wrdreg s30;
	[tilespmem:$0x1FFE0] =	vst v1;
	v1 =	vadd.s32 $0x231, v2  }
0x26: {  	v62 =	vimm.s32 $0x0;
	v0 =	vadd.s32 $0xF, v0;
	s17 =	smax.u32 s1, $0x1;
	[dreg:$0x6] =	wrdreg s31;
	[tilespmem:$0x1FFF0] =	vst v1  }
.LBB2_1:
0x27: {  	s0 =	rddreg [dreg:$0x3];
	s1 =	simm.s32 $0x0  }
0x28: {  	s2 =	simm.s32 $0x80;
	s3 =	simm.s32 $0x400;
	s7 =	simm.s32 $0x1  }
0x29: {  	[tilespmem:s1], [sflag:$0x1] =	stream.strided.gather [hbm4b:s0+s2], $0x280, s3, s2, $0x38;
	[tilespmem:$0x500] =	vst v63  }
0x2a: {  	_ =	swait.ge [sflag:s7], $0x280  }
0x2b: {  	[sflag:s7] =	ssyncset.done $0x0  }
0x2c: {  	[sflag:s7] =	ssyncadd.s32 $0xFFFFFD80  }
0x2d: {  	v51 =	vld [tilespmem:$0x0]  }
0x2e: {  	v52 =	vld [tilespmem:$0x10];
	_ =	sdelay $0x3  }
0x2f: {  	(xrf1) =	vsort.ascd.msk.f32 $0xffff, v51, v51  }
0x30: {  	(xrf1) =	vsort.ascd.msk.f32 $0xffff, v52, v52;
	_ =	sdelay $0xc  }
0x31: {  	v2, _, _ =	vpop (xrf1)  }
0x32: {  	v3, _, _ =	vpop (xrf1)  }
0x33: {  	v54 =	vld [tilespmem:$0x20];
	v3 =	vperm.xlane v3, v0;
	_ =	sdelay $0x1  }
0x34: {  	v4 =	vmin.f32 v2, v3  }
0x35: {  	v2 =	vmax.f32 v2, v3;
	(xrf1) =	vsort.ascd.msk.f32 $0xffff, v4, v4  }
0x36: {  	(xrf1) =	vsort.ascd.msk.f32 $0xffff, v2, v2  }
0x37: {  	(xrf1) =	vsort.ascd.msk.f32 $0xffff, v54, v54;
	_ =	sdelay $0xb  }
0x38: {  	v2, _, _ =	vpop (xrf1)  }
0x39: {  	v3, _, _ =	vpop (xrf1)  }
0x3a: {  	v61, _, _ =	vpop (xrf1)  }
0x3b: {  	v4 =	vperm.xlane v61, v0;
	_ =	sdelay $0x1  }
0x3c: {  	v3 =	vmin.f32 v3, v4  }
0x3d: {  	(xrf1) =	vsort.ascd.msk.f32 $0xffff, v3, v3;
	_ =	sdelay $0xd  }
0x3e: {  	v3, _, _ =	vpop (xrf1)  }
0x3f: {  	v55 =	vld [tilespmem:$0x30];
	v3 =	vperm.xlane v3, v0;
	_ =	sdelay $0x1  }
0x40: {  	v63 =	vmin.f32 v2, v3  }
0x41: {  	v2 =	vmax.f32 v2, v3;
	(xrf1) =	vsort.ascd.msk.f32 $0xffff, v63, v63  }
0x42: {  	(xrf1) =	vsort.ascd.msk.f32 $0xffff, v2, v2  }
0x43: {  	(xrf1) =	vsort.ascd.msk.f32 $0xffff, v55, v55;
	_ =	sdelay $0xb  }
0x44: {  	v2, _, _ =	vpop (xrf1)  }
0x45: {  	v3, _, _ =	vpop (xrf1)  }
0x46: {  	v8, _, _ =	vpop (xrf1)  }
0x47: {  	v4 =	vperm.xlane v8, v0;
	_ =	sdelay $0x1  }
0x48: {  	v3 =	vmin.f32 v3, v4  }
0x49: {  	(xrf1) =	vsort.ascd.msk.f32 $0xffff, v3, v3;
	_ =	sdelay $0xd  }
0x4a: {  	v3, _, _ =	vpop (xrf1)  }
0x4b: {  	v56 =	vld [tilespmem:$0x40];
	v3 =	vperm.xlane v3, v0;
	_ =	sdelay $0x1  }
0x4c: {  	v9 =	vmin.f32 v2, v3  }
0x4d: {  	v2 =	vmax.f32 v2, v3;
	(xrf1) =	vsort.ascd.msk.f32 $0xffff, v9, v9  }
0x4e: {  	(xrf1) =	vsort.ascd.msk.f32 $0xffff, v2, v2  }
0x4f: {  	(xrf1) =	vsort.ascd.msk.f32 $0xffff, v56, v56;
	_ =	sdelay $0xb  }
0x50: {  	v2, _, _ =	vpop (xrf1)  }
0x51: {  	v3, _, _ =	vpop (xrf1)  }
0x52: {  	v10, _, _ =	vpop (xrf1)  }
0x53: {  	v4 =	vperm.xlane v10, v0;
	_ =	sdelay $0x1  }
0x54: {  	v3 =	vmin.f32 v3, v4  }
0x55: {  	(xrf1) =	vsort.ascd.msk.f32 $0xffff, v3, v3;
	_ =	sdelay $0xd  }
0x56: {  	v3, _, _ =	vpop (xrf1)  }
0x57: {  	v57 =	vld [tilespmem:$0x50];
	v3 =	vperm.xlane v3, v0;
	_ =	sdelay $0x1  }
0x58: {  	v11 =	vmin.f32 v2, v3  }
0x59: {  	v2 =	vmax.f32 v2, v3;
	(xrf1) =	vsort.ascd.msk.f32 $0xffff, v11, v11  }
0x5a: {  	(xrf1) =	vsort.ascd.msk.f32 $0xffff, v2, v2  }
0x5b: {  	(xrf1) =	vsort.ascd.msk.f32 $0xffff, v57, v57;
	_ =	sdelay $0xb  }
0x5c: {  	v2, _, _ =	vpop (xrf1)  }
0x5d: {  	v3, _, _ =	vpop (xrf1)  }
0x5e: {  	v12, _, _ =	vpop (xrf1)  }
0x5f: {  	v4 =	vperm.xlane v12, v0;
	_ =	sdelay $0x1  }
0x60: {  	v3 =	vmin.f32 v3, v4  }
0x61: {  	(xrf1) =	vsort.ascd.msk.f32 $0xffff, v3, v3;
	_ =	sdelay $0xd  }
0x62: {  	v3, _, _ =	vpop (xrf1)  }
0x63: {  	v58 =	vld [tilespmem:$0x60];
	v3 =	vperm.xlane v3, v0;
	_ =	sdelay $0x1  }
0x64: {  	v13 =	vmin.f32 v2, v3  }
0x65: {  	v2 =	vmax.f32 v2, v3;
	(xrf1) =	vsort.ascd.msk.f32 $0xffff, v13, v13  }
0x66: {  	(xrf1) =	vsort.ascd.msk.f32 $0xffff, v2, v2  }
0x67: {  	(xrf1) =	vsort.ascd.msk.f32 $0xffff, v58, v58;
	_ =	sdelay $0xb  }
0x68: {  	v2, _, _ =	vpop (xrf1)  }
0x69: {  	v3, _, _ =	vpop (xrf1)  }
0x6a: {  	v14, _, _ =	vpop (xrf1)  }
0x6b: {  	v4 =	vperm.xlane v14, v0;
	_ =	sdelay $0x1  }
0x6c: {  	v3 =	vmin.f32 v3, v4  }
0x6d: {  	(xrf1) =	vsort.ascd.msk.f32 $0xffff, v3, v3;
	_ =	sdelay $0xd  }
0x6e: {  	v3, _, _ =	vpop (xrf1)  }
0x6f: {  	v59 =	vld [tilespmem:$0x70];
	v3 =	vperm.xlane v3, v0;
	_ =	sdelay $0x1  }
0x70: {  	v15 =	vmin.f32 v2, v3  }
0x71: {  	v2 =	vmax.f32 v2, v3;
	(xrf1) =	vsort.ascd.msk.f32 $0xffff, v15, v15  }
0x72: {  	(xrf1) =	vsort.ascd.msk.f32 $0xffff, v2, v2  }
0x73: {  	(xrf1) =	vsort.ascd.msk.f32 $0xffff, v59, v59;
	_ =	sdelay $0xb  }
0x74: {  	v2, _, _ =	vpop (xrf1)  }
0x75: {  	v3, _, _ =	vpop (xrf1)  }
0x76: {  	v16, _, _ =	vpop (xrf1)  }
0x77: {  	v4 =	vperm.xlane v16, v0;
	_ =	sdelay $0x1  }
0x78: {  	v3 =	vmin.f32 v3, v4  }
0x79: {  	(xrf1) =	vsort.ascd.msk.f32 $0xffff, v3, v3;
	_ =	sdelay $0xd  }
0x7a: {  	v3, _, _ =	vpop (xrf1)  }
0x7b: {  	v60 =	vld [tilespmem:$0x80];
	v3 =	vperm.xlane v3, v0;
	_ =	sdelay $0x1  }
0x7c: {  	v17 =	vmin.f32 v2, v3  }
0x7d: {  	v2 =	vmax.f32 v2, v3;
	(xrf1) =	vsort.ascd.msk.f32 $0xffff, v17, v17  }
0x7e: {  	(xrf1) =	vsort.ascd.msk.f32 $0xffff, v2, v2  }
0x7f: {  	(xrf1) =	vsort.ascd.msk.f32 $0xffff, v60, v60;
	_ =	sdelay $0xb  }
0x80: {  	v2, _, _ =	vpop (xrf1)  }
0x81: {  	v3, _, _ =	vpop (xrf1)  }
0x82: {  	v18, _, _ =	vpop (xrf1)  }
0x83: {  	v4 =	vperm.xlane v18, v0;
	_ =	sdelay $0x1  }
0x84: {  	v3 =	vmin.f32 v3, v4  }
0x85: {  	(xrf1) =	vsort.ascd.msk.f32 $0xffff, v3, v3;
	_ =	sdelay $0xd  }
0x86: {  	v3, _, _ =	vpop (xrf1)  }
0x87: {  	v61 =	vld [tilespmem:$0x90];
	v3 =	vperm.xlane v3, v0;
	_ =	sdelay $0x1  }
0x88: {  	v19 =	vmin.f32 v2, v3  }
0x89: {  	v2 =	vmax.f32 v2, v3;
	(xrf1) =	vsort.ascd.msk.f32 $0xffff, v19, v19  }
0x8a: {  	(xrf1) =	vsort.ascd.msk.f32 $0xffff, v2, v2  }
0x8b: {  	(xrf1) =	vsort.ascd.msk.f32 $0xffff, v61, v61;
	_ =	sdelay $0xb  }
0x8c: {  	v2, _, _ =	vpop (xrf1)  }
0x8d: {  	v3, _, _ =	vpop (xrf1)  }
0x8e: {  	v20, _, _ =	vpop (xrf1)  }
0x8f: {  	v4 =	vperm.xlane v20, v0;
	_ =	sdelay $0x1  }
0x90: {  	v3 =	vmin.f32 v3, v4  }
0x91: {  	(xrf1) =	vsort.ascd.msk.f32 $0xffff, v3, v3;
	_ =	sdelay $0xd  }
0x92: {  	v3, _, _ =	vpop (xrf1)  }
0x93: {  	v63 =	vld [tilespmem:$0xA0];
	v3 =	vperm.xlane v3, v0;
	_ =	sdelay $0x1  }
0x94: {  	v21 =	vmin.f32 v2, v3  }
0x95: {  	v2 =	vmax.f32 v2, v3;
	(xrf1) =	vsort.ascd.msk.f32 $0xffff, v21, v21  }
0x96: {  	(xrf1) =	vsort.ascd.msk.f32 $0xffff, v2, v2  }
0x97: {  	(xrf1) =	vsort.ascd.msk.f32 $0xffff, v63, v63;
	_ =	sdelay $0xb  }
0x98: {  	v2, _, _ =	vpop (xrf1)  }
0x99: {  	v3, _, _ =	vpop (xrf1)  }
0x9a: {  	v22, _, _ =	vpop (xrf1)  }
0x9b: {  	v4 =	vperm.xlane v22, v0;
	_ =	sdelay $0x1  }
0x9c: {  	v3 =	vmin.f32 v3, v4  }
0x9d: {  	(xrf1) =	vsort.ascd.msk.f32 $0xffff, v3, v3;
	_ =	sdelay $0xd  }
0x9e: {  	v3, _, _ =	vpop (xrf1)  }
0x9f: {  	v44 =	vld [tilespmem:$0xB0];
	v3 =	vperm.xlane v3, v0;
	_ =	sdelay $0x1  }
0xa0: {  	v23 =	vmin.f32 v2, v3  }
0xa1: {  	v2 =	vmax.f32 v2, v3;
	(xrf1) =	vsort.ascd.msk.f32 $0xffff, v23, v23  }
0xa2: {  	(xrf1) =	vsort.ascd.msk.f32 $0xffff, v2, v2  }
0xa3: {  	(xrf1) =	vsort.ascd.msk.f32 $0xffff, v44, v44;
	_ =	sdelay $0xb  }
0xa4: {  	v2, _, _ =	vpop (xrf1)  }
0xa5: {  	v3, _, _ =	vpop (xrf1)  }
0xa6: {  	v24, _, _ =	vpop (xrf1)  }
0xa7: {  	v4 =	vperm.xlane v24, v0;
	_ =	sdelay $0x1  }
0xa8: {  	v3 =	vmin.f32 v3, v4  }
0xa9: {  	(xrf1) =	vsort.ascd.msk.f32 $0xffff, v3, v3;
	_ =	sdelay $0xd  }
0xaa: {  	v3, _, _ =	vpop (xrf1)  }
0xab: {  	v35 =	vld [tilespmem:$0xC0];
	v3 =	vperm.xlane v3, v0;
	_ =	sdelay $0x1  }
0xac: {  	v25 =	vmin.f32 v2, v3  }
0xad: {  	v2 =	vmax.f32 v2, v3;
	(xrf1) =	vsort.ascd.msk.f32 $0xffff, v25, v25  }
0xae: {  	(xrf1) =	vsort.ascd.msk.f32 $0xffff, v2, v2  }
0xaf: {  	(xrf1) =	vsort.ascd.msk.f32 $0xffff, v35, v35;
	_ =	sdelay $0xb  }
0xb0: {  	v2, _, _ =	vpop (xrf1)  }
0xb1: {  	v3, _, _ =	vpop (xrf1)  }
0xb2: {  	v26, _, _ =	vpop (xrf1)  }
0xb3: {  	v4 =	vperm.xlane v26, v0;
	_ =	sdelay $0x1  }
0xb4: {  	v3 =	vmin.f32 v3, v4  }
0xb5: {  	(xrf1) =	vsort.ascd.msk.f32 $0xffff, v3, v3;
	_ =	sdelay $0xd  }
0xb6: {  	v3, _, _ =	vpop (xrf1)  }
0xb7: {  	v34 =	vld [tilespmem:$0xD0];
	v3 =	vperm.xlane v3, v0;
	_ =	sdelay $0x1  }
0xb8: {  	v27 =	vmin.f32 v2, v3  }
0xb9: {  	v2 =	vmax.f32 v2, v3;
	(xrf1) =	vsort.ascd.msk.f32 $0xffff, v27, v27  }
0xba: {  	(xrf1) =	vsort.ascd.msk.f32 $0xffff, v2, v2  }
0xbb: {  	(xrf1) =	vsort.ascd.msk.f32 $0xffff, v34, v34;
	_ =	sdelay $0xb  }
0xbc: {  	v2, _, _ =	vpop (xrf1)  }
0xbd: {  	v3, _, _ =	vpop (xrf1)  }
0xbe: {  	v28, _, _ =	vpop (xrf1)  }
0xbf: {  	v4 =	vperm.xlane v28, v0;
	_ =	sdelay $0x1  }
0xc0: {  	v3 =	vmin.f32 v3, v4  }
0xc1: {  	(xrf1) =	vsort.ascd.msk.f32 $0xffff, v3, v3;
	_ =	sdelay $0xd  }
0xc2: {  	v3, _, _ =	vpop (xrf1)  }
0xc3: {  	v23 =	vld [tilespmem:$0xE0];
	v3 =	vperm.xlane v3, v0;
	_ =	sdelay $0x1  }
0xc4: {  	v29 =	vmin.f32 v2, v3  }
0xc5: {  	v2 =	vmax.f32 v2, v3;
	(xrf1) =	vsort.ascd.msk.f32 $0xffff, v29, v29  }
0xc6: {  	(xrf1) =	vsort.ascd.msk.f32 $0xffff, v2, v2  }
0xc7: {  	(xrf1) =	vsort.ascd.msk.f32 $0xffff, v23, v23;
	_ =	sdelay $0xb  }
0xc8: {  	v2, _, _ =	vpop (xrf1)  }
0xc9: {  	v3, _, _ =	vpop (xrf1)  }
0xca: {  	v30, _, _ =	vpop (xrf1)  }
0xcb: {  	v4 =	vperm.xlane v30, v0;
	_ =	sdelay $0x1  }
0xcc: {  	v3 =	vmin.f32 v3, v4  }
0xcd: {  	(xrf1) =	vsort.ascd.msk.f32 $0xffff, v3, v3;
	_ =	sdelay $0xd  }
0xce: {  	v3, _, _ =	vpop (xrf1)  }
0xcf: {  	v24 =	vld [tilespmem:$0xF0];
	v3 =	vperm.xlane v3, v0;
	_ =	sdelay $0x1  }
0xd0: {  	v31 =	vmin.f32 v2, v3  }
0xd1: {  	v2 =	vmax.f32 v2, v3;
	(xrf1) =	vsort.ascd.msk.f32 $0xffff, v31, v31  }
0xd2: {  	(xrf1) =	vsort.ascd.msk.f32 $0xffff, v2, v2  }
0xd3: {  	(xrf1) =	vsort.ascd.msk.f32 $0xffff, v24, v24;
	_ =	sdelay $0xb  }
0xd4: {  	v2, _, _ =	vpop (xrf1)  }
0xd5: {  	v3, _, _ =	vpop (xrf1)  }
0xd6: {  	v32, _, _ =	vpop (xrf1)  }
0xd7: {  	v4 =	vperm.xlane v32, v0;
	_ =	sdelay $0x1  }
0xd8: {  	v3 =	vmin.f32 v3, v4  }
0xd9: {  	(xrf1) =	vsort.ascd.msk.f32 $0xffff, v3, v3;
	_ =	sdelay $0xd  }
0xda: {  	v3, _, _ =	vpop (xrf1)  }
0xdb: {  	v40 =	vld [tilespmem:$0x100];
	v3 =	vperm.xlane v3, v0;
	_ =	sdelay $0x1  }
0xdc: {  	v33 =	vmin.f32 v2, v3  }
0xdd: {  	v2 =	vmax.f32 v2, v3;
	(xrf1) =	vsort.ascd.msk.f32 $0xffff, v33, v33  }
0xde: {  	(xrf1) =	vsort.ascd.msk.f32 $0xffff, v2, v2  }
0xdf: {  	(xrf1) =	vsort.ascd.msk.f32 $0xffff, v40, v40;
	_ =	sdelay $0xb  }
0xe0: {  	v2, _, _ =	vpop (xrf1)  }
0xe1: {  	v3, _, _ =	vpop (xrf1)  }
0xe2: {  	v37, _, _ =	vpop (xrf1)  }
0xe3: {  	v4 =	vperm.xlane v37, v0;
	_ =	sdelay $0x1  }
0xe4: {  	v3 =	vmin.f32 v3, v4  }
0xe5: {  	(xrf1) =	vsort.ascd.msk.f32 $0xffff, v3, v3;
	_ =	sdelay $0xd  }
0xe6: {  	v3, _, _ =	vpop (xrf1)  }
0xe7: {  	v38 =	vld [tilespmem:$0x110];
	v3 =	vperm.xlane v3, v0;
	_ =	sdelay $0x1  }
0xe8: {  	v45 =	vmin.f32 v2, v3  }
0xe9: {  	v2 =	vmax.f32 v2, v3;
	(xrf1) =	vsort.ascd.msk.f32 $0xffff, v45, v45  }
0xea: {  	(xrf1) =	vsort.ascd.msk.f32 $0xffff, v2, v2  }
0xeb: {  	(xrf1) =	vsort.ascd.msk.f32 $0xffff, v38, v38;
	_ =	sdelay $0xb  }
0xec: {  	v2, _, _ =	vpop (xrf1)  }
0xed: {  	v3, _, _ =	vpop (xrf1)  }
0xee: {  	v47, _, _ =	vpop (xrf1)  }
0xef: {  	v4 =	vperm.xlane v47, v0;
	_ =	sdelay $0x1  }
0xf0: {  	v3 =	vmin.f32 v3, v4  }
0xf1: {  	(xrf1) =	vsort.ascd.msk.f32 $0xffff, v3, v3;
	_ =	sdelay $0xd  }
0xf2: {  	v3, _, _ =	vpop (xrf1)  }
0xf3: {  	v26 =	vld [tilespmem:$0x120];
	v3 =	vperm.xlane v3, v0;
	_ =	sdelay $0x1  }
0xf4: {  	v50 =	vmin.f32 v2, v3  }
0xf5: {  	v2 =	vmax.f32 v2, v3;
	(xrf1) =	vsort.ascd.msk.f32 $0xffff, v50, v50  }
0xf6: {  	(xrf1) =	vsort.ascd.msk.f32 $0xffff, v2, v2  }
0xf7: {  	(xrf1) =	vsort.ascd.msk.f32 $0xffff, v26, v26;
	_ =	sdelay $0xb  }
0xf8: {  	v2, _, _ =	vpop (xrf1)  }
0xf9: {  	v3, _, _ =	vpop (xrf1)  }
0xfa: {  	v53, _, _ =	vpop (xrf1)  }
0xfb: {  	v4 =	vperm.xlane v53, v0;
	_ =	sdelay $0x1  }
0xfc: {  	v3 =	vmin.f32 v3, v4  }
0xfd: {  	(xrf1) =	vsort.ascd.msk.f32 $0xffff, v3, v3;
	_ =	sdelay $0xd  }
0xfe: {  	v3, _, _ =	vpop (xrf1)  }
0xff: {  	v25 =	vld [tilespmem:$0x130];
	v3 =	vperm.xlane v3, v0;
	_ =	sdelay $0x1  }
0x100: {  	v8 =	vmin.f32 v2, v3  }
0x101: {  	v2 =	vmax.f32 v2, v3;
	(xrf1) =	vsort.ascd.msk.f32 $0xffff, v8, v8  }
0x102: {  	(xrf1) =	vsort.ascd.msk.f32 $0xffff, v2, v2  }
0x103: {  	(xrf1) =	vsort.ascd.msk.f32 $0xffff, v25, v25;
	_ =	sdelay $0xb  }
0x104: {  	v2, _, _ =	vpop (xrf1)  }
0x105: {  	v3, _, _ =	vpop (xrf1)  }
0x106: {  	v9, _, _ =	vpop (xrf1)  }
0x107: {  	v4 =	vperm.xlane v9, v0;
	_ =	sdelay $0x1  }
0x108: {  	v3 =	vmin.f32 v3, v4  }
0x109: {  	(xrf1) =	vsort.ascd.msk.f32 $0xffff, v3, v3;
	_ =	sdelay $0xd  }
0x10a: {  	v3, _, _ =	vpop (xrf1)  }
0x10b: {  	v27 =	vld [tilespmem:$0x140];
	v3 =	vperm.xlane v3, v0;
	_ =	sdelay $0x1  }
0x10c: {  	v10 =	vmin.f32 v2, v3  }
0x10d: {  	v2 =	vmax.f32 v2, v3;
	(xrf1) =	vsort.ascd.msk.f32 $0xffff, v10, v10  }
0x10e: {  	(xrf1) =	vsort.ascd.msk.f32 $0xffff, v2, v2  }
0x10f: {  	(xrf1) =	vsort.ascd.msk.f32 $0xffff, v27, v27;
	_ =	sdelay $0xb  }
0x110: {  	v2, _, _ =	vpop (xrf1)  }
0x111: {  	v3, _, _ =	vpop (xrf1)  }
0x112: {  	v11, _, _ =	vpop (xrf1)  }
0x113: {  	v4 =	vperm.xlane v11, v0;
	_ =	sdelay $0x1  }
0x114: {  	v3 =	vmin.f32 v3, v4  }
0x115: {  	(xrf1) =	vsort.ascd.msk.f32 $0xffff, v3, v3;
	_ =	sdelay $0xd  }
0x116: {  	v3, _, _ =	vpop (xrf1)  }
0x117: {  	v29 =	vld [tilespmem:$0x150];
	v3 =	vperm.xlane v3, v0;
	_ =	sdelay $0x1  }
0x118: {  	v12 =	vmin.f32 v2, v3  }
0x119: {  	v2 =	vmax.f32 v2, v3;
	(xrf1) =	vsort.ascd.msk.f32 $0xffff, v12, v12  }
0x11a: {  	(xrf1) =	vsort.ascd.msk.f32 $0xffff, v2, v2  }
0x11b: {  	(xrf1) =	vsort.ascd.msk.f32 $0xffff, v29, v29;
	_ =	sdelay $0xb  }
0x11c: {  	v2, _, _ =	vpop (xrf1)  }
0x11d: {  	v3, _, _ =	vpop (xrf1)  }
0x11e: {  	v13, _, _ =	vpop (xrf1)  }
0x11f: {  	v4 =	vperm.xlane v13, v0;
	_ =	sdelay $0x1  }
0x120: {  	v3 =	vmin.f32 v3, v4  }
0x121: {  	(xrf1) =	vsort.ascd.msk.f32 $0xffff, v3, v3;
	_ =	sdelay $0xd  }
0x122: {  	v3, _, _ =	vpop (xrf1)  }
0x123: {  	v28 =	vld [tilespmem:$0x160];
	v3 =	vperm.xlane v3, v0;
	_ =	sdelay $0x1  }
0x124: {  	v14 =	vmin.f32 v2, v3  }
0x125: {  	v2 =	vmax.f32 v2, v3;
	(xrf1) =	vsort.ascd.msk.f32 $0xffff, v14, v14  }
0x126: {  	(xrf1) =	vsort.ascd.msk.f32 $0xffff, v2, v2  }
0x127: {  	(xrf1) =	vsort.ascd.msk.f32 $0xffff, v28, v28;
	_ =	sdelay $0xb  }
0x128: {  	v2, _, _ =	vpop (xrf1)  }
0x129: {  	v3, _, _ =	vpop (xrf1)  }
0x12a: {  	v15, _, _ =	vpop (xrf1)  }
0x12b: {  	v4 =	vperm.xlane v15, v0;
	_ =	sdelay $0x1  }
0x12c: {  	v3 =	vmin.f32 v3, v4  }
0x12d: {  	(xrf1) =	vsort.ascd.msk.f32 $0xffff, v3, v3;
	_ =	sdelay $0xd  }
0x12e: {  	v3, _, _ =	vpop (xrf1)  }
0x12f: {  	v31 =	vld [tilespmem:$0x170];
	v3 =	vperm.xlane v3, v0;
	_ =	sdelay $0x1  }
0x130: {  	v17 =	vmin.f32 v2, v3  }
0x131: {  	v2 =	vmax.f32 v2, v3;
	(xrf1) =	vsort.ascd.msk.f32 $0xffff, v17, v17  }
0x132: {  	(xrf1) =	vsort.ascd.msk.f32 $0xffff, v2, v2  }
0x133: {  	(xrf1) =	vsort.ascd.msk.f32 $0xffff, v31, v31;
	_ =	sdelay $0xb  }
0x134: {  	v2, _, _ =	vpop (xrf1)  }
0x135: {  	v3, _, _ =	vpop (xrf1)  }
0x136: {  	v19, _, _ =	vpop (xrf1)  }
0x137: {  	v4 =	vperm.xlane v19, v0;
	_ =	sdelay $0x1  }
0x138: {  	v3 =	vmin.f32 v3, v4  }
0x139: {  	(xrf1) =	vsort.ascd.msk.f32 $0xffff, v3, v3;
	_ =	sdelay $0xd  }
0x13a: {  	v3, _, _ =	vpop (xrf1)  }
0x13b: {  	v49 =	vld [tilespmem:$0x180];
	v3 =	vperm.xlane v3, v0;
	_ =	sdelay $0x1  }
0x13c: {  	v21 =	vmin.f32 v2, v3  }
0x13d: {  	v2 =	vmax.f32 v2, v3;
	(xrf1) =	vsort.ascd.msk.f32 $0xffff, v21, v21  }
0x13e: {  	(xrf1) =	vsort.ascd.msk.f32 $0xffff, v2, v2  }
0x13f: {  	(xrf1) =	vsort.ascd.msk.f32 $0xffff, v49, v49;
	_ =	sdelay $0xb  }
0x140: {  	v2, _, _ =	vpop (xrf1)  }
0x141: {  	v3, _, _ =	vpop (xrf1)  }
0x142: {  	v22, _, _ =	vpop (xrf1)  }
0x143: {  	v4 =	vperm.xlane v22, v0;
	_ =	sdelay $0x1  }
0x144: {  	v3 =	vmin.f32 v3, v4  }
0x145: {  	(xrf1) =	vsort.ascd.msk.f32 $0xffff, v3, v3;
	_ =	sdelay $0xd  }
0x146: {  	v3, _, _ =	vpop (xrf1)  }
0x147: {  	v20 =	vld [tilespmem:$0x190];
	v3 =	vperm.xlane v3, v0;
	_ =	sdelay $0x1  }
0x148: {  	v30 =	vmin.f32 v2, v3  }
0x149: {  	v2 =	vmax.f32 v2, v3;
	(xrf1) =	vsort.ascd.msk.f32 $0xffff, v30, v30  }
0x14a: {  	(xrf1) =	vsort.ascd.msk.f32 $0xffff, v2, v2  }
0x14b: {  	(xrf1) =	vsort.ascd.msk.f32 $0xffff, v20, v20;
	_ =	sdelay $0xb  }
0x14c: {  	v2, _, _ =	vpop (xrf1)  }
0x14d: {  	v3, _, _ =	vpop (xrf1)  }
0x14e: {  	v32, _, _ =	vpop (xrf1)  }
0x14f: {  	v4 =	vperm.xlane v32, v0;
	_ =	sdelay $0x1  }
0x150: {  	v3 =	vmin.f32 v3, v4  }
0x151: {  	(xrf1) =	vsort.ascd.msk.f32 $0xffff, v3, v3;
	_ =	sdelay $0xd  }
0x152: {  	v3, _, _ =	vpop (xrf1)  }
0x153: {  	v18 =	vld [tilespmem:$0x1A0];
	v3 =	vperm.xlane v3, v0;
	_ =	sdelay $0x1  }
0x154: {  	v33 =	vmin.f32 v2, v3  }
0x155: {  	v2 =	vmax.f32 v2, v3;
	(xrf1) =	vsort.ascd.msk.f32 $0xffff, v33, v33  }
0x156: {  	(xrf1) =	vsort.ascd.msk.f32 $0xffff, v2, v2  }
0x157: {  	(xrf1) =	vsort.ascd.msk.f32 $0xffff, v18, v18;
	_ =	sdelay $0xb  }
0x158: {  	v2, _, _ =	vpop (xrf1)  }
0x159: {  	v3, _, _ =	vpop (xrf1)  }
0x15a: {  	v37, _, _ =	vpop (xrf1)  }
0x15b: {  	v4 =	vperm.xlane v37, v0;
	_ =	sdelay $0x1  }
0x15c: {  	v3 =	vmin.f32 v3, v4  }
0x15d: {  	(xrf1) =	vsort.ascd.msk.f32 $0xffff, v3, v3;
	_ =	sdelay $0xd  }
0x15e: {  	v3, _, _ =	vpop (xrf1)  }
0x15f: {  	v1 =	vld [tilespmem:$0x1B0];
	v3 =	vperm.xlane v3, v0;
	_ =	sdelay $0x1  }
0x160: {  	v45 =	vmin.f32 v2, v3  }
0x161: {  	v2 =	vmax.f32 v2, v3;
	(xrf1) =	vsort.ascd.msk.f32 $0xffff, v45, v45  }
0x162: {  	(xrf1) =	vsort.ascd.msk.f32 $0xffff, v2, v2  }
0x163: {  	(xrf1) =	vsort.ascd.msk.f32 $0xffff, v1, v1;
	_ =	sdelay $0xb  }
0x164: {  	v2, _, _ =	vpop (xrf1)  }
0x165: {  	v3, _, _ =	vpop (xrf1)  }
0x166: {  	v47, _, _ =	vpop (xrf1)  }
0x167: {  	v4 =	vperm.xlane v47, v0;
	_ =	sdelay $0x1  }
0x168: {  	v3 =	vmin.f32 v3, v4  }
0x169: {  	(xrf1) =	vsort.ascd.msk.f32 $0xffff, v3, v3;
	_ =	sdelay $0xd  }
0x16a: {  	v3, _, _ =	vpop (xrf1)  }
0x16b: {  	v46 =	vld [tilespmem:$0x1C0];
	v3 =	vperm.xlane v3, v0;
	_ =	sdelay $0x1  }
0x16c: {  	v50 =	vmin.f32 v2, v3  }
0x16d: {  	v2 =	vmax.f32 v2, v3;
	(xrf1) =	vsort.ascd.msk.f32 $0xffff, v50, v50  }
0x16e: {  	(xrf1) =	vsort.ascd.msk.f32 $0xffff, v2, v2  }
0x16f: {  	(xrf1) =	vsort.ascd.msk.f32 $0xffff, v46, v46;
	_ =	sdelay $0xb  }
0x170: {  	v2, _, _ =	vpop (xrf1)  }
0x171: {  	v3, _, _ =	vpop (xrf1)  }
0x172: {  	v53, _, _ =	vpop (xrf1)  }
0x173: {  	v4 =	vperm.xlane v53, v0;
	_ =	sdelay $0x1  }
0x174: {  	v3 =	vmin.f32 v3, v4  }
0x175: {  	(xrf1) =	vsort.ascd.msk.f32 $0xffff, v3, v3;
	_ =	sdelay $0xd  }
0x176: {  	v3, _, _ =	vpop (xrf1)  }
0x177: {  	v43 =	vld [tilespmem:$0x1D0];
	v3 =	vperm.xlane v3, v0;
	_ =	sdelay $0x1  }
0x178: {  	v8 =	vmin.f32 v2, v3  }
0x179: {  	v2 =	vmax.f32 v2, v3;
	(xrf1) =	vsort.ascd.msk.f32 $0xffff, v8, v8  }
0x17a: {  	(xrf1) =	vsort.ascd.msk.f32 $0xffff, v2, v2  }
0x17b: {  	(xrf1) =	vsort.ascd.msk.f32 $0xffff, v43, v43;
	_ =	sdelay $0xb  }
0x17c: {  	v2, _, _ =	vpop (xrf1)  }
0x17d: {  	v3, _, _ =	vpop (xrf1)  }
0x17e: {  	v9, _, _ =	vpop (xrf1)  }
0x17f: {  	v4 =	vperm.xlane v9, v0;
	_ =	sdelay $0x1  }
0x180: {  	v3 =	vmin.f32 v3, v4  }
0x181: {  	(xrf1) =	vsort.ascd.msk.f32 $0xffff, v3, v3;
	_ =	sdelay $0xd  }
0x182: {  	v3, _, _ =	vpop (xrf1)  }
0x183: {  	v42 =	vld [tilespmem:$0x1E0];
	v3 =	vperm.xlane v3, v0;
	_ =	sdelay $0x1  }
0x184: {  	v10 =	vmin.f32 v2, v3  }
0x185: {  	v2 =	vmax.f32 v2, v3;
	(xrf1) =	vsort.ascd.msk.f32 $0xffff, v10, v10  }
0x186: {  	(xrf1) =	vsort.ascd.msk.f32 $0xffff, v2, v2  }
0x187: {  	(xrf1) =	vsort.ascd.msk.f32 $0xffff, v42, v42;
	_ =	sdelay $0xb  }
0x188: {  	v2, _, _ =	vpop (xrf1)  }
0x189: {  	v3, _, _ =	vpop (xrf1)  }
0x18a: {  	v11, _, _ =	vpop (xrf1)  }
0x18b: {  	v4 =	vperm.xlane v11, v0;
	_ =	sdelay $0x1  }
0x18c: {  	v3 =	vmin.f32 v3, v4  }
0x18d: {  	(xrf1) =	vsort.ascd.msk.f32 $0xffff, v3, v3;
	_ =	sdelay $0xd  }
0x18e: {  	v3, _, _ =	vpop (xrf1)  }
0x18f: {  	v41 =	vld [tilespmem:$0x1F0];
	v3 =	vperm.xlane v3, v0;
	_ =	sdelay $0x1  }
0x190: {  	v12 =	vmin.f32 v2, v3  }
0x191: {  	v2 =	vmax.f32 v2, v3;
	(xrf1) =	vsort.ascd.msk.f32 $0xffff, v12, v12  }
0x192: {  	(xrf1) =	vsort.ascd.msk.f32 $0xffff, v2, v2  }
0x193: {  	(xrf1) =	vsort.ascd.msk.f32 $0xffff, v41, v41;
	_ =	sdelay $0xb  }
0x194: {  	v2, _, _ =	vpop (xrf1)  }
0x195: {  	v3, _, _ =	vpop (xrf1)  }
0x196: {  	v13, _, _ =	vpop (xrf1)  }
0x197: {  	v4 =	vperm.xlane v13, v0;
	_ =	sdelay $0x1  }
0x198: {  	v3 =	vmin.f32 v3, v4  }
0x199: {  	(xrf1) =	vsort.ascd.msk.f32 $0xffff, v3, v3;
	_ =	sdelay $0xd  }
0x19a: {  	v3, _, _ =	vpop (xrf1)  }
0x19b: {  	v48 =	vld [tilespmem:$0x200];
	v3 =	vperm.xlane v3, v0;
	_ =	sdelay $0x1  }
0x19c: {  	v14 =	vmin.f32 v2, v3  }
0x19d: {  	v2 =	vmax.f32 v2, v3;
	(xrf1) =	vsort.ascd.msk.f32 $0xffff, v14, v14  }
0x19e: {  	(xrf1) =	vsort.ascd.msk.f32 $0xffff, v2, v2  }
0x19f: {  	(xrf1) =	vsort.ascd.msk.f32 $0xffff, v48, v48;
	_ =	sdelay $0xb  }
0x1a0: {  	v2, _, _ =	vpop (xrf1)  }
0x1a1: {  	v3, _, _ =	vpop (xrf1)  }
0x1a2: {  	v15, _, _ =	vpop (xrf1)  }
0x1a3: {  	v4 =	vperm.xlane v15, v0;
	_ =	sdelay $0x1  }
0x1a4: {  	v3 =	vmin.f32 v3, v4  }
0x1a5: {  	(xrf1) =	vsort.ascd.msk.f32 $0xffff, v3, v3;
	_ =	sdelay $0xd  }
0x1a6: {  	v3, _, _ =	vpop (xrf1)  }
0x1a7: {  	v16 =	vld [tilespmem:$0x210];
	v3 =	vperm.xlane v3, v0;
	_ =	sdelay $0x1  }
0x1a8: {  	v17 =	vmin.f32 v2, v3  }
0x1a9: {  	v2 =	vmax.f32 v2, v3;
	(xrf1) =	vsort.ascd.msk.f32 $0xffff, v17, v17  }
0x1aa: {  	(xrf1) =	vsort.ascd.msk.f32 $0xffff, v2, v2  }
0x1ab: {  	(xrf1) =	vsort.ascd.msk.f32 $0xffff, v16, v16;
	_ =	sdelay $0xb  }
0x1ac: {  	v2, _, _ =	vpop (xrf1)  }
0x1ad: {  	v3, _, _ =	vpop (xrf1)  }
0x1ae: {  	v19, _, _ =	vpop (xrf1)  }
0x1af: {  	v4 =	vperm.xlane v19, v0;
	_ =	sdelay $0x1  }
0x1b0: {  	v3 =	vmin.f32 v3, v4  }
0x1b1: {  	(xrf1) =	vsort.ascd.msk.f32 $0xffff, v3, v3;
	_ =	sdelay $0xd  }
0x1b2: {  	v3, _, _ =	vpop (xrf1)  }
0x1b3: {  	v36 =	vld [tilespmem:$0x220];
	v3 =	vperm.xlane v3, v0;
	_ =	sdelay $0x1  }
0x1b4: {  	v21 =	vmin.f32 v2, v3  }
0x1b5: {  	v2 =	vmax.f32 v2, v3;
	(xrf1) =	vsort.ascd.msk.f32 $0xffff, v21, v21  }
0x1b6: {  	(xrf1) =	vsort.ascd.msk.f32 $0xffff, v2, v2  }
0x1b7: {  	(xrf1) =	vsort.ascd.msk.f32 $0xffff, v36, v36;
	_ =	sdelay $0xb  }
0x1b8: {  	v2, _, _ =	vpop (xrf1)  }
0x1b9: {  	v3, _, _ =	vpop (xrf1)  }
0x1ba: {  	v22, _, _ =	vpop (xrf1)  }
0x1bb: {  	v4 =	vperm.xlane v22, v0;
	_ =	sdelay $0x1  }
0x1bc: {  	v3 =	vmin.f32 v3, v4  }
0x1bd: {  	(xrf1) =	vsort.ascd.msk.f32 $0xffff, v3, v3;
	_ =	sdelay $0xd  }
0x1be: {  	v3, _, _ =	vpop (xrf1)  }
0x1bf: {  	v39 =	vld [tilespmem:$0x230];
	v3 =	vperm.xlane v3, v0;
	_ =	sdelay $0x1  }
0x1c0: {  	v30 =	vmin.f32 v2, v3  }
0x1c1: {  	v2 =	vmax.f32 v2, v3;
	(xrf1) =	vsort.ascd.msk.f32 $0xffff, v30, v30  }
0x1c2: {  	(xrf1) =	vsort.ascd.msk.f32 $0xffff, v2, v2  }
0x1c3: {  	(xrf1) =	vsort.ascd.msk.f32 $0xffff, v39, v39;
	_ =	sdelay $0xb  }
0x1c4: {  	v2, _, _ =	vpop (xrf1)  }
0x1c5: {  	v3, _, _ =	vpop (xrf1)  }
0x1c6: {  	v32, _, _ =	vpop (xrf1)  }
0x1c7: {  	v4 =	vperm.xlane v32, v0;
	_ =	sdelay $0x1  }
0x1c8: {  	v3 =	vmin.f32 v3, v4  }
0x1c9: {  	(xrf1) =	vsort.ascd.msk.f32 $0xffff, v3, v3;
	_ =	sdelay $0xd  }
0x1ca: {  	v3, _, _ =	vpop (xrf1)  }
0x1cb: {  	v3 =	vperm.xlane v3, v0;
	_ =	sdelay $0x1  }
0x1cc: {  	v2 =	vmax.f32 v2, v3  }
0x1cd: {  	(xrf1) =	vsort.ascd.msk.f32 $0xffff, v2, v2;
	_ =	sdelay $0xd  }
0x1ce: {  	v2, _, _ =	vpop (xrf1)  }
0x1cf: {  	(xrf0) =	vmax.scan.msk.f32 $0xffff, v2;
	_ =	sdelay $0x5  }
0x1d0: {  	v2, _, _ =	vpop (xrf0)  }
0x1d1: {  	v53 =	vbroadcast v2, $0xF;
	_ =	sdelay $0x1  }
0x1d2: {  	vm0 =	vlt.f32 v51, v53  }
0x1d3: {  	vm2 =	vlt.f32 v52, v53;
	vm1 =	veq.f32 v52, v53;
	vm9 =	vlt.f32 v54, v53  }
0x1d4: {  	vm3 =	vlt.f32 v55, v53;
	vm5 =	vlt.f32 v56, v53;
	vm4 =	veq.f32 v56, v53  }
0x1d5: {  	vm10 =	vlt.f32 v57, v53;
	vm6 =	vlt.f32 v58, v53;
	vm7 =	vlt.f32 v59, v53  }
0x1d6: {  	vm13 =	veq.f32 v59, v53;
	vm11 =	vlt.f32 v60, v53;
	vm12 =	vlt.f32 v61, v53  }
0x1d7: {  	vm14 =	vlt.f32 v63, v53;
	vm8 =	veq.f32 v63, v53;
	vm15 =	vlt.f32 v44, v53  }
0x1d8: {  	v33 =	vsel vm0, $0x1, v62;
	vm0 =	veq.f32 v51, v53;
	v5 =	vsel vm2, $0x1, v62  }
0x1d9: {  	v14 =	vsel vm1, $0x1, v62;
	v6 =	vsel vm9, $0x1, v62;
	vm2 =	veq.f32 v54, v53  }
0x1da: {  	v7 =	vsel vm3, $0x1, v62;
	vm3 =	veq.f32 v55, v53;
	v9 =	vsel vm5, $0x1, v62  }
0x1db: {  	v30 =	vsel vm4, $0x1, v62;
	v45 =	vsel vm10, $0x1, v62;
	vm5 =	veq.f32 v57, v53  }
0x1dc: {  	v10 =	vsel vm6, $0x1, v62;
	vm6 =	veq.f32 v58, v53;
	v12 =	vsel vm7, $0x1, v62  }
0x1dd: {  	v47 =	vsel vm11, $0x1, v62;
	vm11 =	veq.f32 v60, v53;
	v21 =	vsel vm12, $0x1, v62  }
0x1de: {  	vm9 =	veq.f32 v61, v53;
	vm12 =	veq.f32 v44, v53;
	vm10 =	vlt.f32 v35, v53  }
0x1df: {  	vm7 =	veq.f32 v24, v53;
	v13 =	vsel vm0, $0x1, v62;
	v4 =	vadd.s32 v5, v33  }
0x1e0: {  	v15 =	vsel vm2, $0x1, v62;
	v17 =	vsel vm3, $0x1, v62;
	v32 =	vsel vm5, $0x1, v62  }
0x1e1: {  	[tilespmem:$0x1FA50] =	vst v35;
	v2 =	vmovc v35;
	v33 =	vsel vm13, $0x1, v62;
	v5 =	vsel vm15, $0x1, v62;
	v35 =	vsel vm12, $0x1, v62  }
0x1e2: {  	vm15 =	vlt.f32 v34, v53;
	v37 =	vadd.s32 v14, v13;
	v6 =	vadd.s32 v6, v4  }
0x1e3: {  	v4 =	vsel vm14, $0x1, v62;
	vm14 =	veq.f32 v2, v53;
	v2 =	vimm.s32 $0x0  }
0x1e4: {  	v8 =	vadd.s32 v15, v37;
	v7 =	vadd.s32 v7, v6;
	v37 =	vsel vm8, $0x1, v62  }
0x1e5: {  	v6 =	vsel vm10, $0x1, v62;
	v2 =	vsel vm14, $0xFFFFFFFF, v2;
	vm10 =	veq.f32 v34, v53  }
0x1e6: {  	v8 =	vadd.s32 v17, v8;
	v7 =	vadd.s32 v9, v7;
	[tilespmem:$0x1FA40] =	vst v2;
	v2 =	vimm.s32 $0x0  }
0x1e7: {  	v8 =	vadd.s32 v30, v8;
	v9 =	vadd.s32 v45, v7;
	v45 =	vsel vm14, $0x1, v62  }
0x1e8: {  	v2 =	vsel vm10, $0xFFFFFFFF, v2;
	v7 =	vsel vm15, $0x1, v62;
	vm14 =	vlt.f32 v24, v53  }
0x1e9: {  	v11 =	vadd.s32 v32, v8;
	v10 =	vadd.s32 v10, v9;
	v9 =	vsel vm6, $0x1, v62  }
0x1ea: {  	vm15 =	vlt.f32 v40, v53;
	v11 =	vadd.s32 v9, v11;
	v10 =	vadd.s32 v12, v10  }
0x1eb: {  	v11 =	vadd.s32 v33, v11;
	v12 =	vadd.s32 v47, v10;
	v10 =	vsel vm11, $0x1, v62  }
0x1ec: {  	v22 =	vadd.s32 v10, v11;
	v12 =	vadd.s32 v21, v12;
	v11 =	vsel vm9, $0x1, v62  }
0x1ed: {  	v19 =	vsel vm14, $0x1, v62;
	v50 =	vadd.s32 v11, v22;
	v12 =	vadd.s32 v4, v12  }
0x1ee: {  	[tilespmem:$0x1FA90] =	vst v23;
	vm14 =	vlt.f32 v26, v53;
	v21 =	vadd.s32 v37, v50;
	v12 =	vadd.s32 v5, v12  }
0x1ef: {  	[tilespmem:$0x1FA60] =	vst v2;
	v2 =	vmovc v23;
	v50 =	vsel vm10, $0x1, v62;
	vm10 =	vlt.f32 v23, v53;
	v23 =	vsel vm15, $0x1, v62  }
0x1f0: {  	vm15 =	vlt.f32 v25, v53;
	v21 =	vadd.s32 v35, v21;
	v12 =	vadd.s32 v6, v12  }
0x1f1: {  	v8 =	vsel vm10, $0x1, v62;
	vm10 =	vlt.f32 v38, v53;
	v6 =	vsel vm14, $0x1, v62  }
0x1f2: {  	v47 =	vsel vm15, $0x1, v62;
	vm14 =	vlt.f32 v29, v53;
	vm15 =	vlt.f32 v28, v53  }
0x1f3: {  	v21 =	vadd.s32 v45, v21;
	v12 =	vadd.s32 v7, v12;
	v7 =	vsel vm10, $0x1, v62  }
0x1f4: {  	vm10 =	vlt.f32 v27, v53;
	v3 =	vsel vm14, $0x1, v62;
	v4 =	vsel vm15, $0x1, v62  }
0x1f5: {  	vm14 =	vlt.f32 v31, v53;
	vm15 =	veq.f32 v2, v53;
	v2 =	vimm.s32 $0x0  }
0x1f6: {  	v21 =	vadd.s32 v50, v21;
	v12 =	vadd.s32 v8, v12;
	v5 =	vsel vm10, $0x1, v62  }
0x1f7: {  	[tilespmem:$0x1FA30] =	vst v44;
	v2 =	vsel vm15, $0xFFFFFFFF, v2;
	v44 =	vsel vm15, $0x1, v62;
	vm15 =	vlt.f32 v20, v53  }
0x1f8: {  	vm10 =	vlt.f32 v18, v53;
	[tilespmem:$0x1FA80] =	vst v2;
	v2 =	vsel vm14, $0x1, v62;
	vm14 =	vlt.f32 v49, v53  }
0x1f9: {  	v12 =	vadd.s32 v19, v12;
	v22 =	vsel vm15, $0x1, v62;
	vm15 =	vlt.f32 v46, v53  }
0x1fa: {  	[tilespmem:$0x1FA70] =	vst v34;
	v21 =	vadd.s32 v44, v21;
	v34 =	vsel vm14, $0x1, v62;
	v12 =	vadd.s32 v23, v12  }
0x1fb: {  	v23 =	vsel vm10, $0x1, v62;
	vm14 =	vlt.f32 v1, v53;
	vm10 =	vlt.f32 v43, v53  }
0x1fc: {  	v12 =	vadd.s32 v7, v12;
	v7 =	vsel vm14, $0x1, v62;
	v8 =	vsel vm10, $0x1, v62  }
0x1fd: {  	vm14 =	vlt.f32 v42, v53;
	vm10 =	vlt.f32 v48, v53;
	v12 =	vadd.s32 v6, v12  }
0x1fe: {  	[tilespmem:$0x1FBC0] =	vst v46;
	v6 =	vsel vm15, $0x1, v62;
	vm15 =	vlt.f32 v41, v53;
	v12 =	vadd.s32 v47, v12  }
0x1ff: {  	[tilespmem:$0x1FC20] =	vst v41;
	v47 =	vmovc v41;
	v41 =	vsel vm10, $0x1, v62;
	vm10 =	vlt.f32 v39, v53;
	v12 =	vadd.s32 v5, v12  }
0x200: {  	v19 =	vmovc v18;
	v18 =	vmovc v1;
	v5 =	vsel vm14, $0x1, v62;
	vm14 =	vlt.f32 v16, v53;
	v12 =	vadd.s32 v3, v12  }
0x201: {  	[tilespmem:$0x1FC00] =	vst v42;
	v1 =	vmovc v46;
	v46 =	vmovc v42;
	v3 =	vsel vm15, $0x1, v62;
	v42 =	vsel vm14, $0x1, v62;
	vm15 =	vlt.f32 v36, v53  }
0x202: {  	vm14 =	veq.f32 v26, v53;
	v12 =	vadd.s32 v4, v12;
	v4 =	vsel vm15, $0x1, v62  }
0x203: {  	vm15 =	veq.f32 v38, v53;
	v12 =	vadd.s32 v2, v12;
	v2 =	vmovc v39;
	v39 =	vsel vm10, $0x1, v62  }
0x204: {  	[tilespmem:$0x1FAB0] =	vst v40;
	vm10 =	veq.f32 v40, v53;
	v40 =	vimm.s32 $0x0;
	v12 =	vadd.s32 v34, v12  }
0x205: {  	v34 =	vsel vm15, $0x1, v62;
	v22 =	vadd.s32 v22, v12;
	v12 =	vsel vm7, $0x1, v62  }
0x206: {  	v22 =	vadd.s32 v23, v22;
	v21 =	vadd.s32 v12, v21;
	v23 =	vsel vm10, $0x1, v62  }
0x207: {  	v22 =	vadd.s32 v7, v22;
	v21 =	vadd.s32 v23, v21;
	v7 =	vmovc v38;
	v38 =	vimm.s32 $0x0  }
0x208: {  	v22 =	vadd.s32 v6, v22;
	v6 =	vsel vm14, $0xFFFFFFFF, v38;
	v21 =	vadd.s32 v34, v21  }
0x209: {  	v38 =	vimm.s32 $0x0;
	[tilespmem:$0x1FAC0] =	vst v6;
	v6 =	vsel vm14, $0x1, v62;
	vm14 =	veq.f32 v25, v53  }
0x20a: {  	[tilespmem:$0x1FAA0] =	vst v24;
	v22 =	vadd.s32 v8, v22;
	v24 =	vsel vm14, $0xFFFFFFFF, v40;
	v21 =	vadd.s32 v6, v21  }
0x20b: {  	v22 =	vadd.s32 v5, v22;
	v40 =	vimm.s32 $0x0;
	[tilespmem:$0x1FAE0] =	vst v24;
	v24 =	vsel vm14, $0x1, v62  }
0x20c: {  	[tilespmem:$0x1FB10] =	vst v27;
	vm14 =	veq.f32 v27, v53;
	v27 =	vimm.s32 $0x0;
	v22 =	vadd.s32 v3, v22  }
0x20d: {  	v3 =	vimm.s32 $0x0;
	v21 =	vadd.s32 v24, v21;
	v5 =	vsel vm14, $0xFFFFFFFF, v27  }
0x20e: {  	[tilespmem:$0x1FAF0] =	vst v25;
	v25 =	vsel vm14, $0x1, v62;
	vm14 =	veq.f32 v29, v53;
	v22 =	vadd.s32 v41, v22  }
0x20f: {  	[tilespmem:$0x1FAD0] =	vst v26;
	v41 =	vimm.s32 $0x0;
	v3 =	vsel vm14, $0xFFFFFFFF, v3;
	v21 =	vadd.s32 v25, v21  }
0x210: {  	v27 =	vsel vm14, $0x1, v62;
	vm14 =	veq.f32 v28, v53;
	[tilespmem:$0x1FB20] =	vst v3;
	v3 =	vimm.s32 $0x0  }
0x211: {  	[tilespmem:$0x1FB30] =	vst v29;
	v22 =	vadd.s32 v42, v22;
	v21 =	vadd.s32 v27, v21;
	v3 =	vsel vm14, $0xFFFFFFFF, v3  }
0x212: {  	v26 =	vsel vm14, $0x1, v62;
	vm14 =	veq.f32 v31, v53;
	[tilespmem:$0x1FB40] =	vst v3;
	v3 =	vimm.s32 $0x0  }
0x213: {  	[tilespmem:$0x1FB50] =	vst v28;
	v29 =	vsel vm14, $0x1, v62;
	v3 =	vsel vm14, $0xFFFFFFFF, v3;
	vm14 =	veq.f32 v49, v53  }
0x214: {  	v21 =	vadd.s32 v26, v21;
	[tilespmem:$0x1FB60] =	vst v3;
	v3 =	vadd.s32 v4, v22;
	v4 =	vsel vm14, $0xFFFFFFFF, v38  }
0x215: {  	v21 =	vadd.s32 v29, v21;
	[tilespmem:$0x1FB70] =	vst v4;
	v4 =	vsel vm14, $0x1, v62;
	vm14 =	veq.f32 v20, v53  }
0x216: {  	[tilespmem:$0x1FB00] =	vst v5;
	v5 =	vsel vm14, $0xFFFFFFFF, v40;
	v28 =	vsel vm14, $0x1, v62;
	vm14 =	veq.f32 v19, v53  }
0x217: {  	v42 =	vimm.s32 $0x0;
	v21 =	vadd.s32 v4, v21;
	[tilespmem:$0x1FB80] =	vst v5;
	v5 =	vsel vm14, $0xFFFFFFFF, v41  }
0x218: {  	v21 =	vadd.s32 v28, v21;
	v22 =	vsel vm14, $0x1, v62;
	vm14 =	veq.f32 v18, v53  }
0x219: {  	v38 =	vmov v49;
	[tilespmem:$0x1FB90] =	vst v5;
	v5 =	vsel vm14, $0xFFFFFFFF, v42;
	v49 =	vadd.s32 v22, v21  }
0x21a: {  	v21 =	vsel vm14, $0x1, v62;
	vm14 =	veq.f32 v1, v53;
	v1 =	vimm.s32 $0x0  }
0x21b: {  	[tilespmem:$0x1FBA0] =	vst v5;
	v1 =	vsel vm14, $0xFFFFFFFF, v1;
	v5 =	vadd.s32 v21, v49  }
0x21c: {  	v41 =	vsel vm14, $0x1, v62;
	vm14 =	veq.f32 v43, v53;
	[tilespmem:$0x1FBB0] =	vst v1;
	v1 =	vimm.s32 $0x0  }
0x21d: {  	v8 =	vadd.s32 v41, v5;
	v1 =	vsel vm14, $0xFFFFFFFF, v1  }
0x21e: {  	v42 =	vsel vm14, $0x1, v62;
	vm14 =	veq.f32 v46, v53;
	[tilespmem:$0x1FBD0] =	vst v1;
	v1 =	vimm.s32 $0x0  }
0x21f: {  	[tilespmem:$0x1FBE0] =	vst v43;
	v49 =	vadd.s32 v42, v8;
	v1 =	vsel vm14, $0xFFFFFFFF, v1  }
0x220: {  	v43 =	vsel vm14, $0x1, v62;
	vm14 =	veq.f32 v47, v53;
	[tilespmem:$0x1FBF0] =	vst v1;
	v1 =	vimm.s32 $0x0  }
0x221: {  	v5 =	vadd.s32 v43, v49;
	v1 =	vsel vm14, $0xFFFFFFFF, v1  }
0x222: {  	v46 =	vsel vm14, $0x1, v62;
	vm14 =	veq.f32 v48, v53;
	[tilespmem:$0x1FC10] =	vst v1;
	v1 =	vimm.s32 $0x0  }
0x223: {  	v8 =	vadd.s32 v46, v5;
	v47 =	vsel vm14, $0x1, v62;
	v1 =	vsel vm14, $0xFFFFFFFF, v1  }
0x224: {  	v40 =	vmovc v16;
	vm14 =	veq.f32 v16, v53;
	v16 =	vimm.s32 $0x0;
	[tilespmem:$0x1FC30] =	vst v1;
	v1 =	vimm.s32 $0x0  }
0x225: {  	v49 =	vmovc v48;
	v48 =	vsel vm14, $0x1, v62;
	v1 =	vsel vm14, $0xFFFFFFFF, v1;
	vm14 =	veq.f32 v36, v53  }
0x226: {  	[tilespmem:$0x1FC40] =	vst v1;
	v1 =	vadd.s32 v47, v8;
	v5 =	vsel vm14, $0xFFFFFFFF, v16  }
0x227: {  	v16 =	vsel vm14, $0x1, v62;
	vm14 =	veq.f32 v2, v53;
	v8 =	vimm.s32 $0x0  }
0x228: {  	[tilespmem:$0x1FC90] =	vst v5;
	v5 =	vsel vm14, $0xFFFFFFFF, v8;
	_ =	sdelay $0x1  }
0x229: {  	v1 =	vadd.s32 v48, v1  }
0x22a: {  	[tilespmem:$0x1FDB0] =	vst v5;
	v1 =	vadd.s32 v16, v1;
	v5 =	vmovc v2;
	v2 =	vadd.s32 v39, v3;
	v39 =	vsel vm14, $0x1, v62  }
0x22b: {  	(xrf0) =	vadd.scan.msk.s32 $0xffff, v2;
	v1 =	vadd.s32 v39, v1  }
0x22c: {  	(xrf0) =	vadd.scan.msk.s32 $0xffff, v1;
	_ =	sdelay $0x4  }
0x22d: {  	v1, _, _ =	vpop (xrf0)  }
0x22e: {  	(v2sf) =	vpush v1, $0xF;
	v1, _, _ =	vpop (xrf0)  }
0x22f: {  	(v2sf) =	vpush v1, $0xF;
	_ =	sdelay $0xa  }
0x230: {  	(xrf0) =	vadd.scan.msk.s32 $0xffff, v13;
	_ =	sdelay $0x2  }
0x231: {  	s8 =	spop (v2sf)  }
0x232: {  	s9 =	spop (v2sf)  }
0x233: {  	s0 =	sadd.s32 s9, s8  }
0x234: {  	v1, _, _ =	vpop (xrf0);
	s8 =	sadd.s32 $0xFFFFFFE0, s0  }
0x235: {  	vm14 =	vle.s32 v1, s8  }
0x236: {  	vm0 =	vmand vm0, vm14;
	vm14 =	vgt.f32 v51, v53  }
0x237: {  	v2 =	vimm.s32 $0x0;
	vm0 =	vmor vm14, vm0  }
0x238: {  	v2 =	vsel vm0, $0xFFFFFFFF, v2  }
0x239: {  	[tilespmem:$0x1FC50] =	vst v2;
	v2 =	vsel vm0, $0x1, v62  }
0x23a: {  	(xrf0) =	vadd.scan.msk.s32 $0xffff, v2  }
0x23b: {  	(xrf0) =	vadd.scan.msk.s32 $0xffff, v14;
	_ =	sdelay $0x4  }
0x23c: {  	v3 =	vbroadcast v1, $0xF;
	v2, _, _ =	vpop (xrf0)  }
0x23d: {  	v51, _, _ =	vpop (xrf0)  }
0x23e: {  	v3 =	vadd.s32 v51, v3  }
0x23f: {  	vm14 =	vle.s32 v3, s8  }
0x240: {  	vm0 =	vmand vm1, vm14;
	vm14 =	vgt.f32 v52, v53  }
0x241: {  	v3 =	vimm.s32 $0x0;
	vm0 =	vmor vm14, vm0  }
0x242: {  	v3 =	vsel vm0, $0xFFFFFFFF, v3  }
0x243: {  	[tilespmem:$0x1FC60] =	vst v3;
	v3 =	vsel vm0, $0x1, v62  }
0x244: {  	(xrf0) =	vadd.scan.msk.s32 $0xffff, v3;
	_ =	sdelay $0x4  }
0x245: {  	(v2sf) =	vpush v2, $0xF  }
0x246: {  	(v2sf) =	vpush v1, $0xF;
	v1, _, _ =	vpop (xrf0)  }
0x247: {  	(v2sf) =	vpush v1, $0xF  }
0x248: {  	(v2sf) =	vpush v51, $0xF;
	_ =	sdelay $0x9  }
0x249: {  	(xrf0) =	vadd.scan.msk.s32 $0xffff, v15;
	_ =	sdelay $0x1  }
0x24a: {  	s9 =	spop (v2sf)  }
0x24b: {  	s10 =	spop (v2sf)  }
0x24c: {  	s11 =	spop (v2sf)  }
0x24d: {  	s12 =	spop (v2sf)  }
0x24e: {  	v1, _, _ =	vpop (xrf0);
	s0 =	sadd.s32 s12, s10  }
0x24f: {  	v2 =	vadd.s32 s0, v1  }
0x250: {  	vm14 =	vle.s32 v2, s8  }
0x251: {  	vm0 =	vmand vm2, vm14;
	vm14 =	vgt.f32 v54, v53  }
0x252: {  	v2 =	vimm.s32 $0x0;
	vm0 =	vmor vm14, vm0  }
0x253: {  	v2 =	vsel vm0, $0xFFFFFFFF, v2  }
0x254: {  	[tilespmem:$0x1FC70] =	vst v2;
	v2 =	vsel vm0, $0x1, v62  }
0x255: {  	(xrf0) =	vadd.scan.msk.s32 $0xffff, v2;
	_ =	sdelay $0x5  }
0x256: {  	v2, _, _ =	vpop (xrf0)  }
0x257: {  	(v2sf) =	vpush v2, $0xF  }
0x258: {  	(v2sf) =	vpush v1, $0xF;
	_ =	sdelay $0x9  }
0x259: {  	(xrf0) =	vadd.scan.msk.s32 $0xffff, v17;
	_ =	sdelay $0x3  }
0x25a: {  	s13 =	spop (v2sf)  }
0x25b: {  	s14 =	spop (v2sf)  }
0x25c: {  	v1, _, _ =	vpop (xrf0);
	s0 =	sadd.s32 s14, s0  }
0x25d: {  	v2 =	vadd.s32 s0, v1  }
0x25e: {  	vm14 =	vle.s32 v2, s8  }
0x25f: {  	vm0 =	vmand vm3, vm14;
	vm14 =	vgt.f32 v55, v53  }
0x260: {  	v2 =	vimm.s32 $0x0;
	vm0 =	vmor vm14, vm0  }
0x261: {  	v2 =	vsel vm0, $0xFFFFFFFF, v2  }
0x262: {  	[tilespmem:$0x1FC80] =	vst v2;
	v2 =	vsel vm0, $0x1, v62  }
0x263: {  	(xrf0) =	vadd.scan.msk.s32 $0xffff, v2;
	_ =	sdelay $0x5  }
0x264: {  	v2, _, _ =	vpop (xrf0)  }
0x265: {  	(v2sf) =	vpush v2, $0xF  }
0x266: {  	(v2sf) =	vpush v1, $0xF;
	_ =	sdelay $0x9  }
0x267: {  	(xrf0) =	vadd.scan.msk.s32 $0xffff, v30;
	_ =	sdelay $0x3  }
0x268: {  	s15 =	spop (v2sf)  }
0x269: {  	s16 =	spop (v2sf)  }
0x26a: {  	v1, _, _ =	vpop (xrf0);
	s0 =	sadd.s32 s16, s0  }
0x26b: {  	v2 =	vadd.s32 s0, v1  }
0x26c: {  	vm14 =	vle.s32 v2, s8  }
0x26d: {  	vm0 =	vmand vm4, vm14;
	vm4 =	vgt.f32 v56, v53  }
0x26e: {  	v2 =	vimm.s32 $0x0;
	vm0 =	vmor vm4, vm0  }
0x26f: {  	v2 =	vsel vm0, $0xFFFFFFFF, v2  }
0x270: {  	[tilespmem:$0x1FCA0] =	vst v2;
	v2 =	vsel vm0, $0x1, v62  }
0x271: {  	(xrf0) =	vadd.scan.msk.s32 $0xffff, v2;
	_ =	sdelay $0x5  }
0x272: {  	v2, _, _ =	vpop (xrf0)  }
0x273: {  	(v2sf) =	vpush v2, $0xF  }
0x274: {  	(v2sf) =	vpush v1, $0xF;
	_ =	sdelay $0x9  }
0x275: {  	(xrf0) =	vadd.scan.msk.s32 $0xffff, v32;
	_ =	sdelay $0x3  }
0x276: {  	s18 =	spop (v2sf)  }
0x277: {  	s19 =	spop (v2sf)  }
0x278: {  	v1, _, _ =	vpop (xrf0);
	s0 =	sadd.s32 s19, s0  }
0x279: {  	v2 =	vadd.s32 s0, v1  }
0x27a: {  	vm14 =	vle.s32 v2, s8  }
0x27b: {  	vm4 =	vgt.f32 v57, v53;
	vm0 =	vmand vm5, vm14  }
0x27c: {  	v2 =	vimm.s32 $0x0;
	vm0 =	vmor vm4, vm0  }
0x27d: {  	v2 =	vsel vm0, $0xFFFFFFFF, v2  }
0x27e: {  	[tilespmem:$0x1FCB0] =	vst v2;
	v2 =	vsel vm0, $0x1, v62  }
0x27f: {  	(xrf0) =	vadd.scan.msk.s32 $0xffff, v2;
	_ =	sdelay $0x5  }
0x280: {  	v2, _, _ =	vpop (xrf0)  }
0x281: {  	(v2sf) =	vpush v2, $0xF  }
0x282: {  	(v2sf) =	vpush v1, $0xF;
	_ =	sdelay $0x9  }
0x283: {  	(xrf0) =	vadd.scan.msk.s32 $0xffff, v9;
	_ =	sdelay $0x3  }
0x284: {  	s20 =	spop (v2sf)  }
0x285: {  	s21 =	spop (v2sf)  }
0x286: {  	v1, _, _ =	vpop (xrf0);
	s0 =	sadd.s32 s21, s0  }
0x287: {  	v2 =	vadd.s32 s0, v1  }
0x288: {  	vm5 =	vle.s32 v2, s8  }
0x289: {  	vm14 =	vgt.f32 v58, v53;
	vm0 =	vmand vm6, vm5  }
0x28a: {  	v2 =	vimm.s32 $0x0;
	vm0 =	vmor vm14, vm0  }
0x28b: {  	v2 =	vsel vm0, $0xFFFFFFFF, v2  }
0x28c: {  	[tilespmem:$0x1FCC0] =	vst v2;
	v2 =	vsel vm0, $0x1, v62  }
0x28d: {  	(xrf0) =	vadd.scan.msk.s32 $0xffff, v2;
	_ =	sdelay $0x5  }
0x28e: {  	v2, _, _ =	vpop (xrf0)  }
0x28f: {  	(v2sf) =	vpush v2, $0xF  }
0x290: {  	(v2sf) =	vpush v1, $0xF;
	_ =	sdelay $0x9  }
0x291: {  	(xrf0) =	vadd.scan.msk.s32 $0xffff, v33;
	_ =	sdelay $0x3  }
0x292: {  	s22 =	spop (v2sf)  }
0x293: {  	s23 =	spop (v2sf)  }
0x294: {  	v1, _, _ =	vpop (xrf0);
	s0 =	sadd.s32 s23, s0  }
0x295: {  	v2 =	vadd.s32 s0, v1  }
0x296: {  	vm4 =	vle.s32 v2, s8  }
0x297: {  	vm5 =	vgt.f32 v59, v53;
	vm0 =	vmand vm13, vm4  }
0x298: {  	v2 =	vimm.s32 $0x0;
	vm0 =	vmor vm5, vm0  }
0x299: {  	v2 =	vsel vm0, $0xFFFFFFFF, v2  }
0x29a: {  	[tilespmem:$0x1FCD0] =	vst v2;
	v2 =	vsel vm0, $0x1, v62  }
0x29b: {  	(xrf0) =	vadd.scan.msk.s32 $0xffff, v2;
	_ =	sdelay $0x5  }
0x29c: {  	v2, _, _ =	vpop (xrf0)  }
0x29d: {  	(v2sf) =	vpush v2, $0xF  }
0x29e: {  	(v2sf) =	vpush v1, $0xF;
	_ =	sdelay $0x9  }
0x29f: {  	(xrf0) =	vadd.scan.msk.s32 $0xffff, v10;
	_ =	sdelay $0x3  }
0x2a0: {  	s24 =	spop (v2sf)  }
0x2a1: {  	s25 =	spop (v2sf)  }
0x2a2: {  	v1, _, _ =	vpop (xrf0);
	s0 =	sadd.s32 s25, s0  }
0x2a3: {  	v2 =	vadd.s32 s0, v1  }
0x2a4: {  	vm6 =	vle.s32 v2, s8  }
0x2a5: {  	vm13 =	vgt.f32 v60, v53;
	vm0 =	vmand vm11, vm6  }
0x2a6: {  	v2 =	vimm.s32 $0x0;
	vm0 =	vmor vm13, vm0  }
0x2a7: {  	v2 =	vsel vm0, $0xFFFFFFFF, v2  }
0x2a8: {  	[tilespmem:$0x1FCE0] =	vst v2;
	v2 =	vsel vm0, $0x1, v62  }
0x2a9: {  	(xrf0) =	vadd.scan.msk.s32 $0xffff, v2;
	_ =	sdelay $0x5  }
0x2aa: {  	v2, _, _ =	vpop (xrf0)  }
0x2ab: {  	(v2sf) =	vpush v2, $0xF  }
0x2ac: {  	(v2sf) =	vpush v1, $0xF;
	_ =	sdelay $0x9  }
0x2ad: {  	(xrf0) =	vadd.scan.msk.s32 $0xffff, v11;
	_ =	sdelay $0x3  }
0x2ae: {  	s26 =	spop (v2sf)  }
0x2af: {  	s28 =	spop (v2sf)  }
0x2b0: {  	v1, _, _ =	vpop (xrf0);
	s0 =	sadd.s32 s28, s0  }
0x2b1: {  	v2 =	vadd.s32 s0, v1  }
0x2b2: {  	vm14 =	vle.s32 v2, s8  }
0x2b3: {  	vm4 =	vgt.f32 v61, v53;
	vm0 =	vmand vm9, vm14  }
0x2b4: {  	v2 =	vimm.s32 $0x0;
	vm0 =	vmor vm4, vm0  }
0x2b5: {  	v2 =	vsel vm0, $0xFFFFFFFF, v2  }
0x2b6: {  	[tilespmem:$0x1FCF0] =	vst v2;
	v2 =	vsel vm0, $0x1, v62  }
0x2b7: {  	(xrf0) =	vadd.scan.msk.s32 $0xffff, v2;
	_ =	sdelay $0x5  }
0x2b8: {  	v2, _, _ =	vpop (xrf0)  }
0x2b9: {  	(v2sf) =	vpush v2, $0xF  }
0x2ba: {  	(v2sf) =	vpush v1, $0xF;
	_ =	sdelay $0x9  }
0x2bb: {  	(xrf0) =	vadd.scan.msk.s32 $0xffff, v37;
	_ =	sdelay $0x3  }
0x2bc: {  	[dreg:$0xa] =	wrdreg s18;
	s18 =	spop (v2sf)  }
0x2bd: {  	s29 =	spop (v2sf)  }
0x2be: {  	v1, _, _ =	vpop (xrf0);
	s0 =	sadd.s32 s29, s0  }
0x2bf: {  	v2 =	vadd.s32 s0, v1  }
0x2c0: {  	vm5 =	vle.s32 v2, s8  }
0x2c1: {  	vm6 =	vgt.f32 v63, v53;
	vm0 =	vmand vm8, vm5  }
0x2c2: {  	v2 =	vimm.s32 $0x0;
	vm0 =	vmor vm6, vm0  }
0x2c3: {  	v2 =	vsel vm0, $0xFFFFFFFF, v2  }
0x2c4: {  	[tilespmem:$0x1FD00] =	vst v2;
	v2 =	vsel vm0, $0x1, v62  }
0x2c5: {  	(xrf0) =	vadd.scan.msk.s32 $0xffff, v2;
	_ =	sdelay $0x5  }
0x2c6: {  	v2, _, _ =	vpop (xrf0)  }
0x2c7: {  	(v2sf) =	vpush v2, $0xF  }
0x2c8: {  	(v2sf) =	vpush v1, $0xF;
	_ =	sdelay $0x9  }
0x2c9: {  	(xrf0) =	vadd.scan.msk.s32 $0xffff, v35;
	_ =	sdelay $0x3  }
0x2ca: {  	s19 =	spop (v2sf)  }
0x2cb: {  	s30 =	spop (v2sf)  }
0x2cc: {  	v1, _, _ =	vpop (xrf0);
	s0 =	sadd.s32 s30, s0  }
0x2cd: {  	v2 =	vadd.s32 s0, v1  }
0x2ce: {  	vm8 =	vle.s32 v2, s8;
	v2 =	vld [tilespmem:$0x1FA30];
	_ =	sdelay $0x4  }
0x2cf: {  	vm0 =	vmand vm12, vm8;
	vm9 =	vgt.f32 v2, v53  }
0x2d0: {  	v2 =	vimm.s32 $0x0;
	vm0 =	vmor vm9, vm0  }
0x2d1: {  	v2 =	vsel vm0, $0xFFFFFFFF, v2  }
0x2d2: {  	[tilespmem:$0x1FD10] =	vst v2;
	v2 =	vsel vm0, $0x1, v62  }
0x2d3: {  	(xrf0) =	vadd.scan.msk.s32 $0xffff, v2;
	_ =	sdelay $0x5  }
0x2d4: {  	v2, _, _ =	vpop (xrf0)  }
0x2d5: {  	(v2sf) =	vpush v2, $0xF  }
0x2d6: {  	(v2sf) =	vpush v1, $0xF;
	_ =	sdelay $0x9  }
0x2d7: {  	(xrf0) =	vadd.scan.msk.s32 $0xffff, v45;
	_ =	sdelay $0x3  }
0x2d8: {  	[dreg:$0xb] =	wrdreg s20;
	s20 =	spop (v2sf)  }
0x2d9: {  	s31 =	spop (v2sf)  }
0x2da: {  	v1, _, _ =	vpop (xrf0);
	s0 =	sadd.s32 s31, s0  }
0x2db: {  	v2 =	vadd.s32 s0, v1  }
0x2dc: {  	vm11 =	vle.s32 v2, s8;
	v2 =	vld [tilespmem:$0x1FA40];
	_ =	sdelay $0x4  }
0x2dd: {  	vm12 =	vnez.u8 v2;
	v2 =	vld [tilespmem:$0x1FA50];
	_ =	sdelay $0x4  }
0x2de: {  	vm0 =	vmand vm12, vm11;
	vm13 =	vgt.f32 v2, v53  }
0x2df: {  	v2 =	vimm.s32 $0x0;
	vm0 =	vmor vm13, vm0  }
0x2e0: {  	v2 =	vsel vm0, $0xFFFFFFFF, v2  }
0x2e1: {  	[tilespmem:$0x1FD20] =	vst v2;
	v2 =	vsel vm0, $0x1, v62  }
0x2e2: {  	(xrf0) =	vadd.scan.msk.s32 $0xffff, v2;
	_ =	sdelay $0x5  }
0x2e3: {  	v2, _, _ =	vpop (xrf0)  }
0x2e4: {  	(v2sf) =	vpush v2, $0xF  }
0x2e5: {  	(v2sf) =	vpush v1, $0xF;
	_ =	sdelay $0x9  }
0x2e6: {  	(xrf0) =	vadd.scan.msk.s32 $0xffff, v50;
	_ =	sdelay $0x3  }
0x2e7: {  	s21 =	spop (v2sf)  }
0x2e8: {  	s2 =	spop (v2sf)  }
0x2e9: {  	v1, _, _ =	vpop (xrf0);
	s0 =	sadd.s32 s2, s0  }
0x2ea: {  	v2 =	vadd.s32 s0, v1  }
0x2eb: {  	vm14 =	vle.s32 v2, s8;
	v2 =	vld [tilespmem:$0x1FA60];
	_ =	sdelay $0x4  }
0x2ec: {  	vm4 =	vnez.u8 v2;
	v2 =	vld [tilespmem:$0x1FA70];
	_ =	sdelay $0x4  }
0x2ed: {  	vm0 =	vmand vm4, vm14;
	vm5 =	vgt.f32 v2, v53  }
0x2ee: {  	v2 =	vimm.s32 $0x0;
	vm0 =	vmor vm5, vm0  }
0x2ef: {  	v2 =	vsel vm0, $0xFFFFFFFF, v2  }
0x2f0: {  	[tilespmem:$0x1FD30] =	vst v2;
	v2 =	vsel vm0, $0x1, v62  }
0x2f1: {  	(xrf0) =	vadd.scan.msk.s32 $0xffff, v2;
	_ =	sdelay $0x5  }
0x2f2: {  	v2, _, _ =	vpop (xrf0)  }
0x2f3: {  	(v2sf) =	vpush v2, $0xF  }
0x2f4: {  	(v2sf) =	vpush v1, $0xF;
	_ =	sdelay $0x9  }
0x2f5: {  	(xrf0) =	vadd.scan.msk.s32 $0xffff, v44;
	_ =	sdelay $0x3  }
0x2f6: {  	[dreg:$0xc] =	wrdreg s22;
	s22 =	spop (v2sf)  }
0x2f7: {  	s3 =	spop (v2sf)  }
0x2f8: {  	v1, _, _ =	vpop (xrf0);
	s0 =	sadd.s32 s3, s0  }
0x2f9: {  	v2 =	vadd.s32 s0, v1  }
0x2fa: {  	vm6 =	vle.s32 v2, s8;
	v2 =	vld [tilespmem:$0x1FA80];
	_ =	sdelay $0x4  }
0x2fb: {  	vm8 =	vnez.u8 v2;
	v2 =	vld [tilespmem:$0x1FA90];
	_ =	sdelay $0x4  }
0x2fc: {  	vm0 =	vmand vm8, vm6;
	vm9 =	vgt.f32 v2, v53  }
0x2fd: {  	v2 =	vimm.s32 $0x0;
	vm0 =	vmor vm9, vm0  }
0x2fe: {  	v2 =	vsel vm0, $0xFFFFFFFF, v2  }
0x2ff: {  	[tilespmem:$0x1FD40] =	vst v2;
	v2 =	vsel vm0, $0x1, v62  }
0x300: {  	(xrf0) =	vadd.scan.msk.s32 $0xffff, v2;
	_ =	sdelay $0x5  }
0x301: {  	v2, _, _ =	vpop (xrf0)  }
0x302: {  	(v2sf) =	vpush v2, $0xF  }
0x303: {  	(v2sf) =	vpush v1, $0xF;
	_ =	sdelay $0x9  }
0x304: {  	(xrf0) =	vadd.scan.msk.s32 $0xffff, v12;
	_ =	sdelay $0x3  }
0x305: {  	s23 =	spop (v2sf)  }
0x306: {  	s4 =	spop (v2sf)  }
0x307: {  	v1, _, _ =	vpop (xrf0);
	s0 =	sadd.s32 s4, s0  }
0x308: {  	v2 =	vadd.s32 s0, v1  }
0x309: {  	vm11 =	vle.s32 v2, s8;
	v2 =	vld [tilespmem:$0x1FAA0];
	_ =	sdelay $0x4  }
0x30a: {  	vm0 =	vmand vm7, vm11;
	vm12 =	vgt.f32 v2, v53  }
0x30b: {  	v2 =	vimm.s32 $0x0;
	vm0 =	vmor vm12, vm0  }
0x30c: {  	v2 =	vsel vm0, $0xFFFFFFFF, v2  }
0x30d: {  	[tilespmem:$0x1FD50] =	vst v2;
	v2 =	vsel vm0, $0x1, v62  }
0x30e: {  	(xrf0) =	vadd.scan.msk.s32 $0xffff, v2;
	_ =	sdelay $0x5  }
0x30f: {  	v2, _, _ =	vpop (xrf0)  }
0x310: {  	(v2sf) =	vpush v2, $0xF  }
0x311: {  	(v2sf) =	vpush v1, $0xF;
	_ =	sdelay $0x9  }
0x312: {  	(xrf0) =	vadd.scan.msk.s32 $0xffff, v23;
	_ =	sdelay $0x3  }
0x313: {  	[dreg:$0xd] =	wrdreg s24;
	s24 =	spop (v2sf)  }
0x314: {  	s5 =	spop (v2sf)  }
0x315: {  	v1, _, _ =	vpop (xrf0);
	s0 =	sadd.s32 s5, s0  }
0x316: {  	v2 =	vadd.s32 s0, v1  }
0x317: {  	vm13 =	vle.s32 v2, s8;
	v2 =	vld [tilespmem:$0x1FAB0];
	_ =	sdelay $0x4  }
0x318: {  	vm0 =	vmand vm10, vm13;
	vm14 =	vgt.f32 v2, v53  }
0x319: {  	v2 =	vimm.s32 $0x0;
	vm0 =	vmor vm14, vm0  }
0x31a: {  	v2 =	vsel vm0, $0xFFFFFFFF, v2  }
0x31b: {  	[tilespmem:$0x1FD60] =	vst v2;
	v2 =	vsel vm0, $0x1, v62  }
0x31c: {  	(xrf0) =	vadd.scan.msk.s32 $0xffff, v2;
	_ =	sdelay $0x5  }
0x31d: {  	v2, _, _ =	vpop (xrf0)  }
0x31e: {  	(v2sf) =	vpush v2, $0xF  }
0x31f: {  	(v2sf) =	vpush v1, $0xF;
	_ =	sdelay $0x9  }
0x320: {  	(xrf0) =	vadd.scan.msk.s32 $0xffff, v34;
	_ =	sdelay $0x3  }
0x321: {  	s25 =	spop (v2sf)  }
0x322: {  	s6 =	spop (v2sf)  }
0x323: {  	v1, _, _ =	vpop (xrf0);
	s0 =	sadd.s32 s6, s0  }
0x324: {  	v2 =	vadd.s32 s0, v1  }
0x325: {  	vm4 =	vle.s32 v2, s8  }
0x326: {  	vm5 =	vgt.f32 v7, v53;
	vm0 =	vmand vm15, vm4  }
0x327: {  	v2 =	vimm.s32 $0x0;
	vm0 =	vmor vm5, vm0  }
0x328: {  	v2 =	vsel vm0, $0xFFFFFFFF, v2  }
0x329: {  	[tilespmem:$0x1FD70] =	vst v2;
	v2 =	vsel vm0, $0x1, v62  }
0x32a: {  	(xrf0) =	vadd.scan.msk.s32 $0xffff, v2;
	_ =	sdelay $0x5  }
0x32b: {  	v2, _, _ =	vpop (xrf0)  }
0x32c: {  	(v2sf) =	vpush v2, $0xF  }
0x32d: {  	(v2sf) =	vpush v1, $0xF;
	_ =	sdelay $0x9  }
0x32e: {  	(xrf0) =	vadd.scan.msk.s32 $0xffff, v6;
	_ =	sdelay $0x3  }
0x32f: {  	[dreg:$0xe] =	wrdreg s26;
	s26 =	spop (v2sf)  }
0x330: {  	s7 =	spop (v2sf)  }
0x331: {  	v1, _, _ =	vpop (xrf0);
	s0 =	sadd.s32 s7, s0  }
0x332: {  	v2 =	vadd.s32 s0, v1  }
0x333: {  	vm6 =	vle.s32 v2, s8;
	v2 =	vld [tilespmem:$0x1FAC0];
	_ =	sdelay $0x4  }
0x334: {  	vm7 =	vnez.u8 v2;
	v2 =	vld [tilespmem:$0x1FAD0];
	_ =	sdelay $0x4  }
0x335: {  	vm0 =	vmand vm7, vm6;
	vm8 =	vgt.f32 v2, v53  }
0x336: {  	v2 =	vimm.s32 $0x0;
	vm0 =	vmor vm8, vm0  }
0x337: {  	v2 =	vsel vm0, $0xFFFFFFFF, v2  }
0x338: {  	[tilespmem:$0x1FD80] =	vst v2;
	v2 =	vsel vm0, $0x1, v62  }
0x339: {  	(xrf0) =	vadd.scan.msk.s32 $0xffff, v2;
	_ =	sdelay $0x5  }
0x33a: {  	v2, _, _ =	vpop (xrf0)  }
0x33b: {  	(v2sf) =	vpush v2, $0xF  }
0x33c: {  	(v2sf) =	vpush v1, $0xF;
	_ =	sdelay $0x9  }
0x33d: {  	(xrf0) =	vadd.scan.msk.s32 $0xffff, v24;
	_ =	sdelay $0x3  }
0x33e: {  	s28 =	spop (v2sf)  }
0x33f: {  	s10 =	spop (v2sf)  }
0x340: {  	v1, _, _ =	vpop (xrf0);
	s0 =	sadd.s32 s10, s0  }
0x341: {  	v2 =	vadd.s32 s0, v1  }
0x342: {  	vm9 =	vle.s32 v2, s8;
	v2 =	vld [tilespmem:$0x1FAE0];
	_ =	sdelay $0x4  }
0x343: {  	vm10 =	vnez.u8 v2;
	v2 =	vld [tilespmem:$0x1FAF0];
	_ =	sdelay $0x4  }
0x344: {  	vm0 =	vmand vm10, vm9;
	vm11 =	vgt.f32 v2, v53  }
0x345: {  	v2 =	vimm.s32 $0x0;
	vm0 =	vmor vm11, vm0  }
0x346: {  	v2 =	vsel vm0, $0xFFFFFFFF, v2  }
0x347: {  	[tilespmem:$0x1FD90] =	vst v2;
	v2 =	vsel vm0, $0x1, v62  }
0x348: {  	(xrf0) =	vadd.scan.msk.s32 $0xffff, v2;
	_ =	sdelay $0x5  }
0x349: {  	v2, _, _ =	vpop (xrf0)  }
0x34a: {  	(v2sf) =	vpush v2, $0xF  }
0x34b: {  	(v2sf) =	vpush v1, $0xF;
	_ =	sdelay $0x9  }
0x34c: {  	(xrf0) =	vadd.scan.msk.s32 $0xffff, v25;
	_ =	sdelay $0x3  }
0x34d: {  	s29 =	spop (v2sf)  }
0x34e: {  	[dreg:$0x7] =	wrdreg s11;
	s11 =	spop (v2sf)  }
0x34f: {  	v1, _, _ =	vpop (xrf0);
	s0 =	sadd.s32 s11, s0  }
0x350: {  	v2 =	vadd.s32 s0, v1  }
0x351: {  	vm12 =	vle.s32 v2, s8;
	v2 =	vld [tilespmem:$0x1FB00];
	_ =	sdelay $0x4  }
0x352: {  	vm13 =	vnez.u8 v2;
	v2 =	vld [tilespmem:$0x1FB10];
	_ =	sdelay $0x4  }
0x353: {  	vm0 =	vmand vm13, vm12;
	vm14 =	vgt.f32 v2, v53  }
0x354: {  	v2 =	vimm.s32 $0x0;
	vm0 =	vmor vm14, vm0  }
0x355: {  	v2 =	vsel vm0, $0xFFFFFFFF, v2  }
0x356: {  	[tilespmem:$0x1FDA0] =	vst v2;
	v2 =	vsel vm0, $0x1, v62  }
0x357: {  	(xrf0) =	vadd.scan.msk.s32 $0xffff, v2;
	_ =	sdelay $0x5  }
0x358: {  	v2, _, _ =	vpop (xrf0)  }
0x359: {  	(v2sf) =	vpush v2, $0xF  }
0x35a: {  	(v2sf) =	vpush v1, $0xF;
	_ =	sdelay $0x9  }
0x35b: {  	(xrf0) =	vadd.scan.msk.s32 $0xffff, v27;
	_ =	sdelay $0x3  }
0x35c: {  	s30 =	spop (v2sf)  }
0x35d: {  	s12 =	spop (v2sf)  }
0x35e: {  	v1, _, _ =	vpop (xrf0);
	s0 =	sadd.s32 s12, s0  }
0x35f: {  	v2 =	vadd.s32 s0, v1  }
0x360: {  	vm15 =	vle.s32 v2, s8;
	v2 =	vld [tilespmem:$0x1FB20];
	_ =	sdelay $0x4  }
0x361: {  	vm4 =	vnez.u8 v2;
	v2 =	vld [tilespmem:$0x1FB30];
	_ =	sdelay $0x4  }
0x362: {  	vm0 =	vmand vm4, vm15;
	vm5 =	vgt.f32 v2, v53  }
0x363: {  	vm12 =	vmor vm5, vm0  }
0x364: {  	v2 =	vsel vm12, $0x1, v62  }
0x365: {  	(xrf0) =	vadd.scan.msk.s32 $0xffff, v2;
	_ =	sdelay $0x5  }
0x366: {  	v2, _, _ =	vpop (xrf0)  }
0x367: {  	(v2sf) =	vpush v2, $0xF  }
0x368: {  	(v2sf) =	vpush v1, $0xF;
	_ =	sdelay $0x9  }
0x369: {  	(xrf0) =	vadd.scan.msk.s32 $0xffff, v26;
	_ =	sdelay $0x3  }
0x36a: {  	s31 =	spop (v2sf)  }
0x36b: {  	[dreg:$0x8] =	wrdreg s13;
	s13 =	spop (v2sf)  }
0x36c: {  	v1, _, _ =	vpop (xrf0);
	s0 =	sadd.s32 s13, s0  }
0x36d: {  	v2 =	vadd.s32 s0, v1  }
0x36e: {  	vm6 =	vle.s32 v2, s8;
	v2 =	vld [tilespmem:$0x1FB40];
	_ =	sdelay $0x4  }
0x36f: {  	vm7 =	vnez.u8 v2;
	v2 =	vld [tilespmem:$0x1FB50];
	_ =	sdelay $0x4  }
0x370: {  	vm0 =	vmand vm7, vm6;
	vm8 =	vgt.f32 v2, v53  }
0x371: {  	vm11 =	vmor vm8, vm0  }
0x372: {  	v2 =	vsel vm11, $0x1, v62  }
0x373: {  	(xrf0) =	vadd.scan.msk.s32 $0xffff, v2;
	_ =	sdelay $0x5  }
0x374: {  	v2, _, _ =	vpop (xrf0)  }
0x375: {  	(v2sf) =	vpush v2, $0xF  }
0x376: {  	(v2sf) =	vpush v1, $0xF;
	_ =	sdelay $0x9  }
0x377: {  	(xrf0) =	vadd.scan.msk.s32 $0xffff, v29;
	_ =	sdelay $0x3  }
0x378: {  	s1 =	spop (v2sf)  }
0x379: {  	s14 =	spop (v2sf)  }
0x37a: {  	v1, _, _ =	vpop (xrf0);
	s2 =	sadd.s32 s14, s0  }
0x37b: {  	v2 =	vadd.s32 s2, v1  }
0x37c: {  	vm9 =	vle.s32 v2, s8;
	v2 =	vld [tilespmem:$0x1FB60];
	_ =	sdelay $0x4  }
0x37d: {  	vm10 =	vnez.u8 v2  }
0x37e: {  	vm13 =	vgt.f32 v31, v53;
	vm0 =	vmand vm10, vm9  }
0x37f: {  	vm10 =	vmor vm13, vm0  }
0x380: {  	v2 =	vsel vm10, $0x1, v62  }
0x381: {  	(xrf0) =	vadd.scan.msk.s32 $0xffff, v2;
	_ =	sdelay $0x5  }
0x382: {  	v2, _, _ =	vpop (xrf0)  }
0x383: {  	(v2sf) =	vpush v2, $0xF  }
0x384: {  	(v2sf) =	vpush v1, $0xF;
	_ =	sdelay $0x9  }
0x385: {  	(xrf0) =	vadd.scan.msk.s32 $0xffff, v4;
	_ =	sdelay $0x3  }
0x386: {  	s0 =	spop (v2sf)  }
0x387: {  	[dreg:$0x9] =	wrdreg s15;
	s15 =	spop (v2sf)  }
0x388: {  	v1, _, _ =	vpop (xrf0);
	s3 =	sadd.s32 s15, s2  }
0x389: {  	v2 =	vadd.s32 s3, v1  }
0x38a: {  	vm14 =	vle.s32 v2, s8;
	v2 =	vld [tilespmem:$0x1FB70];
	_ =	sdelay $0x4  }
0x38b: {  	vm15 =	vnez.u8 v2  }
0x38c: {  	vm4 =	vgt.f32 v38, v53;
	vm0 =	vmand vm15, vm14  }
0x38d: {  	vm14 =	vmor vm4, vm0  }
0x38e: {  	v2 =	vsel vm14, $0x1, v62  }
0x38f: {  	(xrf0) =	vadd.scan.msk.s32 $0xffff, v2;
	_ =	sdelay $0x5  }
0x390: {  	v2, _, _ =	vpop (xrf0)  }
0x391: {  	(v2sf) =	vpush v2, $0xF  }
0x392: {  	(v2sf) =	vpush v1, $0xF;
	_ =	sdelay $0x9  }
0x393: {  	(xrf0) =	vadd.scan.msk.s32 $0xffff, v28;
	_ =	sdelay $0x3  }
0x394: {  	s2 =	spop (v2sf)  }
0x395: {  	s4 =	spop (v2sf)  }
0x396: {  	v1, _, _ =	vpop (xrf0);
	s3 =	sadd.s32 s4, s3  }
0x397: {  	v2 =	vadd.s32 s3, v1  }
0x398: {  	vm5 =	vle.s32 v2, s8;
	v2 =	vld [tilespmem:$0x1FB80];
	_ =	sdelay $0x4  }
0x399: {  	vm6 =	vnez.u8 v2  }
0x39a: {  	vm7 =	vgt.f32 v20, v53;
	vm0 =	vmand vm6, vm5  }
0x39b: {  	vm15 =	vmor vm7, vm0  }
0x39c: {  	v2 =	vsel vm15, $0x1, v62  }
0x39d: {  	(xrf0) =	vadd.scan.msk.s32 $0xffff, v2;
	_ =	sdelay $0x5  }
0x39e: {  	v2, _, _ =	vpop (xrf0)  }
0x39f: {  	(v2sf) =	vpush v2, $0xF  }
0x3a0: {  	(v2sf) =	vpush v1, $0xF;
	_ =	sdelay $0x9  }
0x3a1: {  	(xrf0) =	vadd.scan.msk.s32 $0xffff, v22;
	_ =	sdelay $0x3  }
0x3a2: {  	s4 =	spop (v2sf)  }
0x3a3: {  	s5 =	spop (v2sf)  }
0x3a4: {  	v1, _, _ =	vpop (xrf0);
	s3 =	sadd.s32 s5, s3  }
0x3a5: {  	v2 =	vadd.s32 s3, v1  }
0x3a6: {  	vm8 =	vle.s32 v2, s8;
	v2 =	vld [tilespmem:$0x1FB90];
	_ =	sdelay $0x4  }
0x3a7: {  	vm9 =	vnez.u8 v2  }
0x3a8: {  	vm13 =	vgt.f32 v19, v53;
	vm0 =	vmand vm9, vm8  }
0x3a9: {  	vm9 =	vmor vm13, vm0  }
0x3aa: {  	v2 =	vsel vm9, $0x1, v62  }
0x3ab: {  	(xrf0) =	vadd.scan.msk.s32 $0xffff, v2;
	_ =	sdelay $0x5  }
0x3ac: {  	v2, _, _ =	vpop (xrf0)  }
0x3ad: {  	(v2sf) =	vpush v2, $0xF  }
0x3ae: {  	(v2sf) =	vpush v1, $0xF;
	_ =	sdelay $0x9  }
0x3af: {  	(xrf0) =	vadd.scan.msk.s32 $0xffff, v21;
	_ =	sdelay $0x3  }
0x3b0: {  	s5 =	spop (v2sf)  }
0x3b1: {  	s6 =	spop (v2sf)  }
0x3b2: {  	v1, _, _ =	vpop (xrf0);
	s3 =	sadd.s32 s6, s3  }
0x3b3: {  	v2 =	vadd.s32 s3, v1  }
0x3b4: {  	vm4 =	vle.s32 v2, s8;
	v2 =	vld [tilespmem:$0x1FBA0];
	_ =	sdelay $0x4  }
0x3b5: {  	vm5 =	vnez.u8 v2  }
0x3b6: {  	vm6 =	vgt.f32 v18, v53;
	vm0 =	vmand vm5, vm4  }
0x3b7: {  	vm8 =	vmor vm6, vm0  }
0x3b8: {  	v2 =	vsel vm8, $0x1, v62  }
0x3b9: {  	(xrf0) =	vadd.scan.msk.s32 $0xffff, v2;
	_ =	sdelay $0x5  }
0x3ba: {  	v2, _, _ =	vpop (xrf0)  }
0x3bb: {  	(v2sf) =	vpush v2, $0xF  }
0x3bc: {  	(v2sf) =	vpush v1, $0xF;
	_ =	sdelay $0x9  }
0x3bd: {  	(xrf0) =	vadd.scan.msk.s32 $0xffff, v41;
	_ =	sdelay $0x3  }
0x3be: {  	s6 =	spop (v2sf)  }
0x3bf: {  	s7 =	spop (v2sf)  }
0x3c0: {  	v1, _, _ =	vpop (xrf0);
	s3 =	sadd.s32 s7, s3  }
0x3c1: {  	v2 =	vadd.s32 s3, v1  }
0x3c2: {  	vm7 =	vle.s32 v2, s8;
	v2 =	vld [tilespmem:$0x1FBB0];
	_ =	sdelay $0x4  }
0x3c3: {  	vm13 =	vnez.u8 v2;
	v2 =	vld [tilespmem:$0x1FBC0];
	_ =	sdelay $0x4  }
0x3c4: {  	vm0 =	vmand vm13, vm7;
	vm4 =	vgt.f32 v2, v53  }
0x3c5: {  	vm7 =	vmor vm4, vm0  }
0x3c6: {  	v2 =	vsel vm7, $0x1, v62  }
0x3c7: {  	(xrf0) =	vadd.scan.msk.s32 $0xffff, v2;
	_ =	sdelay $0x5  }
0x3c8: {  	v2, _, _ =	vpop (xrf0)  }
0x3c9: {  	(v2sf) =	vpush v2, $0xF  }
0x3ca: {  	(v2sf) =	vpush v1, $0xF;
	_ =	sdelay $0x9  }
0x3cb: {  	(xrf0) =	vadd.scan.msk.s32 $0xffff, v42;
	_ =	sdelay $0x3  }
0x3cc: {  	s7 =	spop (v2sf)  }
0x3cd: {  	s10 =	spop (v2sf)  }
0x3ce: {  	v1, _, _ =	vpop (xrf0);
	s10 =	sadd.s32 s10, s3  }
0x3cf: {  	v2 =	vadd.s32 s10, v1  }
0x3d0: {  	vm5 =	vle.s32 v2, s8;
	v2 =	vld [tilespmem:$0x1FBD0];
	_ =	sdelay $0x4  }
0x3d1: {  	vm6 =	vnez.u8 v2;
	v2 =	vld [tilespmem:$0x1FBE0];
	_ =	sdelay $0x4  }
0x3d2: {  	vm0 =	vmand vm6, vm5;
	vm13 =	vgt.f32 v2, v53  }
0x3d3: {  	vm6 =	vmor vm13, vm0  }
0x3d4: {  	v2 =	vsel vm6, $0x1, v62  }
0x3d5: {  	(xrf0) =	vadd.scan.msk.s32 $0xffff, v2;
	_ =	sdelay $0x5  }
0x3d6: {  	v2, _, _ =	vpop (xrf0)  }
0x3d7: {  	(v2sf) =	vpush v2, $0xF  }
0x3d8: {  	(v2sf) =	vpush v1, $0xF;
	_ =	sdelay $0x9  }
0x3d9: {  	(xrf0) =	vadd.scan.msk.s32 $0xffff, v43;
	_ =	sdelay $0x3  }
0x3da: {  	s3 =	spop (v2sf)  }
0x3db: {  	s11 =	spop (v2sf)  }
0x3dc: {  	v1, _, _ =	vpop (xrf0);
	s11 =	sadd.s32 s11, s10  }
0x3dd: {  	v2 =	vadd.s32 s11, v1  }
0x3de: {  	vm4 =	vle.s32 v2, s8;
	v2 =	vld [tilespmem:$0x1FBF0];
	_ =	sdelay $0x4  }
0x3df: {  	vm5 =	vnez.u8 v2;
	v2 =	vld [tilespmem:$0x1FC00];
	_ =	sdelay $0x4  }
0x3e0: {  	vm0 =	vmand vm5, vm4;
	vm13 =	vgt.f32 v2, v53  }
0x3e1: {  	vm5 =	vmor vm13, vm0  }
0x3e2: {  	v2 =	vsel vm5, $0x1, v62  }
0x3e3: {  	(xrf0) =	vadd.scan.msk.s32 $0xffff, v2;
	_ =	sdelay $0x5  }
0x3e4: {  	v2, _, _ =	vpop (xrf0)  }
0x3e5: {  	(v2sf) =	vpush v2, $0xF  }
0x3e6: {  	(v2sf) =	vpush v1, $0xF;
	_ =	sdelay $0x9  }
0x3e7: {  	(xrf0) =	vadd.scan.msk.s32 $0xffff, v46;
	_ =	sdelay $0x3  }
0x3e8: {  	s10 =	spop (v2sf)  }
0x3e9: {  	s12 =	spop (v2sf)  }
0x3ea: {  	v1, _, _ =	vpop (xrf0);
	s12 =	sadd.s32 s12, s11  }
0x3eb: {  	v2 =	vadd.s32 s12, v1  }
0x3ec: {  	vm4 =	vle.s32 v2, s8;
	v2 =	vld [tilespmem:$0x1FC10];
	_ =	sdelay $0x4  }
0x3ed: {  	vm13 =	vnez.u8 v2;
	v2 =	vld [tilespmem:$0x1FC20];
	_ =	sdelay $0x4  }
0x3ee: {  	vm0 =	vmand vm13, vm4;
	vm4 =	vgt.f32 v2, v53  }
0x3ef: {  	vm4 =	vmor vm4, vm0  }
0x3f0: {  	v2 =	vsel vm4, $0x1, v62  }
0x3f1: {  	(xrf0) =	vadd.scan.msk.s32 $0xffff, v2;
	_ =	sdelay $0x5  }
0x3f2: {  	v2, _, _ =	vpop (xrf0)  }
0x3f3: {  	(v2sf) =	vpush v2, $0xF  }
0x3f4: {  	(v2sf) =	vpush v1, $0xF;
	_ =	sdelay $0x9  }
0x3f5: {  	(xrf0) =	vadd.scan.msk.s32 $0xffff, v47;
	_ =	sdelay $0x3  }
0x3f6: {  	s11 =	spop (v2sf)  }
0x3f7: {  	s13 =	spop (v2sf)  }
0x3f8: {  	v1, _, _ =	vpop (xrf0);
	s13 =	sadd.s32 s13, s12  }
0x3f9: {  	v2 =	vadd.s32 s13, v1  }
0x3fa: {  	vm0 =	vle.s32 v2, s8;
	v2 =	vld [tilespmem:$0x1FC30];
	_ =	sdelay $0x4  }
0x3fb: {  	vm13 =	vnez.u8 v2  }
0x3fc: {  	vm0 =	vmand vm13, vm0;
	vm13 =	vgt.f32 v49, v53  }
0x3fd: {  	vm3 =	vmor vm13, vm0  }
0x3fe: {  	v2 =	vsel vm3, $0x1, v62  }
0x3ff: {  	(xrf0) =	vadd.scan.msk.s32 $0xffff, v2;
	_ =	sdelay $0x5  }
0x400: {  	v2, _, _ =	vpop (xrf0)  }
0x401: {  	(v2sf) =	vpush v2, $0xF  }
0x402: {  	(v2sf) =	vpush v1, $0xF;
	_ =	sdelay $0x9  }
0x403: {  	(xrf0) =	vadd.scan.msk.s32 $0xffff, v48;
	_ =	sdelay $0x3  }
0x404: {  	s12 =	spop (v2sf)  }
0x405: {  	s14 =	spop (v2sf)  }
0x406: {  	v1, _, _ =	vpop (xrf0);
	s14 =	sadd.s32 s14, s13  }
0x407: {  	v2 =	vadd.s32 s14, v1  }
0x408: {  	vm0 =	vle.s32 v2, s8;
	v2 =	vld [tilespmem:$0x1FC40];
	_ =	sdelay $0x4  }
0x409: {  	vm13 =	vnez.u8 v2  }
0x40a: {  	vm0 =	vmand vm13, vm0;
	vm13 =	vgt.f32 v40, v53  }
0x40b: {  	vm2 =	vmor vm13, vm0  }
0x40c: {  	v2 =	vsel vm2, $0x1, v62  }
0x40d: {  	(xrf0) =	vadd.scan.msk.s32 $0xffff, v2;
	_ =	sdelay $0x5  }
0x40e: {  	v2, _, _ =	vpop (xrf0)  }
0x40f: {  	(v2sf) =	vpush v2, $0xF  }
0x410: {  	(v2sf) =	vpush v1, $0xF;
	_ =	sdelay $0x5  }
0x411: {  	v3 =	vld [tilespmem:$0x1FC60]  }
0x412: {  	v2 =	vld [tilespmem:$0x1FC50]  }
0x413: {  	v1 =	vld [tilespmem:$0x1FDC0];
	_ =	sdelay $0x2  }
0x414: {  	v60 =	vld [tilespmem:$0x1FC70];
	(xrf0) =	vadd.scan.msk.s32 $0xffff, v16  }
0x415: {  	[tilespmem:$0x280] =	vst v62;
	s15 =	rddreg [dreg:$0x4];
	vm13 =	vnez.u8 v2;
	v2 =	vld [tilespmem:$0x1FDD0]  }
0x416: {  	[tilespmem:s15+$0x0] =	vst.msk vm13, v1;
	vm13 =	vnez.u8 v3;
	v3 =	vld [tilespmem:$0x1FDE0]  }
0x417: {  	s13 =	spop (v2sf)  }
0x418: {  	s16 =	spop (v2sf)  }
0x419: {  	s15 =	sadd.s32 $0x281, s9;
	s14 =	sadd.s32 s16, s14;
	s16 =	rddreg [dreg:$0x7]  }
0x41a: {  	v1, _, _ =	vpop (xrf0);
	[tilespmem:s9+$0x281] =	vst.msk vm13, v2;
	vm13 =	vnez.u8 v60;
	s9 =	sadd.s32 s16, s15  }
0x41b: {  	v2 =	vadd.s32 s14, v1;
	[tilespmem:s9+$0x0] =	vst.msk vm13, v3;
	v3 =	vld [tilespmem:$0x1FC80]  }
0x41c: {  	vm0 =	vle.s32 v2, s8;
	v2 =	vld [tilespmem:$0x1FDF0];
	_ =	sdelay $0x2  }
0x41d: {  	s16 =	rddreg [dreg:$0x8]  }
0x41e: {  	s9 =	sadd.s32 s16, s9;
	vm13 =	vnez.u8 v3  }
0x41f: {  	[tilespmem:s9+$0x0] =	vst.msk vm13, v2;
	v2 =	vld [tilespmem:$0x1FC90]  }
0x420: {  	v3 =	vld [tilespmem:$0x1FCA0];
	_ =	sdelay $0x3  }
0x421: {  	vm13 =	vnez.u8 v2;
	v2 =	vld [tilespmem:$0x1FE00]  }
0x422: {  	vm1 =	vmand vm13, vm0;
	vm13 =	vnez.u8 v3;
	v3 =	vld [tilespmem:$0x1FCB0];
	_ =	sdelay $0x1  }
0x423: {  	s16 =	rddreg [dreg:$0x9]  }
0x424: {  	v61 =	vld [tilespmem:$0x1FCC0];
	s9 =	sadd.s32 s16, s9  }
0x425: {  	[tilespmem:s9+$0x0] =	vst.msk vm13, v2;
	v2 =	vld [tilespmem:$0x1FE10]  }
0x426: {  	vm13 =	vnez.u8 v3;
	v3 =	vld [tilespmem:$0x1FE20];
	_ =	sdelay $0x1  }
0x427: {  	s16 =	rddreg [dreg:$0xa]  }
0x428: {  	s9 =	sadd.s32 s16, s9;
	s16 =	rddreg [dreg:$0xb]  }
0x429: {  	[tilespmem:s9+$0x0] =	vst.msk vm13, v2;
	s9 =	sadd.s32 s16, s9;
	vm13 =	vnez.u8 v61  }
0x42a: {  	[tilespmem:s9+$0x0] =	vst.msk vm13, v3;
	v3 =	vld [tilespmem:$0x1FCD0]  }
0x42b: {  	vm0 =	vgt.f32 v36, v53  }
0x42c: {  	vm0 =	vmor vm0, vm1  }
0x42d: {  	v2 =	vsel vm0, $0x1, v62  }
0x42e: {  	(xrf0) =	vadd.scan.msk.s32 $0xffff, v2;
	v2 =	vld [tilespmem:$0x1FE30]  }
0x42f: {  	vm13 =	vnez.u8 v3;
	v3 =	vld [tilespmem:$0x1FCE0];
	_ =	sdelay $0x1  }
0x430: {  	s16 =	rddreg [dreg:$0xc]  }
0x431: {  	s9 =	sadd.s32 s16, s9  }
0x432: {  	[tilespmem:s9+$0x0] =	vst.msk vm13, v2;
	v2 =	vld [tilespmem:$0x1FE40]  }
0x433: {  	vm13 =	vnez.u8 v3;
	v3 =	vld [tilespmem:$0x1FCF0];
	_ =	sdelay $0x1  }
0x434: {  	s16 =	rddreg [dreg:$0xd]  }
0x435: {  	s9 =	sadd.s32 s16, s9  }
0x436: {  	[tilespmem:s9+$0x0] =	vst.msk vm13, v2;
	v2 =	vld [tilespmem:$0x1FE50]  }
0x437: {  	vm13 =	vnez.u8 v3;
	v3 =	vld [tilespmem:$0x1FD00];
	_ =	sdelay $0x1  }
0x438: {  	s16 =	rddreg [dreg:$0xe]  }
0x439: {  	s9 =	sadd.s32 s16, s9  }
0x43a: {  	[tilespmem:s9+$0x0] =	vst.msk vm13, v2;
	v2 =	vld [tilespmem:$0x1FE60]  }
0x43b: {  	vm13 =	vnez.u8 v3;
	v3 =	vld [tilespmem:$0x1FD10];
	_ =	sdelay $0x2  }
0x43c: {  	s9 =	sadd.s32 s18, s9  }
0x43d: {  	[tilespmem:s9+$0x0] =	vst.msk vm13, v2;
	v2 =	vld [tilespmem:$0x1FE70]  }
0x43e: {  	vm13 =	vnez.u8 v3;
	v3 =	vld [tilespmem:$0x1FD20];
	_ =	sdelay $0x2  }
0x43f: {  	v63 =	vld [tilespmem:$0x1FD30];
	s9 =	sadd.s32 s19, s9  }
0x440: {  	[tilespmem:s9+$0x0] =	vst.msk vm13, v2;
	v2 =	vld [tilespmem:$0x1FE80]  }
0x441: {  	vm13 =	vnez.u8 v3;
	v3 =	vld [tilespmem:$0x1FE90];
	_ =	sdelay $0x2  }
0x442: {  	s9 =	sadd.s32 s20, s9  }
0x443: {  	[tilespmem:s9+$0x0] =	vst.msk vm13, v2;
	s9 =	sadd.s32 s21, s9;
	vm13 =	vnez.u8 v63  }
0x444: {  	v2, _, _ =	vpop (xrf0);
	[tilespmem:s9+$0x0] =	vst.msk vm13, v3;
	v3 =	vld [tilespmem:$0x1FD40]  }
0x445: {  	(v2sf) =	vpush v2, $0xF;
	v2 =	vld [tilespmem:$0x1FEA0];
	_ =	sdelay $0x3  }
0x446: {  	s9 =	sadd.s32 s22, s9;
	vm13 =	vnez.u8 v3  }
0x447: {  	[tilespmem:s9+$0x0] =	vst.msk vm13, v2;
	v2 =	vld [tilespmem:$0x1FD50]  }
0x448: {  	(v2sf) =	vpush v1, $0xF;
	v1 =	vld [tilespmem:$0x1FEB0];
	_ =	sdelay $0x3  }
0x449: {  	s9 =	sadd.s32 s23, s9;
	vm13 =	vnez.u8 v2;
	v2 =	vld [tilespmem:$0x1FD60]  }
0x44a: {  	[tilespmem:s9+$0x0] =	vst.msk vm13, v1;
	v1 =	vld [tilespmem:$0x1FEC0];
	_ =	sdelay $0x3  }
0x44b: {  	s9 =	sadd.s32 s24, s9;
	vm13 =	vnez.u8 v2;
	v2 =	vld [tilespmem:$0x1FD70]  }
0x44c: {  	[tilespmem:s9+$0x0] =	vst.msk vm13, v1;
	v1 =	vld [tilespmem:$0x1FED0];
	_ =	sdelay $0x3  }
0x44d: {  	s9 =	sadd.s32 s25, s9;
	vm13 =	vnez.u8 v2;
	v2 =	vld [tilespmem:$0x1FD80]  }
0x44e: {  	[tilespmem:s9+$0x0] =	vst.msk vm13, v1;
	v1 =	vld [tilespmem:$0x1FEE0];
	_ =	sdelay $0x3  }
0x44f: {  	s9 =	sadd.s32 s26, s9;
	vm13 =	vnez.u8 v2;
	v2 =	vld [tilespmem:$0x1FD90]  }
0x450: {  	[tilespmem:s9+$0x0] =	vst.msk vm13, v1;
	v1 =	vld [tilespmem:$0x1FEF0];
	_ =	sdelay $0x3  }
0x451: {  	s9 =	sadd.s32 s28, s9;
	vm13 =	vnez.u8 v2;
	v2 =	vld [tilespmem:$0x1FDA0]  }
0x452: {  	[tilespmem:s9+$0x0] =	vst.msk vm13, v1;
	v1 =	vld [tilespmem:$0x1FF00];
	_ =	sdelay $0x3  }
0x453: {  	s9 =	sadd.s32 s29, s9;
	vm13 =	vnez.u8 v2  }
0x454: {  	[tilespmem:s9+$0x0] =	vst.msk vm13, v1;
	v1 =	vld [tilespmem:$0x1FF10];
	_ =	sdelay $0x3  }
0x455: {  	s9 =	sadd.s32 s30, s9  }
0x456: {  	[tilespmem:s9+$0x0] =	vst.msk vm12, v1;
	v1 =	vld [tilespmem:$0x1FF20];
	_ =	sdelay $0x3  }
0x457: {  	s9 =	sadd.s32 s31, s9  }
0x458: {  	[tilespmem:s9+$0x0] =	vst.msk vm11, v1;
	v1 =	vld [tilespmem:$0x1FF30];
	_ =	sdelay $0x3  }
0x459: {  	s1 =	sadd.s32 s1, s9  }
0x45a: {  	[tilespmem:s1+$0x0] =	vst.msk vm10, v1;
	v1 =	vld [tilespmem:$0x1FF40];
	_ =	sdelay $0x3  }
0x45b: {  	s0 =	sadd.s32 s0, s1  }
0x45c: {  	[tilespmem:s0+$0x0] =	vst.msk vm14, v1;
	v1 =	vld [tilespmem:$0x1FF50];
	_ =	sdelay $0x3  }
0x45d: {  	s0 =	sadd.s32 s2, s0  }
0x45e: {  	[tilespmem:s0+$0x0] =	vst.msk vm15, v1;
	v1 =	vld [tilespmem:$0x1FF60];
	_ =	sdelay $0x3  }
0x45f: {  	s0 =	sadd.s32 s4, s0  }
0x460: {  	[tilespmem:s0+$0x0] =	vst.msk vm9, v1;
	v1 =	vld [tilespmem:$0x1FF70];
	_ =	sdelay $0x3  }
0x461: {  	s0 =	sadd.s32 s5, s0  }
0x462: {  	[tilespmem:s0+$0x0] =	vst.msk vm8, v1;
	v1 =	vld [tilespmem:$0x1FF80];
	_ =	sdelay $0x3  }
0x463: {  	s0 =	sadd.s32 s6, s0  }
0x464: {  	[tilespmem:s0+$0x0] =	vst.msk vm7, v1;
	v1 =	vld [tilespmem:$0x1FF90];
	_ =	sdelay $0x3  }
0x465: {  	(xrf0) =	vadd.scan.msk.s32 $0xffff, v39;
	s0 =	sadd.s32 s7, s0  }
0x466: {  	[tilespmem:s0+$0x0] =	vst.msk vm6, v1;
	v1 =	vld [tilespmem:$0x1FFA0]  }
0x467: {  	v2 =	vld [tilespmem:$0x1FFB0];
	_ =	sdelay $0x1  }
0x468: {  	s24 =	spop (v2sf)  }
0x469: {  	s25 =	spop (v2sf);
	s0 =	sadd.s32 s3, s0  }
0x46a: {  	s2 =	sadd.s32 s25, s14;
	[tilespmem:s0+$0x0] =	vst.msk vm5, v1;
	s0 =	sadd.s32 s10, s0;
	v1, _, _ =	vpop (xrf0)  }
0x46b: {  	[tilespmem:s0+$0x0] =	vst.msk vm4, v2;
	v1 =	vadd.s32 s2, v1;
	v2 =	vld [tilespmem:$0x1FFC0]  }
0x46c: {  	vm12 =	vle.s32 v1, s8;
	v1 =	vld [tilespmem:$0x1FFD0];
	_ =	sdelay $0x2  }
0x46d: {  	s0 =	sadd.s32 s11, s0  }
0x46e: {  	[tilespmem:s0+$0x0] =	vst.msk vm3, v2;
	s0 =	sadd.s32 s12, s0  }
0x46f: {  	[tilespmem:s0+$0x0] =	vst.msk vm2, v1;
	v1 =	vld [tilespmem:$0x1FDB0];
	_ =	sdelay $0x4  }
0x470: {  	vm13 =	vnez.u8 v1;
	v1 =	vld [tilespmem:$0x1FFE0];
	_ =	sdelay $0x3  }
0x471: {  	s0 =	sadd.s32 s13, s0  }
0x472: {  	[tilespmem:s0+$0x0] =	vst.msk vm0, v1;
	v1 =	vld [tilespmem:$0x1FFF0];
	_ =	sdelay $0x2  }
0x473: {  	p0 =	sne.s32 s17, $0x1;
	s26 =	rddreg [dreg:$0x5];
	vm14 =	vgt.f32 v5, v53;
	vm1 =	vmand vm13, vm12  }
0x474: {  	s28 =	rddreg [dreg:$0x6];
	s29 =	simm.s32 $0x80;
	vm15 =	vmor vm14, vm1;
	s0 =	sadd.s32 s24, s0  }
.Ltmp0:
0x475: {  	s30 =	simm.s32 $0x400;
	s31 =	simm.s32 $0x2;
	[tilespmem:s0+$0x0] =	vst.msk vm15, v1;
	(pc) =	sbr.rel @p0 .LBB2_1-.Ltmp0, $4  }
0x476: {  	[hbm4b:s26+s29] =	stream.strided.scatter [tilespmem:s28], [sflag:$0x2], $0x280, s30, s29, $0x38;
	[tilespmem:$0x500] =	vst v63  }
0x477: {  	_ =	swait.ge [sflag:s31], $0x280  }
0x478: {  	[sflag:s31] =	ssyncset.done $0x0  }
0x479: {  	s17 =	sadd.s32 $0xFFFFFFFF, s17;
	[sflag:s31] =	ssyncadd.s32 $0xFFFFFD80  }
0x47a: {  	_ =	sfence.sel $0x180000  }
0x47b: {  	[bflag:$0x0] =	sbarrier.arrive $0xFFFF  }
0x47c: {  	_ =	strace $0x90000047  }
0x47d: {  	s0 =	stileid.u32;
	[bflag:$0x2] =	sbarrier.arrive $0xFFFF  }
0x47e: {  	p0 =	sne.s32 s0, $0x0;
	s0 =	rddreg [dreg:$0x2]  }
0x47f: {  	s0 =	sadd.s32 @!p0 $0x100000, s0  }
0x480: {  	[sflag:s0] =	ssyncadd.tile.s32 @!p0 $0x1;
	_ =	shalt  }
.Lfunc_end2:
_tile_overlayer_lowered:
.L_overlay_start_2:
0x481: {  	(tag) =	ssettag $0x2  }
0x482: {  	s0 =	rddreg [dreg:$0x0];
	s2 =	stileid.u32  }
0x483: {  	s1 =	rddreg [dreg:$0x1];
	p0 =	sne.s32 s2, $0x0  }
0x484: {  	s3 =	rddreg [dreg:$0x2];
	[bflag:$0x3] =	sbarrier.arrive $0xFFFF;
	s2 =	simm.s32 @!p0 $0x1C02  }
0x485: {  	[timem:s3], [sflag:s2] =	dma.local @!p0 [hbm:s0], s1  }
0x486: {  	s0 =	simm.s32 @!p0 $0x2  }
0x487: {  	_ =	swait.ge @!p0 [sflag:s0], s1  }
0x488: {  	s1 =	ssub.s32 @!p0 $0x0, s1;
	[sflag:s0] =	ssyncset.done @!p0 $0x0  }
0x489: {  	[sflag:s0] =	ssyncadd.s32 @!p0 s1  }
0x48a: {  	[bflag:$0x3] =	sbarrier.arrive $0xFFFF  }
0x48b: {  	_ =	shalt  }

</sc_bundles>
